<compile_context>
chip_gen: v7x
topology: tpu7x:2x2x1
jax: 0.10.2.dev20260603
libtpu: 0.0.44.dev20260713+nightly
codegen_flags: <defaults>
</compile_context>

<pallas_src>
import jax
import jax.numpy as jnp
from jax import lax
from jax.experimental import pallas as pl
from jax.experimental.pallas import tpu as pltpu
from jax.experimental.pallas import tpu_sc as plsc

NUM_CLASSES = 1000
FEAT_DIM = 128
BATCH = 16384
CURVATURE = 1.0

_NC = 2
_NS = 16
_NW = _NC * _NS
_BPW = BATCH // _NW
_CH = 128
_NCH = _BPW // _CH
_L = 16
_RU = 4
_QR = FEAT_DIM // _L
_PCH = _CH * _L


def _sc_fused_body(feat_hbm, centers_hbm, label_hbm,
                   out_hbm,
                   idx_v, fbuf0, fbuf1, cbuf0, cbuf1,
                   dot_v, x2_v, y2_v,
                   semf0, semf1, semc0, semc1, semo):
    wid = lax.axis_index("s") * _NC + lax.axis_index("c")

    fbufs = (fbuf0, fbuf1)
    cbufs = (cbuf0, cbuf1)
    semfs = (semf0, semf1)
    semcs = (semc0, semc1)

    def issue_feat(j):
        p = j & 1
        return pltpu.async_copy(feat_hbm.at[wid, j], fbufs[p], semfs[p])

    def issue_gather(j):
        p = j & 1
        return pltpu.async_copy(centers_hbm.at[idx_v.at[j]], cbufs[p],
                                semcs[p])

    lcopy = pltpu.async_copy(label_hbm.at[wid], idx_v, semo)
    fcopies = {0: issue_feat(0), 1: issue_feat(1)}
    lcopy.wait()
    gcopies = {0: issue_gather(0), 1: issue_gather(1)}


    def writeback(j):
        sl = pl.ds(j * _PCH, _PCH)
        row = wid * _NCH + j
        return [pltpu.async_copy(dot_v.at[sl], out_hbm.at[row], semo),
                pltpu.async_copy(x2_v.at[sl], out_hbm.at[128 + row], semo),
                pltpu.async_copy(y2_v.at[sl], out_hbm.at[256 + row], semo)]

    outcopies = []
    for j in range(_NCH):
        fcopies.pop(j).wait()
        gcopies.pop(j).wait()
        p = j & 1
        fb = fbufs[p]
        cb = cbufs[p]

        @plsc.parallel_loop(0, _CH, unroll=_RU)
        def _row_loop(r, fb=fb, cb=cb, j=j):
            dot0 = jnp.zeros((_L,), jnp.float32)
            dot1 = jnp.zeros((_L,), jnp.float32)
            x20 = jnp.zeros((_L,), jnp.float32)
            x21 = jnp.zeros((_L,), jnp.float32)
            y20 = jnp.zeros((_L,), jnp.float32)
            y21 = jnp.zeros((_L,), jnp.float32)
            for q in range(_QR):
                f = fb[r, pl.ds(q * _L, _L)]
                c = cb[r, pl.ds(q * _L, _L)]
                if q & 1:
                    dot1 = dot1 + f * c
                    x21 = x21 + f * f
                    y21 = y21 + c * c
                else:
                    dot0 = dot0 + f * c
                    x20 = x20 + f * f
                    y20 = y20 + c * c
            off = (j * _CH + r) * _L
            dot_v[pl.ds(off, _L)] = dot0 + dot1
            x2_v[pl.ds(off, _L)] = x20 + x21
            y2_v[pl.ds(off, _L)] = y20 + y21

        if j + 2 < _NCH:
            fcopies[j + 2] = issue_feat(j + 2)
            gcopies[j + 2] = issue_gather(j + 2)
        if j > 0:
            outcopies += writeback(j - 1)
    outcopies += writeback(_NCH - 1)
    for c in outcopies:
        c.wait()


def _sc_fused(feat4, centers, label3):
    mesh = plsc.VectorSubcoreMesh(core_axis_name="c", subcore_axis_name="s")
    out = jax.ShapeDtypeStruct((3 * _NW * _NCH, _PCH), jnp.float32)
    fn = pl.kernel(
        _sc_fused_body,
        out_type=out,
        mesh=mesh,
        scratch_types=[
            pltpu.VMEM((_NCH, _CH), jnp.int32),
            pltpu.VMEM((_CH, FEAT_DIM), jnp.float32),
            pltpu.VMEM((_CH, FEAT_DIM), jnp.float32),
            pltpu.VMEM((_CH, FEAT_DIM), jnp.float32),
            pltpu.VMEM((_CH, FEAT_DIM), jnp.float32),
            pltpu.VMEM((_BPW * _L,), jnp.float32),
            pltpu.VMEM((_BPW * _L,), jnp.float32),
            pltpu.VMEM((_BPW * _L,), jnp.float32),
            pltpu.SemaphoreType.DMA,
            pltpu.SemaphoreType.DMA,
            pltpu.SemaphoreType.DMA,
            pltpu.SemaphoreType.DMA,
            pltpu.SemaphoreType.DMA,
        ],
    )
    return fn(feat4, centers, label3)


_RK = BATCH * _L // 128


def _tc_finish_body(p_ref, out_ref):
    ii = lax.broadcasted_iota(jnp.int32, (_RK, 128), 0)
    jj = lax.broadcasted_iota(jnp.int32, (_RK, 128), 1)
    bsel = (ii // _L == jj).astype(jnp.float32)
    red = jnp.dot(p_ref[...], bsel, preferred_element_type=jnp.float32)
    dot = red[0:128, :]
    x2 = red[128:256, :]
    y2 = red[256:384, :]
    c = jnp.float32(CURVATURE)
    denom = 1.0 + c * x2 * y2 - 2.0 * c * dot + 1e-08
    a = 1.0 + c * y2
    b = 1.0 - c * x2
    num2 = a * a * x2 + b * b * y2 - 2.0 * a * b * dot
    num2 = jnp.maximum(num2, 0.0)
    sqrt_c = jnp.sqrt(c)
    norm = jnp.sqrt(num2) / denom
    z = jnp.clip(sqrt_c * norm, 1e-08, 1.0 - 1e-05)
    dist = (1.0 / sqrt_c) * jnp.log((1.0 + z) / (1.0 - z))
    out_ref[0, 0] = jnp.sum(dist) * jnp.float32(1.0 / BATCH)


def _tc_finish(p2):
    return pl.pallas_call(
        _tc_finish_body,
        out_specs=pl.BlockSpec(memory_space=pltpu.SMEM),
        out_shape=jax.ShapeDtypeStruct((1, 1), jnp.float32),
    )(p2)


def kernel(label, feat, centers):
    label3 = label.astype(jnp.int32).reshape(_NW, _NCH, _CH)
    feat4 = feat.reshape(_NW, _NCH, _CH, FEAT_DIM)
    parts = _sc_fused(feat4, centers, label3)
    loss = _tc_finish(parts)
    return loss[0, 0]

# --- scband reference (transcript-rebuilt; emitter-appended) ---
"""Pipeline reference for scband-hyperbolic-center-loss-60404420051475 (READ-ONLY COPY).

The authoritative reference and input builder live on the scoring server;
editing this copy changes nothing except your own understanding.
"""

import jax, jax.numpy as jnp
import numpy as np

NUM_CLASSES = 1000
FEAT_DIM = 128
BATCH = 16384
CURVATURE = 1.0
SIZE_AVERAGE = True


def _mobius_add(x, y, c=1.0):
    x2 = jnp.sum(x ** 2, axis=-1, keepdims=True)
    y2 = jnp.sum(y ** 2, axis=-1, keepdims=True)
    xy = jnp.sum(x * y, axis=-1, keepdims=True)
    cxy = 2 * c * xy
    denom = 1 + c * x2 * y2 + cxy + 1e-08
    return ((1 + c * y2) * x + (1 - c * x2) * y) / denom


def _hyperbolic_distance(p1, p2, c=1.0):
    sqrt_c = jnp.sqrt(jnp.asarray(c, dtype=p1.dtype))
    mobius_diff = _mobius_add(-p1, p2, c)
    norm = jnp.linalg.norm(mobius_diff, axis=-1)
    dist = 2.0 / sqrt_c * jnp.arctanh(jnp.clip(sqrt_c * norm, 1e-08, 1.0 - 1e-05))
    return dist


def setup_inputs(seed: int = 0) -> dict:
    key = jax.random.key(seed)
    k1, k2, k3 = jax.random.split(key, 3)
    label = jax.random.randint(k1, (BATCH,), 0, NUM_CLASSES, dtype=jnp.int64 if jax.config.jax_enable_x64 else jnp.int32)
    feat = jax.random.normal(k2, (BATCH, FEAT_DIM), dtype=jnp.float32)
    centers = jax.random.normal(k3, (NUM_CLASSES, FEAT_DIM), dtype=jnp.float32)
    return {"label": label, "feat": feat, "centers": centers}


def reference(label, feat, centers):
    batch_size = feat.shape[0]
    feat = feat.reshape(batch_size, -1)
    centers_batch = jnp.take(centers, label, axis=0)
    dists = _hyperbolic_distance(feat, centers_batch, c=CURVATURE)
    denom = batch_size if SIZE_AVERAGE else 1
    loss = jnp.sum(dists) / denom
    return loss

if __name__ == "__main__":
    import jax
    _d = setup_inputs()
    print(jax.jit(kernel)(*tuple(_d.values())))

</pallas_src>

<mosaic_0001>
#map = affine_map<(d0, d1) -> (0, 0, 0, 0)>
#map1 = affine_map<(d0, d1) -> (0, 0)>
#map2 = affine_map<(d0, d1) -> (0, 0, 0)>
module attributes {stable_mosaic.version = 14 : i64} {
  func.func @_sc_fused_body(%arg0: i32, %arg1: i32, %arg2: memref<32x4x128x128xf32, #tpu.memory_space<hbm>>, %arg3: memref<1000x128xf32, #tpu.memory_space<hbm>>, %arg4: memref<32x4x128xi32, #tpu.memory_space<hbm>>, %arg5: memref<384x2048xf32, #tpu.memory_space<hbm>>, %arg6: memref<4x128xi32, #tpu.memory_space<vmem>>, %arg7: memref<128x128xf32, #tpu.memory_space<vmem>>, %arg8: memref<128x128xf32, #tpu.memory_space<vmem>>, %arg9: memref<128x128xf32, #tpu.memory_space<vmem>>, %arg10: memref<128x128xf32, #tpu.memory_space<vmem>>, %arg11: memref<8192xf32, #tpu.memory_space<vmem>>, %arg12: memref<8192xf32, #tpu.memory_space<vmem>>, %arg13: memref<8192xf32, #tpu.memory_space<vmem>>, %arg14: memref<!tpu.dma_semaphore, #tpu.memory_space<semaphore_mem>>, %arg15: memref<!tpu.dma_semaphore, #tpu.memory_space<semaphore_mem>>, %arg16: memref<!tpu.dma_semaphore, #tpu.memory_space<semaphore_mem>>, %arg17: memref<!tpu.dma_semaphore, #tpu.memory_space<semaphore_mem>>, %arg18: memref<!tpu.dma_semaphore, #tpu.memory_space<semaphore_mem>>) attributes {dimension_semantics = [#tpu.dimension_semantics<core_parallel>, #tpu.dimension_semantics<subcore_parallel>], iteration_bounds = array<i64: 2, 16>, scalar_prefetch = 0 : i64, scratch_operands = 13 : i64, tpu.core_type = #tpu.core_type<sc_vector_subcore>, window_params = [{transform_indices = #map}, {transform_indices = #map1}, {transform_indices = #map2}, {transform_indices = #map1}]} {
    %mul3A = arith.constant 2 : i32
    %mul3A_0 = arith.muli %arg1, %mul3A : i32
    %add3A = arith.addi %mul3A_0, %arg0 : i32
    %dma_start3A = arith.constant 0 : i32
    %dma_start3A_1 = arith.constant 0 : i32
    %dma_start3A_2 = tpu.memref_slice %arg4[%add3A, %dma_start3A, %dma_start3A_1] : memref<32x4x128xi32, #tpu.memory_space<hbm>> -> memref<1x4x128xi32, #tpu.memory_space<hbm>>
    %dma_start3A_3 = tpu.memref_squeeze %dma_start3A_2 : memref<1x4x128xi32, #tpu.memory_space<hbm>> -> memref<4x128xi32, #tpu.memory_space<hbm>>
    %dma_start3A_4 = arith.constant 0 : i32
    %dma_start3A_5 = arith.constant 0 : i32
    %dma_start3A_6 = tpu.memref_slice %arg4[%add3A, %dma_start3A_4, %dma_start3A_5] : memref<32x4x128xi32, #tpu.memory_space<hbm>> -> memref<1x4x128xi32, #tpu.memory_space<hbm>>
    %dma_start3A_7 = tpu.memref_squeeze %dma_start3A_6 : memref<1x4x128xi32, #tpu.memory_space<hbm>> -> memref<4x128xi32, #tpu.memory_space<hbm>>
    tpu.enqueue_dma source(%dma_start3A_7 : memref<4x128xi32, #tpu.memory_space<hbm>>) target(%arg6 : memref<4x128xi32, #tpu.memory_space<vmem>>) target_semaphore(%arg18 : memref<!tpu.dma_semaphore, #tpu.memory_space<semaphore_mem>>)
    %dma_start3A_8 = arith.constant 0 : i32
    %dma_start3A_9 = arith.constant 0 : i32
    %dma_start3A_10 = arith.constant 0 : i32
    %dma_start3A_11 = tpu.memref_slice %arg2[%add3A, %dma_start3A_8, %dma_start3A_9, %dma_start3A_10] : memref<32x4x128x128xf32, #tpu.memory_space<hbm>> -> memref<1x1x128x128xf32, #tpu.memory_space<hbm>>
    %dma_start3A_12 = tpu.memref_squeeze %dma_start3A_11 : memref<1x1x128x128xf32, #tpu.memory_space<hbm>> -> memref<128x128xf32, #tpu.memory_space<hbm>>
    %dma_start3A_13 = arith.constant 0 : i32
    %dma_start3A_14 = arith.constant 0 : i32
    %dma_start3A_15 = tpu.memref_slice %arg2[%add3A, %dma_start3A_8, %dma_start3A_13, %dma_start3A_14] : memref<32x4x128x128xf32, #tpu.memory_space<hbm>> -> memref<1x1x128x128xf32, #tpu.memory_space<hbm>>
    %dma_start3A_16 = tpu.memref_squeeze %dma_start3A_15 : memref<1x1x128x128xf32, #tpu.memory_space<hbm>> -> memref<128x128xf32, #tpu.memory_space<hbm>>
    tpu.enqueue_dma source(%dma_start3A_16 : memref<128x128xf32, #tpu.memory_space<hbm>>) target(%arg7 : memref<128x128xf32, #tpu.memory_space<vmem>>) target_semaphore(%arg14 : memref<!tpu.dma_semaphore, #tpu.memory_space<semaphore_mem>>)
    %dma_start3A_17 = arith.constant 1 : i32
    %dma_start3A_18 = arith.constant 0 : i32
    %dma_start3A_19 = arith.constant 0 : i32
    %dma_start3A_20 = tpu.memref_slice %arg2[%add3A, %dma_start3A_17, %dma_start3A_18, %dma_start3A_19] : memref<32x4x128x128xf32, #tpu.memory_space<hbm>> -> memref<1x1x128x128xf32, #tpu.memory_space<hbm>>
    %dma_start3A_21 = tpu.memref_squeeze %dma_start3A_20 : memref<1x1x128x128xf32, #tpu.memory_space<hbm>> -> memref<128x128xf32, #tpu.memory_space<hbm>>
    %dma_start3A_22 = arith.constant 0 : i32
    %dma_start3A_23 = arith.constant 0 : i32
    %dma_start3A_24 = tpu.memref_slice %arg2[%add3A, %dma_start3A_17, %dma_start3A_22, %dma_start3A_23] : memref<32x4x128x128xf32, #tpu.memory_space<hbm>> -> memref<1x1x128x128xf32, #tpu.memory_space<hbm>>
    %dma_start3A_25 = tpu.memref_squeeze %dma_start3A_24 : memref<1x1x128x128xf32, #tpu.memory_space<hbm>> -> memref<128x128xf32, #tpu.memory_space<hbm>>
    tpu.enqueue_dma source(%dma_start3A_25 : memref<128x128xf32, #tpu.memory_space<hbm>>) target(%arg8 : memref<128x128xf32, #tpu.memory_space<vmem>>) target_semaphore(%arg15 : memref<!tpu.dma_semaphore, #tpu.memory_space<semaphore_mem>>)
    %dma_wait3A = arith.constant 0 : i32
    %dma_wait3A_26 = arith.constant 0 : i32
    %dma_wait3A_27 = tpu.memref_slice %arg4[%add3A, %dma_wait3A, %dma_wait3A_26] : memref<32x4x128xi32, #tpu.memory_space<hbm>> -> memref<1x4x128xi32, #tpu.memory_space<hbm>>
    %dma_wait3A_28 = tpu.memref_squeeze %dma_wait3A_27 : memref<1x4x128xi32, #tpu.memory_space<hbm>> -> memref<4x128xi32, #tpu.memory_space<hbm>>
    %dma_wait3A_29 = arith.constant 0 : i32
    %dma_wait3A_30 = arith.constant 0 : i32
    %dma_wait3A_31 = tpu.memref_slice %arg4[%add3A, %dma_wait3A_29, %dma_wait3A_30] : memref<32x4x128xi32, #tpu.memory_space<hbm>> -> memref<1x4x128xi32, #tpu.memory_space<hbm>>
    %dma_wait3A_32 = tpu.memref_squeeze %dma_wait3A_31 : memref<1x4x128xi32, #tpu.memory_space<hbm>> -> memref<4x128xi32, #tpu.memory_space<hbm>>
    tpu.wait_dma2 semaphore(%arg18 : memref<!tpu.dma_semaphore, #tpu.memory_space<semaphore_mem>>) src(%dma_wait3A_32 : memref<4x128xi32, #tpu.memory_space<hbm>>) dst(%arg6 : memref<4x128xi32, #tpu.memory_space<vmem>>)
    %dma_start3A_33 = arith.constant 0 : i32
    %dma_start3A_34 = arith.constant 0 : i32
    %dma_start3A_35 = tpu.memref_slice %arg6[%dma_start3A_33, %dma_start3A_34] : memref<4x128xi32, #tpu.memory_space<vmem>> -> memref<1x128xi32, #tpu.memory_space<vmem>>
    %dma_start3A_36 = tpu.memref_squeeze %dma_start3A_35 : memref<1x128xi32, #tpu.memory_space<vmem>> -> memref<128xi32, #tpu.memory_space<vmem>>
    %dma_start3A_37 = arith.constant 0 : i32
    %dma_start3A_38 = arith.constant 0 : i32
    %dma_start3A_39 = tpu.memref_slice %arg3[%dma_start3A_37, %dma_start3A_38] : memref<1000x128xf32, #tpu.memory_space<hbm>> -> memref<1000x128xf32, #tpu.memory_space<hbm>>
    tpu.enqueue_indirect_dma source(%dma_start3A_39 : memref<1000x128xf32, #tpu.memory_space<hbm>>) target(%arg9 : memref<128x128xf32, #tpu.memory_space<vmem>>) offsets(%dma_start3A_36 : memref<128xi32, #tpu.memory_space<vmem>>) semaphore(%arg16 : memref<!tpu.dma_semaphore, #tpu.memory_space<semaphore_mem>>)
    %dma_start3A_40 = arith.constant 1 : i32
    %dma_start3A_41 = arith.constant 0 : i32
    %dma_start3A_42 = tpu.memref_slice %arg6[%dma_start3A_40, %dma_start3A_41] : memref<4x128xi32, #tpu.memory_space<vmem>> -> memref<1x128xi32, #tpu.memory_space<vmem>>
    %dma_start3A_43 = tpu.memref_squeeze %dma_start3A_42 : memref<1x128xi32, #tpu.memory_space<vmem>> -> memref<128xi32, #tpu.memory_space<vmem>>
    %dma_start3A_44 = arith.constant 0 : i32
    %dma_start3A_45 = arith.constant 0 : i32
    %dma_start3A_46 = tpu.memref_slice %arg3[%dma_start3A_44, %dma_start3A_45] : memref<1000x128xf32, #tpu.memory_space<hbm>> -> memref<1000x128xf32, #tpu.memory_space<hbm>>
    tpu.enqueue_indirect_dma source(%dma_start3A_46 : memref<1000x128xf32, #tpu.memory_space<hbm>>) target(%arg10 : memref<128x128xf32, #tpu.memory_space<vmem>>) offsets(%dma_start3A_43 : memref<128xi32, #tpu.memory_space<vmem>>) semaphore(%arg17 : memref<!tpu.dma_semaphore, #tpu.memory_space<semaphore_mem>>)
    %dma_wait3A_47 = arith.constant 0 : i32
    %dma_wait3A_48 = arith.constant 0 : i32
    %dma_wait3A_49 = arith.constant 0 : i32
    %dma_wait3A_50 = tpu.memref_slice %arg2[%add3A, %dma_wait3A_47, %dma_wait3A_48, %dma_wait3A_49] : memref<32x4x128x128xf32, #tpu.memory_space<hbm>> -> memref<1x1x128x128xf32, #tpu.memory_space<hbm>>
    %dma_wait3A_51 = tpu.memref_squeeze %dma_wait3A_50 : memref<1x1x128x128xf32, #tpu.memory_space<hbm>> -> memref<128x128xf32, #tpu.memory_space<hbm>>
    %dma_wait3A_52 = arith.constant 0 : i32
    %dma_wait3A_53 = arith.constant 0 : i32
    %dma_wait3A_54 = tpu.memref_slice %arg2[%add3A, %dma_wait3A_47, %dma_wait3A_52, %dma_wait3A_53] : memref<32x4x128x128xf32, #tpu.memory_space<hbm>> -> memref<1x1x128x128xf32, #tpu.memory_space<hbm>>
    %dma_wait3A_55 = tpu.memref_squeeze %dma_wait3A_54 : memref<1x1x128x128xf32, #tpu.memory_space<hbm>> -> memref<128x128xf32, #tpu.memory_space<hbm>>
    tpu.wait_dma2 semaphore(%arg14 : memref<!tpu.dma_semaphore, #tpu.memory_space<semaphore_mem>>) src(%dma_wait3A_55 : memref<128x128xf32, #tpu.memory_space<hbm>>) dst(%arg7 : memref<128x128xf32, #tpu.memory_space<vmem>>)
    %dma_wait3A_56 = arith.constant 0 : i32
    %dma_wait3A_57 = arith.constant 0 : i32
    %dma_wait3A_58 = tpu.memref_slice %arg6[%dma_wait3A_56, %dma_wait3A_57] : memref<4x128xi32, #tpu.memory_space<vmem>> -> memref<1x128xi32, #tpu.memory_space<vmem>>
    %dma_wait3A_59 = tpu.memref_squeeze %dma_wait3A_58 : memref<1x128xi32, #tpu.memory_space<vmem>> -> memref<128xi32, #tpu.memory_space<vmem>>
    %dma_wait3A_60 = arith.constant 0 : i32
    %dma_wait3A_61 = arith.constant 0 : i32
    %dma_wait3A_62 = tpu.memref_slice %arg3[%dma_wait3A_60, %dma_wait3A_61] : memref<1000x128xf32, #tpu.memory_space<hbm>> -> memref<1000x128xf32, #tpu.memory_space<hbm>>
    tpu.wait_indirect_dma semaphore(%arg16 : memref<!tpu.dma_semaphore, #tpu.memory_space<semaphore_mem>>) src(%dma_wait3A_62 : memref<1000x128xf32, #tpu.memory_space<hbm>>) dst(%arg9 : memref<128x128xf32, #tpu.memory_space<vmem>>)
    %parallel_loop3A = arith.constant 0 : i32
    %parallel_loop3A_63 = arith.constant 128 : i32
    %parallel_loop3A_64 = arith.constant 1 : i32
    scf.for %parallel_loop3A_426 = %parallel_loop3A to %parallel_loop3A_63 step %parallel_loop3A_64  : i32 {
      %parallel_loop3A_427 = arith.constant 0.000000e+00 : f32
      %parallel_loop3A_428 = vector.broadcast %parallel_loop3A_427 : f32 to vector<16xf32>
      %parallel_loop3A_429 = arith.constant 0.000000e+00 : f32
      %parallel_loop3A_430 = vector.broadcast %parallel_loop3A_429 : f32 to vector<16xf32>
      %parallel_loop3A_431 = arith.constant 0.000000e+00 : f32
      %parallel_loop3A_432 = vector.broadcast %parallel_loop3A_431 : f32 to vector<16xf32>
      %parallel_loop3A_433 = arith.constant 0.000000e+00 : f32
      %parallel_loop3A_434 = vector.broadcast %parallel_loop3A_433 : f32 to vector<16xf32>
      %parallel_loop3A_435 = arith.constant 0.000000e+00 : f32
      %parallel_loop3A_436 = vector.broadcast %parallel_loop3A_435 : f32 to vector<16xf32>
      %parallel_loop3A_437 = arith.constant 0.000000e+00 : f32
      %parallel_loop3A_438 = vector.broadcast %parallel_loop3A_437 : f32 to vector<16xf32>
      %parallel_loop3A_439 = arith.index_cast %parallel_loop3A_426 : i32 to index
      %parallel_loop3A_440 = arith.constant 0 : index
      %parallel_loop3A_441 = tpu.vector_load %arg7[%parallel_loop3A_439, %parallel_loop3A_440] {strides = array<i32>} : memref<128x128xf32, #tpu.memory_space<vmem>>, vector<1x16xf32>,
      %parallel_loop3A_442 = vector.shape_cast %parallel_loop3A_441 : vector<1x16xf32> to vector<16xf32>
      %parallel_loop3A_443 = arith.index_cast %parallel_loop3A_426 : i32 to index
      %parallel_loop3A_444 = arith.constant 0 : index
      %parallel_loop3A_445 = tpu.vector_load %arg9[%parallel_loop3A_443, %parallel_loop3A_444] {strides = array<i32>} : memref<128x128xf32, #tpu.memory_space<vmem>>, vector<1x16xf32>,
      %parallel_loop3A_446 = vector.shape_cast %parallel_loop3A_445 : vector<1x16xf32> to vector<16xf32>
      %parallel_loop3A_447 = arith.mulf %parallel_loop3A_442, %parallel_loop3A_446 : vector<16xf32>
      %parallel_loop3A_448 = arith.addf %parallel_loop3A_428, %parallel_loop3A_447 : vector<16xf32>
      %parallel_loop3A_449 = arith.mulf %parallel_loop3A_442, %parallel_loop3A_442 : vector<16xf32>
      %parallel_loop3A_450 = arith.addf %parallel_loop3A_432, %parallel_loop3A_449 : vector<16xf32>
      %parallel_loop3A_451 = arith.mulf %parallel_loop3A_446, %parallel_loop3A_446 : vector<16xf32>
      %parallel_loop3A_452 = arith.addf %parallel_loop3A_436, %parallel_loop3A_451 : vector<16xf32>
      %parallel_loop3A_453 = arith.index_cast %parallel_loop3A_426 : i32 to index
      %parallel_loop3A_454 = arith.constant 16 : index
      %parallel_loop3A_455 = tpu.vector_load %arg7[%parallel_loop3A_453, %parallel_loop3A_454] {strides = array<i32>} : memref<128x128xf32, #tpu.memory_space<vmem>>, vector<1x16xf32>,
      %parallel_loop3A_456 = vector.shape_cast %parallel_loop3A_455 : vector<1x16xf32> to vector<16xf32>
      %parallel_loop3A_457 = arith.index_cast %parallel_loop3A_426 : i32 to index
      %parallel_loop3A_458 = arith.constant 16 : index
      %parallel_loop3A_459 = tpu.vector_load %arg9[%parallel_loop3A_457, %parallel_loop3A_458] {strides = array<i32>} : memref<128x128xf32, #tpu.memory_space<vmem>>, vector<1x16xf32>,
      %parallel_loop3A_460 = vector.shape_cast %parallel_loop3A_459 : vector<1x16xf32> to vector<16xf32>
      %parallel_loop3A_461 = arith.mulf %parallel_loop3A_456, %parallel_loop3A_460 : vector<16xf32>
      %parallel_loop3A_462 = arith.addf %parallel_loop3A_430, %parallel_loop3A_461 : vector<16xf32>
      %parallel_loop3A_463 = arith.mulf %parallel_loop3A_456, %parallel_loop3A_456 : vector<16xf32>
      %parallel_loop3A_464 = arith.addf %parallel_loop3A_434, %parallel_loop3A_463 : vector<16xf32>
      %parallel_loop3A_465 = arith.mulf %parallel_loop3A_460, %parallel_loop3A_460 : vector<16xf32>
      %parallel_loop3A_466 = arith.addf %parallel_loop3A_438, %parallel_loop3A_465 : vector<16xf32>
      %parallel_loop3A_467 = arith.index_cast %parallel_loop3A_426 : i32 to index
      %parallel_loop3A_468 = arith.constant 32 : index
      %parallel_loop3A_469 = tpu.vector_load %arg7[%parallel_loop3A_467, %parallel_loop3A_468] {strides = array<i32>} : memref<128x128xf32, #tpu.memory_space<vmem>>, vector<1x16xf32>,
      %parallel_loop3A_470 = vector.shape_cast %parallel_loop3A_469 : vector<1x16xf32> to vector<16xf32>
      %parallel_loop3A_471 = arith.index_cast %parallel_loop3A_426 : i32 to index
      %parallel_loop3A_472 = arith.constant 32 : index
      %parallel_loop3A_473 = tpu.vector_load %arg9[%parallel_loop3A_471, %parallel_loop3A_472] {strides = array<i32>} : memref<128x128xf32, #tpu.memory_space<vmem>>, vector<1x16xf32>,
      %parallel_loop3A_474 = vector.shape_cast %parallel_loop3A_473 : vector<1x16xf32> to vector<16xf32>
      %parallel_loop3A_475 = arith.mulf %parallel_loop3A_470, %parallel_loop3A_474 : vector<16xf32>
      %parallel_loop3A_476 = arith.addf %parallel_loop3A_448, %parallel_loop3A_475 : vector<16xf32>
      %parallel_loop3A_477 = arith.mulf %parallel_loop3A_470, %parallel_loop3A_470 : vector<16xf32>
      %parallel_loop3A_478 = arith.addf %parallel_loop3A_450, %parallel_loop3A_477 : vector<16xf32>
      %parallel_loop3A_479 = arith.mulf %parallel_loop3A_474, %parallel_loop3A_474 : vector<16xf32>
      %parallel_loop3A_480 = arith.addf %parallel_loop3A_452, %parallel_loop3A_479 : vector<16xf32>
      %parallel_loop3A_481 = arith.index_cast %parallel_loop3A_426 : i32 to index
      %parallel_loop3A_482 = arith.constant 48 : index
      %parallel_loop3A_483 = tpu.vector_load %arg7[%parallel_loop3A_481, %parallel_loop3A_482] {strides = array<i32>} : memref<128x128xf32, #tpu.memory_space<vmem>>, vector<1x16xf32>,
      %parallel_loop3A_484 = vector.shape_cast %parallel_loop3A_483 : vector<1x16xf32> to vector<16xf32>
      %parallel_loop3A_485 = arith.index_cast %parallel_loop3A_426 : i32 to index
      %parallel_loop3A_486 = arith.constant 48 : index
      %parallel_loop3A_487 = tpu.vector_load %arg9[%parallel_loop3A_485, %parallel_loop3A_486] {strides = array<i32>} : memref<128x128xf32, #tpu.memory_space<vmem>>, vector<1x16xf32>,
      %parallel_loop3A_488 = vector.shape_cast %parallel_loop3A_487 : vector<1x16xf32> to vector<16xf32>
      %parallel_loop3A_489 = arith.mulf %parallel_loop3A_484, %parallel_loop3A_488 : vector<16xf32>
      %parallel_loop3A_490 = arith.addf %parallel_loop3A_462, %parallel_loop3A_489 : vector<16xf32>
      %parallel_loop3A_491 = arith.mulf %parallel_loop3A_484, %parallel_loop3A_484 : vector<16xf32>
      %parallel_loop3A_492 = arith.addf %parallel_loop3A_464, %parallel_loop3A_491 : vector<16xf32>
      %parallel_loop3A_493 = arith.mulf %parallel_loop3A_488, %parallel_loop3A_488 : vector<16xf32>
      %parallel_loop3A_494 = arith.addf %parallel_loop3A_466, %parallel_loop3A_493 : vector<16xf32>
      %parallel_loop3A_495 = arith.index_cast %parallel_loop3A_426 : i32 to index
      %parallel_loop3A_496 = arith.constant 64 : index
      %parallel_loop3A_497 = tpu.vector_load %arg7[%parallel_loop3A_495, %parallel_loop3A_496] {strides = array<i32>} : memref<128x128xf32, #tpu.memory_space<vmem>>, vector<1x16xf32>,
      %parallel_loop3A_498 = vector.shape_cast %parallel_loop3A_497 : vector<1x16xf32> to vector<16xf32>
      %parallel_loop3A_499 = arith.index_cast %parallel_loop3A_426 : i32 to index
      %parallel_loop3A_500 = arith.constant 64 : index
      %parallel_loop3A_501 = tpu.vector_load %arg9[%parallel_loop3A_499, %parallel_loop3A_500] {strides = array<i32>} : memref<128x128xf32, #tpu.memory_space<vmem>>, vector<1x16xf32>,
      %parallel_loop3A_502 = vector.shape_cast %parallel_loop3A_501 : vector<1x16xf32> to vector<16xf32>
      %parallel_loop3A_503 = arith.mulf %parallel_loop3A_498, %parallel_loop3A_502 : vector<16xf32>
      %parallel_loop3A_504 = arith.addf %parallel_loop3A_476, %parallel_loop3A_503 : vector<16xf32>
      %parallel_loop3A_505 = arith.mulf %parallel_loop3A_498, %parallel_loop3A_498 : vector<16xf32>
      %parallel_loop3A_506 = arith.addf %parallel_loop3A_478, %parallel_loop3A_505 : vector<16xf32>
      %parallel_loop3A_507 = arith.mulf %parallel_loop3A_502, %parallel_loop3A_502 : vector<16xf32>
      %parallel_loop3A_508 = arith.addf %parallel_loop3A_480, %parallel_loop3A_507 : vector<16xf32>
      %parallel_loop3A_509 = arith.index_cast %parallel_loop3A_426 : i32 to index
      %parallel_loop3A_510 = arith.constant 80 : index
      %parallel_loop3A_511 = tpu.vector_load %arg7[%parallel_loop3A_509, %parallel_loop3A_510] {strides = array<i32>} : memref<128x128xf32, #tpu.memory_space<vmem>>, vector<1x16xf32>,
      %parallel_loop3A_512 = vector.shape_cast %parallel_loop3A_511 : vector<1x16xf32> to vector<16xf32>
      %parallel_loop3A_513 = arith.index_cast %parallel_loop3A_426 : i32 to index
      %parallel_loop3A_514 = arith.constant 80 : index
      %parallel_loop3A_515 = tpu.vector_load %arg9[%parallel_loop3A_513, %parallel_loop3A_514] {strides = array<i32>} : memref<128x128xf32, #tpu.memory_space<vmem>>, vector<1x16xf32>,
      %parallel_loop3A_516 = vector.shape_cast %parallel_loop3A_515 : vector<1x16xf32> to vector<16xf32>
      %parallel_loop3A_517 = arith.mulf %parallel_loop3A_512, %parallel_loop3A_516 : vector<16xf32>
      %parallel_loop3A_518 = arith.addf %parallel_loop3A_490, %parallel_loop3A_517 : vector<16xf32>
      %parallel_loop3A_519 = arith.mulf %parallel_loop3A_512, %parallel_loop3A_512 : vector<16xf32>
      %parallel_loop3A_520 = arith.addf %parallel_loop3A_492, %parallel_loop3A_519 : vector<16xf32>
      %parallel_loop3A_521 = arith.mulf %parallel_loop3A_516, %parallel_loop3A_516 : vector<16xf32>
      %parallel_loop3A_522 = arith.addf %parallel_loop3A_494, %parallel_loop3A_521 : vector<16xf32>
      %parallel_loop3A_523 = arith.index_cast %parallel_loop3A_426 : i32 to index
      %parallel_loop3A_524 = arith.constant 96 : index
      %parallel_loop3A_525 = tpu.vector_load %arg7[%parallel_loop3A_523, %parallel_loop3A_524] {strides = array<i32>} : memref<128x128xf32, #tpu.memory_space<vmem>>, vector<1x16xf32>,
      %parallel_loop3A_526 = vector.shape_cast %parallel_loop3A_525 : vector<1x16xf32> to vector<16xf32>
      %parallel_loop3A_527 = arith.index_cast %parallel_loop3A_426 : i32 to index
      %parallel_loop3A_528 = arith.constant 96 : index
      %parallel_loop3A_529 = tpu.vector_load %arg9[%parallel_loop3A_527, %parallel_loop3A_528] {strides = array<i32>} : memref<128x128xf32, #tpu.memory_space<vmem>>, vector<1x16xf32>,
      %parallel_loop3A_530 = vector.shape_cast %parallel_loop3A_529 : vector<1x16xf32> to vector<16xf32>
      %parallel_loop3A_531 = arith.mulf %parallel_loop3A_526, %parallel_loop3A_530 : vector<16xf32>
      %parallel_loop3A_532 = arith.addf %parallel_loop3A_504, %parallel_loop3A_531 : vector<16xf32>
      %parallel_loop3A_533 = arith.mulf %parallel_loop3A_526, %parallel_loop3A_526 : vector<16xf32>
      %parallel_loop3A_534 = arith.addf %parallel_loop3A_506, %parallel_loop3A_533 : vector<16xf32>
      %parallel_loop3A_535 = arith.mulf %parallel_loop3A_530, %parallel_loop3A_530 : vector<16xf32>
      %parallel_loop3A_536 = arith.addf %parallel_loop3A_508, %parallel_loop3A_535 : vector<16xf32>
      %parallel_loop3A_537 = arith.index_cast %parallel_loop3A_426 : i32 to index
      %parallel_loop3A_538 = arith.constant 112 : index
      %parallel_loop3A_539 = tpu.vector_load %arg7[%parallel_loop3A_537, %parallel_loop3A_538] {strides = array<i32>} : memref<128x128xf32, #tpu.memory_space<vmem>>, vector<1x16xf32>,
      %parallel_loop3A_540 = vector.shape_cast %parallel_loop3A_539 : vector<1x16xf32> to vector<16xf32>
      %parallel_loop3A_541 = arith.index_cast %parallel_loop3A_426 : i32 to index
      %parallel_loop3A_542 = arith.constant 112 : index
      %parallel_loop3A_543 = tpu.vector_load %arg9[%parallel_loop3A_541, %parallel_loop3A_542] {strides = array<i32>} : memref<128x128xf32, #tpu.memory_space<vmem>>, vector<1x16xf32>,
      %parallel_loop3A_544 = vector.shape_cast %parallel_loop3A_543 : vector<1x16xf32> to vector<16xf32>
      %parallel_loop3A_545 = arith.mulf %parallel_loop3A_540, %parallel_loop3A_544 : vector<16xf32>
      %parallel_loop3A_546 = arith.addf %parallel_loop3A_518, %parallel_loop3A_545 : vector<16xf32>
      %parallel_loop3A_547 = arith.mulf %parallel_loop3A_540, %parallel_loop3A_540 : vector<16xf32>
      %parallel_loop3A_548 = arith.addf %parallel_loop3A_520, %parallel_loop3A_547 : vector<16xf32>
      %parallel_loop3A_549 = arith.mulf %parallel_loop3A_544, %parallel_loop3A_544 : vector<16xf32>
      %parallel_loop3A_550 = arith.addf %parallel_loop3A_522, %parallel_loop3A_549 : vector<16xf32>
      %parallel_loop3A_551 = arith.constant 0 : i32
      %parallel_loop3A_552 = arith.addi %parallel_loop3A_551, %parallel_loop3A_426 : i32
      %parallel_loop3A_553 = arith.constant 16 : i32
      %parallel_loop3A_554 = arith.muli %parallel_loop3A_552, %parallel_loop3A_553 : i32
      %parallel_loop3A_555 = arith.addf %parallel_loop3A_532, %parallel_loop3A_546 : vector<16xf32>
      %parallel_loop3A_556 = arith.index_cast %parallel_loop3A_554 : i32 to index
      %parallel_loop3A_557 = tpu.vector_load %arg11[%parallel_loop3A_556] {strides = array<i32>} : memref<8192xf32, #tpu.memory_space<vmem>>, vector<16xf32>,
      %parallel_loop3A_558 = vector.shape_cast %parallel_loop3A_557 : vector<16xf32> to vector<16xf32>
      %parallel_loop3A_559 = vector.shape_cast %parallel_loop3A_555 : vector<16xf32> to vector<16xf32>
      tpu.vector_store %arg11[%parallel_loop3A_556], %parallel_loop3A_559 {strides = array<i32>} : memref<8192xf32, #tpu.memory_space<vmem>>, vector<16xf32>,
      %parallel_loop3A_560 = arith.addf %parallel_loop3A_534, %parallel_loop3A_548 : vector<16xf32>
      %parallel_loop3A_561 = arith.index_cast %parallel_loop3A_554 : i32 to index
      %parallel_loop3A_562 = tpu.vector_load %arg12[%parallel_loop3A_561] {strides = array<i32>} : memref<8192xf32, #tpu.memory_space<vmem>>, vector<16xf32>,
      %parallel_loop3A_563 = vector.shape_cast %parallel_loop3A_562 : vector<16xf32> to vector<16xf32>
      %parallel_loop3A_564 = vector.shape_cast %parallel_loop3A_560 : vector<16xf32> to vector<16xf32>
      tpu.vector_store %arg12[%parallel_loop3A_561], %parallel_loop3A_564 {strides = array<i32>} : memref<8192xf32, #tpu.memory_space<vmem>>, vector<16xf32>,
      %parallel_loop3A_565 = arith.addf %parallel_loop3A_536, %parallel_loop3A_550 : vector<16xf32>
      %parallel_loop3A_566 = arith.index_cast %parallel_loop3A_554 : i32 to index
      %parallel_loop3A_567 = tpu.vector_load %arg13[%parallel_loop3A_566] {strides = array<i32>} : memref<8192xf32, #tpu.memory_space<vmem>>, vector<16xf32>,
      %parallel_loop3A_568 = vector.shape_cast %parallel_loop3A_567 : vector<16xf32> to vector<16xf32>
      %parallel_loop3A_569 = vector.shape_cast %parallel_loop3A_565 : vector<16xf32> to vector<16xf32>
      tpu.vector_store %arg13[%parallel_loop3A_566], %parallel_loop3A_569 {strides = array<i32>} : memref<8192xf32, #tpu.memory_space<vmem>>, vector<16xf32>,
    } {sc.loop_unroll_factor = 4 : i64, sc.parallel_access}
    %dma_start3A_65 = arith.constant 2 : i32
    %dma_start3A_66 = arith.constant 0 : i32
    %dma_start3A_67 = arith.constant 0 : i32
    %dma_start3A_68 = tpu.memref_slice %arg2[%add3A, %dma_start3A_65, %dma_start3A_66, %dma_start3A_67] : memref<32x4x128x128xf32, #tpu.memory_space<hbm>> -> memref<1x1x128x128xf32, #tpu.memory_space<hbm>>
    %dma_start3A_69 = tpu.memref_squeeze %dma_start3A_68 : memref<1x1x128x128xf32, #tpu.memory_space<hbm>> -> memref<128x128xf32, #tpu.memory_space<hbm>>
    %dma_start3A_70 = arith.constant 0 : i32
    %dma_start3A_71 = arith.constant 0 : i32
    %dma_start3A_72 = tpu.memref_slice %arg2[%add3A, %dma_start3A_65, %dma_start3A_70, %dma_start3A_71] : memref<32x4x128x128xf32, #tpu.memory_space<hbm>> -> memref<1x1x128x128xf32, #tpu.memory_space<hbm>>
    %dma_start3A_73 = tpu.memref_squeeze %dma_start3A_72 : memref<1x1x128x128xf32, #tpu.memory_space<hbm>> -> memref<128x128xf32, #tpu.memory_space<hbm>>
    tpu.enqueue_dma source(%dma_start3A_73 : memref<128x128xf32, #tpu.memory_space<hbm>>) target(%arg7 : memref<128x128xf32, #tpu.memory_space<vmem>>) target_semaphore(%arg14 : memref<!tpu.dma_semaphore, #tpu.memory_space<semaphore_mem>>)
    %dma_start3A_74 = arith.constant 2 : i32
    %dma_start3A_75 = arith.constant 0 : i32
    %dma_start3A_76 = tpu.memref_slice %arg6[%dma_start3A_74, %dma_start3A_75] : memref<4x128xi32, #tpu.memory_space<vmem>> -> memref<1x128xi32, #tpu.memory_space<vmem>>
    %dma_start3A_77 = tpu.memref_squeeze %dma_start3A_76 : memref<1x128xi32, #tpu.memory_space<vmem>> -> memref<128xi32, #tpu.memory_space<vmem>>
    %dma_start3A_78 = arith.constant 0 : i32
    %dma_start3A_79 = arith.constant 0 : i32
    %dma_start3A_80 = tpu.memref_slice %arg3[%dma_start3A_78, %dma_start3A_79] : memref<1000x128xf32, #tpu.memory_space<hbm>> -> memref<1000x128xf32, #tpu.memory_space<hbm>>
    tpu.enqueue_indirect_dma source(%dma_start3A_80 : memref<1000x128xf32, #tpu.memory_space<hbm>>) target(%arg9 : memref<128x128xf32, #tpu.memory_space<vmem>>) offsets(%dma_start3A_77 : memref<128xi32, #tpu.memory_space<vmem>>) semaphore(%arg16 : memref<!tpu.dma_semaphore, #tpu.memory_space<semaphore_mem>>)
    %dma_wait3A_81 = arith.constant 1 : i32
    %dma_wait3A_82 = arith.constant 0 : i32
    %dma_wait3A_83 = arith.constant 0 : i32
    %dma_wait3A_84 = tpu.memref_slice %arg2[%add3A, %dma_wait3A_81, %dma_wait3A_82, %dma_wait3A_83] : memref<32x4x128x128xf32, #tpu.memory_space<hbm>> -> memref<1x1x128x128xf32, #tpu.memory_space<hbm>>
    %dma_wait3A_85 = tpu.memref_squeeze %dma_wait3A_84 : memref<1x1x128x128xf32, #tpu.memory_space<hbm>> -> memref<128x128xf32, #tpu.memory_space<hbm>>
    %dma_wait3A_86 = arith.constant 0 : i32
    %dma_wait3A_87 = arith.constant 0 : i32
    %dma_wait3A_88 = tpu.memref_slice %arg2[%add3A, %dma_wait3A_81, %dma_wait3A_86, %dma_wait3A_87] : memref<32x4x128x128xf32, #tpu.memory_space<hbm>> -> memref<1x1x128x128xf32, #tpu.memory_space<hbm>>
    %dma_wait3A_89 = tpu.memref_squeeze %dma_wait3A_88 : memref<1x1x128x128xf32, #tpu.memory_space<hbm>> -> memref<128x128xf32, #tpu.memory_space<hbm>>
    tpu.wait_dma2 semaphore(%arg15 : memref<!tpu.dma_semaphore, #tpu.memory_space<semaphore_mem>>) src(%dma_wait3A_89 : memref<128x128xf32, #tpu.memory_space<hbm>>) dst(%arg8 : memref<128x128xf32, #tpu.memory_space<vmem>>)
    %dma_wait3A_90 = arith.constant 1 : i32
    %dma_wait3A_91 = arith.constant 0 : i32
    %dma_wait3A_92 = tpu.memref_slice %arg6[%dma_wait3A_90, %dma_wait3A_91] : memref<4x128xi32, #tpu.memory_space<vmem>> -> memref<1x128xi32, #tpu.memory_space<vmem>>
    %dma_wait3A_93 = tpu.memref_squeeze %dma_wait3A_92 : memref<1x128xi32, #tpu.memory_space<vmem>> -> memref<128xi32, #tpu.memory_space<vmem>>
    %dma_wait3A_94 = arith.constant 0 : i32
    %dma_wait3A_95 = arith.constant 0 : i32
    %dma_wait3A_96 = tpu.memref_slice %arg3[%dma_wait3A_94, %dma_wait3A_95] : memref<1000x128xf32, #tpu.memory_space<hbm>> -> memref<1000x128xf32, #tpu.memory_space<hbm>>
    tpu.wait_indirect_dma semaphore(%arg17 : memref<!tpu.dma_semaphore, #tpu.memory_space<semaphore_mem>>) src(%dma_wait3A_96 : memref<1000x128xf32, #tpu.memory_space<hbm>>) dst(%arg10 : memref<128x128xf32, #tpu.memory_space<vmem>>)
    %parallel_loop3A_97 = arith.constant 0 : i32
    %parallel_loop3A_98 = arith.constant 128 : i32
    %parallel_loop3A_99 = arith.constant 1 : i32
    scf.for %parallel_loop3A_426 = %parallel_loop3A_97 to %parallel_loop3A_98 step %parallel_loop3A_99  : i32 {
      %parallel_loop3A_427 = arith.constant 0.000000e+00 : f32
      %parallel_loop3A_428 = vector.broadcast %parallel_loop3A_427 : f32 to vector<16xf32>
      %parallel_loop3A_429 = arith.constant 0.000000e+00 : f32
      %parallel_loop3A_430 = vector.broadcast %parallel_loop3A_429 : f32 to vector<16xf32>
      %parallel_loop3A_431 = arith.constant 0.000000e+00 : f32
      %parallel_loop3A_432 = vector.broadcast %parallel_loop3A_431 : f32 to vector<16xf32>
      %parallel_loop3A_433 = arith.constant 0.000000e+00 : f32
      %parallel_loop3A_434 = vector.broadcast %parallel_loop3A_433 : f32 to vector<16xf32>
      %parallel_loop3A_435 = arith.constant 0.000000e+00 : f32
      %parallel_loop3A_436 = vector.broadcast %parallel_loop3A_435 : f32 to vector<16xf32>
      %parallel_loop3A_437 = arith.constant 0.000000e+00 : f32
      %parallel_loop3A_438 = vector.broadcast %parallel_loop3A_437 : f32 to vector<16xf32>
      %parallel_loop3A_439 = arith.index_cast %parallel_loop3A_426 : i32 to index
      %parallel_loop3A_440 = arith.constant 0 : index
      %parallel_loop3A_441 = tpu.vector_load %arg8[%parallel_loop3A_439, %parallel_loop3A_440] {strides = array<i32>} : memref<128x128xf32, #tpu.memory_space<vmem>>, vector<1x16xf32>,
      %parallel_loop3A_442 = vector.shape_cast %parallel_loop3A_441 : vector<1x16xf32> to vector<16xf32>
      %parallel_loop3A_443 = arith.index_cast %parallel_loop3A_426 : i32 to index
      %parallel_loop3A_444 = arith.constant 0 : index
      %parallel_loop3A_445 = tpu.vector_load %arg10[%parallel_loop3A_443, %parallel_loop3A_444] {strides = array<i32>} : memref<128x128xf32, #tpu.memory_space<vmem>>, vector<1x16xf32>,
      %parallel_loop3A_446 = vector.shape_cast %parallel_loop3A_445 : vector<1x16xf32> to vector<16xf32>
      %parallel_loop3A_447 = arith.mulf %parallel_loop3A_442, %parallel_loop3A_446 : vector<16xf32>
      %parallel_loop3A_448 = arith.addf %parallel_loop3A_428, %parallel_loop3A_447 : vector<16xf32>
      %parallel_loop3A_449 = arith.mulf %parallel_loop3A_442, %parallel_loop3A_442 : vector<16xf32>
      %parallel_loop3A_450 = arith.addf %parallel_loop3A_432, %parallel_loop3A_449 : vector<16xf32>
      %parallel_loop3A_451 = arith.mulf %parallel_loop3A_446, %parallel_loop3A_446 : vector<16xf32>
      %parallel_loop3A_452 = arith.addf %parallel_loop3A_436, %parallel_loop3A_451 : vector<16xf32>
      %parallel_loop3A_453 = arith.index_cast %parallel_loop3A_426 : i32 to index
      %parallel_loop3A_454 = arith.constant 16 : index
      %parallel_loop3A_455 = tpu.vector_load %arg8[%parallel_loop3A_453, %parallel_loop3A_454] {strides = array<i32>} : memref<128x128xf32, #tpu.memory_space<vmem>>, vector<1x16xf32>,
      %parallel_loop3A_456 = vector.shape_cast %parallel_loop3A_455 : vector<1x16xf32> to vector<16xf32>
      %parallel_loop3A_457 = arith.index_cast %parallel_loop3A_426 : i32 to index
      %parallel_loop3A_458 = arith.constant 16 : index
      %parallel_loop3A_459 = tpu.vector_load %arg10[%parallel_loop3A_457, %parallel_loop3A_458] {strides = array<i32>} : memref<128x128xf32, #tpu.memory_space<vmem>>, vector<1x16xf32>,
      %parallel_loop3A_460 = vector.shape_cast %parallel_loop3A_459 : vector<1x16xf32> to vector<16xf32>
      %parallel_loop3A_461 = arith.mulf %parallel_loop3A_456, %parallel_loop3A_460 : vector<16xf32>
      %parallel_loop3A_462 = arith.addf %parallel_loop3A_430, %parallel_loop3A_461 : vector<16xf32>
      %parallel_loop3A_463 = arith.mulf %parallel_loop3A_456, %parallel_loop3A_456 : vector<16xf32>
      %parallel_loop3A_464 = arith.addf %parallel_loop3A_434, %parallel_loop3A_463 : vector<16xf32>
      %parallel_loop3A_465 = arith.mulf %parallel_loop3A_460, %parallel_loop3A_460 : vector<16xf32>
      %parallel_loop3A_466 = arith.addf %parallel_loop3A_438, %parallel_loop3A_465 : vector<16xf32>
      %parallel_loop3A_467 = arith.index_cast %parallel_loop3A_426 : i32 to index
      %parallel_loop3A_468 = arith.constant 32 : index
      %parallel_loop3A_469 = tpu.vector_load %arg8[%parallel_loop3A_467, %parallel_loop3A_468] {strides = array<i32>} : memref<128x128xf32, #tpu.memory_space<vmem>>, vector<1x16xf32>,
      %parallel_loop3A_470 = vector.shape_cast %parallel_loop3A_469 : vector<1x16xf32> to vector<16xf32>
      %parallel_loop3A_471 = arith.index_cast %parallel_loop3A_426 : i32 to index
      %parallel_loop3A_472 = arith.constant 32 : index
      %parallel_loop3A_473 = tpu.vector_load %arg10[%parallel_loop3A_471, %parallel_loop3A_472] {strides = array<i32>} : memref<128x128xf32, #tpu.memory_space<vmem>>, vector<1x16xf32>,
      %parallel_loop3A_474 = vector.shape_cast %parallel_loop3A_473 : vector<1x16xf32> to vector<16xf32>
      %parallel_loop3A_475 = arith.mulf %parallel_loop3A_470, %parallel_loop3A_474 : vector<16xf32>
      %parallel_loop3A_476 = arith.addf %parallel_loop3A_448, %parallel_loop3A_475 : vector<16xf32>
      %parallel_loop3A_477 = arith.mulf %parallel_loop3A_470, %parallel_loop3A_470 : vector<16xf32>
      %parallel_loop3A_478 = arith.addf %parallel_loop3A_450, %parallel_loop3A_477 : vector<16xf32>
      %parallel_loop3A_479 = arith.mulf %parallel_loop3A_474, %parallel_loop3A_474 : vector<16xf32>
      %parallel_loop3A_480 = arith.addf %parallel_loop3A_452, %parallel_loop3A_479 : vector<16xf32>
      %parallel_loop3A_481 = arith.index_cast %parallel_loop3A_426 : i32 to index
      %parallel_loop3A_482 = arith.constant 48 : index
      %parallel_loop3A_483 = tpu.vector_load %arg8[%parallel_loop3A_481, %parallel_loop3A_482] {strides = array<i32>} : memref<128x128xf32, #tpu.memory_space<vmem>>, vector<1x16xf32>,
      %parallel_loop3A_484 = vector.shape_cast %parallel_loop3A_483 : vector<1x16xf32> to vector<16xf32>
      %parallel_loop3A_485 = arith.index_cast %parallel_loop3A_426 : i32 to index
      %parallel_loop3A_486 = arith.constant 48 : index
      %parallel_loop3A_487 = tpu.vector_load %arg10[%parallel_loop3A_485, %parallel_loop3A_486] {strides = array<i32>} : memref<128x128xf32, #tpu.memory_space<vmem>>, vector<1x16xf32>,
      %parallel_loop3A_488 = vector.shape_cast %parallel_loop3A_487 : vector<1x16xf32> to vector<16xf32>
      %parallel_loop3A_489 = arith.mulf %parallel_loop3A_484, %parallel_loop3A_488 : vector<16xf32>
      %parallel_loop3A_490 = arith.addf %parallel_loop3A_462, %parallel_loop3A_489 : vector<16xf32>
      %parallel_loop3A_491 = arith.mulf %parallel_loop3A_484, %parallel_loop3A_484 : vector<16xf32>
      %parallel_loop3A_492 = arith.addf %parallel_loop3A_464, %parallel_loop3A_491 : vector<16xf32>
      %parallel_loop3A_493 = arith.mulf %parallel_loop3A_488, %parallel_loop3A_488 : vector<16xf32>
      %parallel_loop3A_494 = arith.addf %parallel_loop3A_466, %parallel_loop3A_493 : vector<16xf32>
      %parallel_loop3A_495 = arith.index_cast %parallel_loop3A_426 : i32 to index
      %parallel_loop3A_496 = arith.constant 64 : index
      %parallel_loop3A_497 = tpu.vector_load %arg8[%parallel_loop3A_495, %parallel_loop3A_496] {strides = array<i32>} : memref<128x128xf32, #tpu.memory_space<vmem>>, vector<1x16xf32>,
      %parallel_loop3A_498 = vector.shape_cast %parallel_loop3A_497 : vector<1x16xf32> to vector<16xf32>
      %parallel_loop3A_499 = arith.index_cast %parallel_loop3A_426 : i32 to index
      %parallel_loop3A_500 = arith.constant 64 : index
      %parallel_loop3A_501 = tpu.vector_load %arg10[%parallel_loop3A_499, %parallel_loop3A_500] {strides = array<i32>} : memref<128x128xf32, #tpu.memory_space<vmem>>, vector<1x16xf32>,
      %parallel_loop3A_502 = vector.shape_cast %parallel_loop3A_501 : vector<1x16xf32> to vector<16xf32>
      %parallel_loop3A_503 = arith.mulf %parallel_loop3A_498, %parallel_loop3A_502 : vector<16xf32>
      %parallel_loop3A_504 = arith.addf %parallel_loop3A_476, %parallel_loop3A_503 : vector<16xf32>
      %parallel_loop3A_505 = arith.mulf %parallel_loop3A_498, %parallel_loop3A_498 : vector<16xf32>
      %parallel_loop3A_506 = arith.addf %parallel_loop3A_478, %parallel_loop3A_505 : vector<16xf32>
      %parallel_loop3A_507 = arith.mulf %parallel_loop3A_502, %parallel_loop3A_502 : vector<16xf32>
      %parallel_loop3A_508 = arith.addf %parallel_loop3A_480, %parallel_loop3A_507 : vector<16xf32>
      %parallel_loop3A_509 = arith.index_cast %parallel_loop3A_426 : i32 to index
      %parallel_loop3A_510 = arith.constant 80 : index
      %parallel_loop3A_511 = tpu.vector_load %arg8[%parallel_loop3A_509, %parallel_loop3A_510] {strides = array<i32>} : memref<128x128xf32, #tpu.memory_space<vmem>>, vector<1x16xf32>,
      %parallel_loop3A_512 = vector.shape_cast %parallel_loop3A_511 : vector<1x16xf32> to vector<16xf32>
      %parallel_loop3A_513 = arith.index_cast %parallel_loop3A_426 : i32 to index
      %parallel_loop3A_514 = arith.constant 80 : index
      %parallel_loop3A_515 = tpu.vector_load %arg10[%parallel_loop3A_513, %parallel_loop3A_514] {strides = array<i32>} : memref<128x128xf32, #tpu.memory_space<vmem>>, vector<1x16xf32>,
      %parallel_loop3A_516 = vector.shape_cast %parallel_loop3A_515 : vector<1x16xf32> to vector<16xf32>
      %parallel_loop3A_517 = arith.mulf %parallel_loop3A_512, %parallel_loop3A_516 : vector<16xf32>
      %parallel_loop3A_518 = arith.addf %parallel_loop3A_490, %parallel_loop3A_517 : vector<16xf32>
      %parallel_loop3A_519 = arith.mulf %parallel_loop3A_512, %parallel_loop3A_512 : vector<16xf32>
      %parallel_loop3A_520 = arith.addf %parallel_loop3A_492, %parallel_loop3A_519 : vector<16xf32>
      %parallel_loop3A_521 = arith.mulf %parallel_loop3A_516, %parallel_loop3A_516 : vector<16xf32>
      %parallel_loop3A_522 = arith.addf %parallel_loop3A_494, %parallel_loop3A_521 : vector<16xf32>
      %parallel_loop3A_523 = arith.index_cast %parallel_loop3A_426 : i32 to index
      %parallel_loop3A_524 = arith.constant 96 : index
      %parallel_loop3A_525 = tpu.vector_load %arg8[%parallel_loop3A_523, %parallel_loop3A_524] {strides = array<i32>} : memref<128x128xf32, #tpu.memory_space<vmem>>, vector<1x16xf32>,
      %parallel_loop3A_526 = vector.shape_cast %parallel_loop3A_525 : vector<1x16xf32> to vector<16xf32>
      %parallel_loop3A_527 = arith.index_cast %parallel_loop3A_426 : i32 to index
      %parallel_loop3A_528 = arith.constant 96 : index
      %parallel_loop3A_529 = tpu.vector_load %arg10[%parallel_loop3A_527, %parallel_loop3A_528] {strides = array<i32>} : memref<128x128xf32, #tpu.memory_space<vmem>>, vector<1x16xf32>,
      %parallel_loop3A_530 = vector.shape_cast %parallel_loop3A_529 : vector<1x16xf32> to vector<16xf32>
      %parallel_loop3A_531 = arith.mulf %parallel_loop3A_526, %parallel_loop3A_530 : vector<16xf32>
      %parallel_loop3A_532 = arith.addf %parallel_loop3A_504, %parallel_loop3A_531 : vector<16xf32>
      %parallel_loop3A_533 = arith.mulf %parallel_loop3A_526, %parallel_loop3A_526 : vector<16xf32>
      %parallel_loop3A_534 = arith.addf %parallel_loop3A_506, %parallel_loop3A_533 : vector<16xf32>
      %parallel_loop3A_535 = arith.mulf %parallel_loop3A_530, %parallel_loop3A_530 : vector<16xf32>
      %parallel_loop3A_536 = arith.addf %parallel_loop3A_508, %parallel_loop3A_535 : vector<16xf32>
      %parallel_loop3A_537 = arith.index_cast %parallel_loop3A_426 : i32 to index
      %parallel_loop3A_538 = arith.constant 112 : index
      %parallel_loop3A_539 = tpu.vector_load %arg8[%parallel_loop3A_537, %parallel_loop3A_538] {strides = array<i32>} : memref<128x128xf32, #tpu.memory_space<vmem>>, vector<1x16xf32>,
      %parallel_loop3A_540 = vector.shape_cast %parallel_loop3A_539 : vector<1x16xf32> to vector<16xf32>
      %parallel_loop3A_541 = arith.index_cast %parallel_loop3A_426 : i32 to index
      %parallel_loop3A_542 = arith.constant 112 : index
      %parallel_loop3A_543 = tpu.vector_load %arg10[%parallel_loop3A_541, %parallel_loop3A_542] {strides = array<i32>} : memref<128x128xf32, #tpu.memory_space<vmem>>, vector<1x16xf32>,
      %parallel_loop3A_544 = vector.shape_cast %parallel_loop3A_543 : vector<1x16xf32> to vector<16xf32>
      %parallel_loop3A_545 = arith.mulf %parallel_loop3A_540, %parallel_loop3A_544 : vector<16xf32>
      %parallel_loop3A_546 = arith.addf %parallel_loop3A_518, %parallel_loop3A_545 : vector<16xf32>
      %parallel_loop3A_547 = arith.mulf %parallel_loop3A_540, %parallel_loop3A_540 : vector<16xf32>
      %parallel_loop3A_548 = arith.addf %parallel_loop3A_520, %parallel_loop3A_547 : vector<16xf32>
      %parallel_loop3A_549 = arith.mulf %parallel_loop3A_544, %parallel_loop3A_544 : vector<16xf32>
      %parallel_loop3A_550 = arith.addf %parallel_loop3A_522, %parallel_loop3A_549 : vector<16xf32>
      %parallel_loop3A_551 = arith.constant 128 : i32
      %parallel_loop3A_552 = arith.addi %parallel_loop3A_551, %parallel_loop3A_426 : i32
      %parallel_loop3A_553 = arith.constant 16 : i32
      %parallel_loop3A_554 = arith.muli %parallel_loop3A_552, %parallel_loop3A_553 : i32
      %parallel_loop3A_555 = arith.addf %parallel_loop3A_532, %parallel_loop3A_546 : vector<16xf32>
      %parallel_loop3A_556 = arith.index_cast %parallel_loop3A_554 : i32 to index
      %parallel_loop3A_557 = tpu.vector_load %arg11[%parallel_loop3A_556] {strides = array<i32>} : memref<8192xf32, #tpu.memory_space<vmem>>, vector<16xf32>,
      %parallel_loop3A_558 = vector.shape_cast %parallel_loop3A_557 : vector<16xf32> to vector<16xf32>
      %parallel_loop3A_559 = vector.shape_cast %parallel_loop3A_555 : vector<16xf32> to vector<16xf32>
      tpu.vector_store %arg11[%parallel_loop3A_556], %parallel_loop3A_559 {strides = array<i32>} : memref<8192xf32, #tpu.memory_space<vmem>>, vector<16xf32>,
      %parallel_loop3A_560 = arith.addf %parallel_loop3A_534, %parallel_loop3A_548 : vector<16xf32>
      %parallel_loop3A_561 = arith.index_cast %parallel_loop3A_554 : i32 to index
      %parallel_loop3A_562 = tpu.vector_load %arg12[%parallel_loop3A_561] {strides = array<i32>} : memref<8192xf32, #tpu.memory_space<vmem>>, vector<16xf32>,
      %parallel_loop3A_563 = vector.shape_cast %parallel_loop3A_562 : vector<16xf32> to vector<16xf32>
      %parallel_loop3A_564 = vector.shape_cast %parallel_loop3A_560 : vector<16xf32> to vector<16xf32>
      tpu.vector_store %arg12[%parallel_loop3A_561], %parallel_loop3A_564 {strides = array<i32>} : memref<8192xf32, #tpu.memory_space<vmem>>, vector<16xf32>,
      %parallel_loop3A_565 = arith.addf %parallel_loop3A_536, %parallel_loop3A_550 : vector<16xf32>
      %parallel_loop3A_566 = arith.index_cast %parallel_loop3A_554 : i32 to index
      %parallel_loop3A_567 = tpu.vector_load %arg13[%parallel_loop3A_566] {strides = array<i32>} : memref<8192xf32, #tpu.memory_space<vmem>>, vector<16xf32>,
      %parallel_loop3A_568 = vector.shape_cast %parallel_loop3A_567 : vector<16xf32> to vector<16xf32>
      %parallel_loop3A_569 = vector.shape_cast %parallel_loop3A_565 : vector<16xf32> to vector<16xf32>
      tpu.vector_store %arg13[%parallel_loop3A_566], %parallel_loop3A_569 {strides = array<i32>} : memref<8192xf32, #tpu.memory_space<vmem>>, vector<16xf32>,
    } {sc.loop_unroll_factor = 4 : i64, sc.parallel_access}
    %dma_start3A_100 = arith.constant 3 : i32
    %dma_start3A_101 = arith.constant 0 : i32
    %dma_start3A_102 = arith.constant 0 : i32
    %dma_start3A_103 = tpu.memref_slice %arg2[%add3A, %dma_start3A_100, %dma_start3A_101, %dma_start3A_102] : memref<32x4x128x128xf32, #tpu.memory_space<hbm>> -> memref<1x1x128x128xf32, #tpu.memory_space<hbm>>
    %dma_start3A_104 = tpu.memref_squeeze %dma_start3A_103 : memref<1x1x128x128xf32, #tpu.memory_space<hbm>> -> memref<128x128xf32, #tpu.memory_space<hbm>>
    %dma_start3A_105 = arith.constant 0 : i32
    %dma_start3A_106 = arith.constant 0 : i32
    %dma_start3A_107 = tpu.memref_slice %arg2[%add3A, %dma_start3A_100, %dma_start3A_105, %dma_start3A_106] : memref<32x4x128x128xf32, #tpu.memory_space<hbm>> -> memref<1x1x128x128xf32, #tpu.memory_space<hbm>>
    %dma_start3A_108 = tpu.memref_squeeze %dma_start3A_107 : memref<1x1x128x128xf32, #tpu.memory_space<hbm>> -> memref<128x128xf32, #tpu.memory_space<hbm>>
    tpu.enqueue_dma source(%dma_start3A_108 : memref<128x128xf32, #tpu.memory_space<hbm>>) target(%arg8 : memref<128x128xf32, #tpu.memory_space<vmem>>) target_semaphore(%arg15 : memref<!tpu.dma_semaphore, #tpu.memory_space<semaphore_mem>>)
    %dma_start3A_109 = arith.constant 3 : i32
    %dma_start3A_110 = arith.constant 0 : i32
    %dma_start3A_111 = tpu.memref_slice %arg6[%dma_start3A_109, %dma_start3A_110] : memref<4x128xi32, #tpu.memory_space<vmem>> -> memref<1x128xi32, #tpu.memory_space<vmem>>
    %dma_start3A_112 = tpu.memref_squeeze %dma_start3A_111 : memref<1x128xi32, #tpu.memory_space<vmem>> -> memref<128xi32, #tpu.memory_space<vmem>>
    %dma_start3A_113 = arith.constant 0 : i32
    %dma_start3A_114 = arith.constant 0 : i32
    %dma_start3A_115 = tpu.memref_slice %arg3[%dma_start3A_113, %dma_start3A_114] : memref<1000x128xf32, #tpu.memory_space<hbm>> -> memref<1000x128xf32, #tpu.memory_space<hbm>>
    tpu.enqueue_indirect_dma source(%dma_start3A_115 : memref<1000x128xf32, #tpu.memory_space<hbm>>) target(%arg10 : memref<128x128xf32, #tpu.memory_space<vmem>>) offsets(%dma_start3A_112 : memref<128xi32, #tpu.memory_space<vmem>>) semaphore(%arg17 : memref<!tpu.dma_semaphore, #tpu.memory_space<semaphore_mem>>)
    %mul3A_116 = arith.constant 4 : i32
    %mul3A_117 = arith.muli %add3A, %mul3A_116 : i32
    %add3A_118 = arith.constant 0 : i32
    %add3A_119 = arith.addi %mul3A_117, %add3A_118 : i32
    %dma_start3A_120 = arith.constant 0 : i32
    %dma_start3A_121 = tpu.memref_slice %arg11[%dma_start3A_120] : memref<8192xf32, #tpu.memory_space<vmem>> -> memref<2048xf32, #tpu.memory_space<vmem>>
    %dma_start3A_122 = arith.constant 0 : i32
    %dma_start3A_123 = tpu.memref_slice %arg5[%add3A_119, %dma_start3A_122] : memref<384x2048xf32, #tpu.memory_space<hbm>> -> memref<1x2048xf32, #tpu.memory_space<hbm>>
    %dma_start3A_124 = tpu.memref_squeeze %dma_start3A_123 : memref<1x2048xf32, #tpu.memory_space<hbm>> -> memref<2048xf32, #tpu.memory_space<hbm>>
    %dma_start3A_125 = arith.constant 0 : i32
    %dma_start3A_126 = tpu.memref_slice %arg5[%add3A_119, %dma_start3A_125] : memref<384x2048xf32, #tpu.memory_space<hbm>> -> memref<1x2048xf32, #tpu.memory_space<hbm>>
    %dma_start3A_127 = tpu.memref_squeeze %dma_start3A_126 : memref<1x2048xf32, #tpu.memory_space<hbm>> -> memref<2048xf32, #tpu.memory_space<hbm>>
    %dma_start3A_128 = arith.constant 0 : i32
    %dma_start3A_129 = tpu.memref_slice %arg11[%dma_start3A_128] : memref<8192xf32, #tpu.memory_space<vmem>> -> memref<2048xf32, #tpu.memory_space<vmem>>
    tpu.enqueue_dma source(%dma_start3A_129 : memref<2048xf32, #tpu.memory_space<vmem>>) target(%dma_start3A_127 : memref<2048xf32, #tpu.memory_space<hbm>>) target_semaphore(%arg18 : memref<!tpu.dma_semaphore, #tpu.memory_space<semaphore_mem>>)
    %add3A_130 = arith.constant 128 : i32
    %add3A_131 = arith.addi %add3A_130, %add3A_119 : i32
    %dma_start3A_132 = arith.constant 0 : i32
    %dma_start3A_133 = tpu.memref_slice %arg12[%dma_start3A_132] : memref<8192xf32, #tpu.memory_space<vmem>> -> memref<2048xf32, #tpu.memory_space<vmem>>
    %dma_start3A_134 = arith.constant 0 : i32
    %dma_start3A_135 = tpu.memref_slice %arg5[%add3A_131, %dma_start3A_134] : memref<384x2048xf32, #tpu.memory_space<hbm>> -> memref<1x2048xf32, #tpu.memory_space<hbm>>
    %dma_start3A_136 = tpu.memref_squeeze %dma_start3A_135 : memref<1x2048xf32, #tpu.memory_space<hbm>> -> memref<2048xf32, #tpu.memory_space<hbm>>
    %dma_start3A_137 = arith.constant 0 : i32
    %dma_start3A_138 = tpu.memref_slice %arg5[%add3A_131, %dma_start3A_137] : memref<384x2048xf32, #tpu.memory_space<hbm>> -> memref<1x2048xf32, #tpu.memory_space<hbm>>
    %dma_start3A_139 = tpu.memref_squeeze %dma_start3A_138 : memref<1x2048xf32, #tpu.memory_space<hbm>> -> memref<2048xf32, #tpu.memory_space<hbm>>
    %dma_start3A_140 = arith.constant 0 : i32
    %dma_start3A_141 = tpu.memref_slice %arg12[%dma_start3A_140] : memref<8192xf32, #tpu.memory_space<vmem>> -> memref<2048xf32, #tpu.memory_space<vmem>>
    tpu.enqueue_dma source(%dma_start3A_141 : memref<2048xf32, #tpu.memory_space<vmem>>) target(%dma_start3A_139 : memref<2048xf32, #tpu.memory_space<hbm>>) target_semaphore(%arg18 : memref<!tpu.dma_semaphore, #tpu.memory_space<semaphore_mem>>)
    %add3A_142 = arith.constant 256 : i32
    %add3A_143 = arith.addi %add3A_142, %add3A_119 : i32
    %dma_start3A_144 = arith.constant 0 : i32
    %dma_start3A_145 = tpu.memref_slice %arg13[%dma_start3A_144] : memref<8192xf32, #tpu.memory_space<vmem>> -> memref<2048xf32, #tpu.memory_space<vmem>>
    %dma_start3A_146 = arith.constant 0 : i32
    %dma_start3A_147 = tpu.memref_slice %arg5[%add3A_143, %dma_start3A_146] : memref<384x2048xf32, #tpu.memory_space<hbm>> -> memref<1x2048xf32, #tpu.memory_space<hbm>>
    %dma_start3A_148 = tpu.memref_squeeze %dma_start3A_147 : memref<1x2048xf32, #tpu.memory_space<hbm>> -> memref<2048xf32, #tpu.memory_space<hbm>>
    %dma_start3A_149 = arith.constant 0 : i32
    %dma_start3A_150 = tpu.memref_slice %arg5[%add3A_143, %dma_start3A_149] : memref<384x2048xf32, #tpu.memory_space<hbm>> -> memref<1x2048xf32, #tpu.memory_space<hbm>>
    %dma_start3A_151 = tpu.memref_squeeze %dma_start3A_150 : memref<1x2048xf32, #tpu.memory_space<hbm>> -> memref<2048xf32, #tpu.memory_space<hbm>>
    %dma_start3A_152 = arith.constant 0 : i32
    %dma_start3A_153 = tpu.memref_slice %arg13[%dma_start3A_152] : memref<8192xf32, #tpu.memory_space<vmem>> -> memref<2048xf32, #tpu.memory_space<vmem>>
    tpu.enqueue_dma source(%dma_start3A_153 : memref<2048xf32, #tpu.memory_space<vmem>>) target(%dma_start3A_151 : memref<2048xf32, #tpu.memory_space<hbm>>) target_semaphore(%arg18 : memref<!tpu.dma_semaphore, #tpu.memory_space<semaphore_mem>>)
    %dma_wait3A_154 = arith.constant 2 : i32
    %dma_wait3A_155 = arith.constant 0 : i32
    %dma_wait3A_156 = arith.constant 0 : i32
    %dma_wait3A_157 = tpu.memref_slice %arg2[%add3A, %dma_wait3A_154, %dma_wait3A_155, %dma_wait3A_156] : memref<32x4x128x128xf32, #tpu.memory_space<hbm>> -> memref<1x1x128x128xf32, #tpu.memory_space<hbm>>
    %dma_wait3A_158 = tpu.memref_squeeze %dma_wait3A_157 : memref<1x1x128x128xf32, #tpu.memory_space<hbm>> -> memref<128x128xf32, #tpu.memory_space<hbm>>
    %dma_wait3A_159 = arith.constant 0 : i32
    %dma_wait3A_160 = arith.constant 0 : i32
    %dma_wait3A_161 = tpu.memref_slice %arg2[%add3A, %dma_wait3A_154, %dma_wait3A_159, %dma_wait3A_160] : memref<32x4x128x128xf32, #tpu.memory_space<hbm>> -> memref<1x1x128x128xf32, #tpu.memory_space<hbm>>
    %dma_wait3A_162 = tpu.memref_squeeze %dma_wait3A_161 : memref<1x1x128x128xf32, #tpu.memory_space<hbm>> -> memref<128x128xf32, #tpu.memory_space<hbm>>
    tpu.wait_dma2 semaphore(%arg14 : memref<!tpu.dma_semaphore, #tpu.memory_space<semaphore_mem>>) src(%dma_wait3A_162 : memref<128x128xf32, #tpu.memory_space<hbm>>) dst(%arg7 : memref<128x128xf32, #tpu.memory_space<vmem>>)
    %dma_wait3A_163 = arith.constant 2 : i32
    %dma_wait3A_164 = arith.constant 0 : i32
    %dma_wait3A_165 = tpu.memref_slice %arg6[%dma_wait3A_163, %dma_wait3A_164] : memref<4x128xi32, #tpu.memory_space<vmem>> -> memref<1x128xi32, #tpu.memory_space<vmem>>
    %dma_wait3A_166 = tpu.memref_squeeze %dma_wait3A_165 : memref<1x128xi32, #tpu.memory_space<vmem>> -> memref<128xi32, #tpu.memory_space<vmem>>
    %dma_wait3A_167 = arith.constant 0 : i32
    %dma_wait3A_168 = arith.constant 0 : i32
    %dma_wait3A_169 = tpu.memref_slice %arg3[%dma_wait3A_167, %dma_wait3A_168] : memref<1000x128xf32, #tpu.memory_space<hbm>> -> memref<1000x128xf32, #tpu.memory_space<hbm>>
    tpu.wait_indirect_dma semaphore(%arg16 : memref<!tpu.dma_semaphore, #tpu.memory_space<semaphore_mem>>) src(%dma_wait3A_169 : memref<1000x128xf32, #tpu.memory_space<hbm>>) dst(%arg9 : memref<128x128xf32, #tpu.memory_space<vmem>>)
    %parallel_loop3A_170 = arith.constant 0 : i32
    %parallel_loop3A_171 = arith.constant 128 : i32
    %parallel_loop3A_172 = arith.constant 1 : i32
    scf.for %parallel_loop3A_426 = %parallel_loop3A_170 to %parallel_loop3A_171 step %parallel_loop3A_172  : i32 {
      %parallel_loop3A_427 = arith.constant 0.000000e+00 : f32
      %parallel_loop3A_428 = vector.broadcast %parallel_loop3A_427 : f32 to vector<16xf32>
      %parallel_loop3A_429 = arith.constant 0.000000e+00 : f32
      %parallel_loop3A_430 = vector.broadcast %parallel_loop3A_429 : f32 to vector<16xf32>
      %parallel_loop3A_431 = arith.constant 0.000000e+00 : f32
      %parallel_loop3A_432 = vector.broadcast %parallel_loop3A_431 : f32 to vector<16xf32>
      %parallel_loop3A_433 = arith.constant 0.000000e+00 : f32
      %parallel_loop3A_434 = vector.broadcast %parallel_loop3A_433 : f32 to vector<16xf32>
      %parallel_loop3A_435 = arith.constant 0.000000e+00 : f32
      %parallel_loop3A_436 = vector.broadcast %parallel_loop3A_435 : f32 to vector<16xf32>
      %parallel_loop3A_437 = arith.constant 0.000000e+00 : f32
      %parallel_loop3A_438 = vector.broadcast %parallel_loop3A_437 : f32 to vector<16xf32>
      %parallel_loop3A_439 = arith.index_cast %parallel_loop3A_426 : i32 to index
      %parallel_loop3A_440 = arith.constant 0 : index
      %parallel_loop3A_441 = tpu.vector_load %arg7[%parallel_loop3A_439, %parallel_loop3A_440] {strides = array<i32>} : memref<128x128xf32, #tpu.memory_space<vmem>>, vector<1x16xf32>,
      %parallel_loop3A_442 = vector.shape_cast %parallel_loop3A_441 : vector<1x16xf32> to vector<16xf32>
      %parallel_loop3A_443 = arith.index_cast %parallel_loop3A_426 : i32 to index
      %parallel_loop3A_444 = arith.constant 0 : index
      %parallel_loop3A_445 = tpu.vector_load %arg9[%parallel_loop3A_443, %parallel_loop3A_444] {strides = array<i32>} : memref<128x128xf32, #tpu.memory_space<vmem>>, vector<1x16xf32>,
      %parallel_loop3A_446 = vector.shape_cast %parallel_loop3A_445 : vector<1x16xf32> to vector<16xf32>
      %parallel_loop3A_447 = arith.mulf %parallel_loop3A_442, %parallel_loop3A_446 : vector<16xf32>
      %parallel_loop3A_448 = arith.addf %parallel_loop3A_428, %parallel_loop3A_447 : vector<16xf32>
      %parallel_loop3A_449 = arith.mulf %parallel_loop3A_442, %parallel_loop3A_442 : vector<16xf32>
      %parallel_loop3A_450 = arith.addf %parallel_loop3A_432, %parallel_loop3A_449 : vector<16xf32>
      %parallel_loop3A_451 = arith.mulf %parallel_loop3A_446, %parallel_loop3A_446 : vector<16xf32>
      %parallel_loop3A_452 = arith.addf %parallel_loop3A_436, %parallel_loop3A_451 : vector<16xf32>
      %parallel_loop3A_453 = arith.index_cast %parallel_loop3A_426 : i32 to index
      %parallel_loop3A_454 = arith.constant 16 : index
      %parallel_loop3A_455 = tpu.vector_load %arg7[%parallel_loop3A_453, %parallel_loop3A_454] {strides = array<i32>} : memref<128x128xf32, #tpu.memory_space<vmem>>, vector<1x16xf32>,
      %parallel_loop3A_456 = vector.shape_cast %parallel_loop3A_455 : vector<1x16xf32> to vector<16xf32>
      %parallel_loop3A_457 = arith.index_cast %parallel_loop3A_426 : i32 to index
      %parallel_loop3A_458 = arith.constant 16 : index
      %parallel_loop3A_459 = tpu.vector_load %arg9[%parallel_loop3A_457, %parallel_loop3A_458] {strides = array<i32>} : memref<128x128xf32, #tpu.memory_space<vmem>>, vector<1x16xf32>,
      %parallel_loop3A_460 = vector.shape_cast %parallel_loop3A_459 : vector<1x16xf32> to vector<16xf32>
      %parallel_loop3A_461 = arith.mulf %parallel_loop3A_456, %parallel_loop3A_460 : vector<16xf32>
      %parallel_loop3A_462 = arith.addf %parallel_loop3A_430, %parallel_loop3A_461 : vector<16xf32>
      %parallel_loop3A_463 = arith.mulf %parallel_loop3A_456, %parallel_loop3A_456 : vector<16xf32>
      %parallel_loop3A_464 = arith.addf %parallel_loop3A_434, %parallel_loop3A_463 : vector<16xf32>
      %parallel_loop3A_465 = arith.mulf %parallel_loop3A_460, %parallel_loop3A_460 : vector<16xf32>
      %parallel_loop3A_466 = arith.addf %parallel_loop3A_438, %parallel_loop3A_465 : vector<16xf32>
      %parallel_loop3A_467 = arith.index_cast %parallel_loop3A_426 : i32 to index
      %parallel_loop3A_468 = arith.constant 32 : index
      %parallel_loop3A_469 = tpu.vector_load %arg7[%parallel_loop3A_467, %parallel_loop3A_468] {strides = array<i32>} : memref<128x128xf32, #tpu.memory_space<vmem>>, vector<1x16xf32>,
      %parallel_loop3A_470 = vector.shape_cast %parallel_loop3A_469 : vector<1x16xf32> to vector<16xf32>
      %parallel_loop3A_471 = arith.index_cast %parallel_loop3A_426 : i32 to index
      %parallel_loop3A_472 = arith.constant 32 : index
      %parallel_loop3A_473 = tpu.vector_load %arg9[%parallel_loop3A_471, %parallel_loop3A_472] {strides = array<i32>} : memref<128x128xf32, #tpu.memory_space<vmem>>, vector<1x16xf32>,
      %parallel_loop3A_474 = vector.shape_cast %parallel_loop3A_473 : vector<1x16xf32> to vector<16xf32>
      %parallel_loop3A_475 = arith.mulf %parallel_loop3A_470, %parallel_loop3A_474 : vector<16xf32>
      %parallel_loop3A_476 = arith.addf %parallel_loop3A_448, %parallel_loop3A_475 : vector<16xf32>
      %parallel_loop3A_477 = arith.mulf %parallel_loop3A_470, %parallel_loop3A_470 : vector<16xf32>
      %parallel_loop3A_478 = arith.addf %parallel_loop3A_450, %parallel_loop3A_477 : vector<16xf32>
      %parallel_loop3A_479 = arith.mulf %parallel_loop3A_474, %parallel_loop3A_474 : vector<16xf32>
      %parallel_loop3A_480 = arith.addf %parallel_loop3A_452, %parallel_loop3A_479 : vector<16xf32>
      %parallel_loop3A_481 = arith.index_cast %parallel_loop3A_426 : i32 to index
      %parallel_loop3A_482 = arith.constant 48 : index
      %parallel_loop3A_483 = tpu.vector_load %arg7[%parallel_loop3A_481, %parallel_loop3A_482] {strides = array<i32>} : memref<128x128xf32, #tpu.memory_space<vmem>>, vector<1x16xf32>,
      %parallel_loop3A_484 = vector.shape_cast %parallel_loop3A_483 : vector<1x16xf32> to vector<16xf32>
      %parallel_loop3A_485 = arith.index_cast %parallel_loop3A_426 : i32 to index
      %parallel_loop3A_486 = arith.constant 48 : index
      %parallel_loop3A_487 = tpu.vector_load %arg9[%parallel_loop3A_485, %parallel_loop3A_486] {strides = array<i32>} : memref<128x128xf32, #tpu.memory_space<vmem>>, vector<1x16xf32>,
      %parallel_loop3A_488 = vector.shape_cast %parallel_loop3A_487 : vector<1x16xf32> to vector<16xf32>
      %parallel_loop3A_489 = arith.mulf %parallel_loop3A_484, %parallel_loop3A_488 : vector<16xf32>
      %parallel_loop3A_490 = arith.addf %parallel_loop3A_462, %parallel_loop3A_489 : vector<16xf32>
      %parallel_loop3A_491 = arith.mulf %parallel_loop3A_484, %parallel_loop3A_484 : vector<16xf32>
      %parallel_loop3A_492 = arith.addf %parallel_loop3A_464, %parallel_loop3A_491 : vector<16xf32>
      %parallel_loop3A_493 = arith.mulf %parallel_loop3A_488, %parallel_loop3A_488 : vector<16xf32>
      %parallel_loop3A_494 = arith.addf %parallel_loop3A_466, %parallel_loop3A_493 : vector<16xf32>
      %parallel_loop3A_495 = arith.index_cast %parallel_loop3A_426 : i32 to index
      %parallel_loop3A_496 = arith.constant 64 : index
      %parallel_loop3A_497 = tpu.vector_load %arg7[%parallel_loop3A_495, %parallel_loop3A_496] {strides = array<i32>} : memref<128x128xf32, #tpu.memory_space<vmem>>, vector<1x16xf32>,
      %parallel_loop3A_498 = vector.shape_cast %parallel_loop3A_497 : vector<1x16xf32> to vector<16xf32>
      %parallel_loop3A_499 = arith.index_cast %parallel_loop3A_426 : i32 to index
      %parallel_loop3A_500 = arith.constant 64 : index
      %parallel_loop3A_501 = tpu.vector_load %arg9[%parallel_loop3A_499, %parallel_loop3A_500] {strides = array<i32>} : memref<128x128xf32, #tpu.memory_space<vmem>>, vector<1x16xf32>,
      %parallel_loop3A_502 = vector.shape_cast %parallel_loop3A_501 : vector<1x16xf32> to vector<16xf32>
      %parallel_loop3A_503 = arith.mulf %parallel_loop3A_498, %parallel_loop3A_502 : vector<16xf32>
      %parallel_loop3A_504 = arith.addf %parallel_loop3A_476, %parallel_loop3A_503 : vector<16xf32>
      %parallel_loop3A_505 = arith.mulf %parallel_loop3A_498, %parallel_loop3A_498 : vector<16xf32>
      %parallel_loop3A_506 = arith.addf %parallel_loop3A_478, %parallel_loop3A_505 : vector<16xf32>
      %parallel_loop3A_507 = arith.mulf %parallel_loop3A_502, %parallel_loop3A_502 : vector<16xf32>
      %parallel_loop3A_508 = arith.addf %parallel_loop3A_480, %parallel_loop3A_507 : vector<16xf32>
      %parallel_loop3A_509 = arith.index_cast %parallel_loop3A_426 : i32 to index
      %parallel_loop3A_510 = arith.constant 80 : index
      %parallel_loop3A_511 = tpu.vector_load %arg7[%parallel_loop3A_509, %parallel_loop3A_510] {strides = array<i32>} : memref<128x128xf32, #tpu.memory_space<vmem>>, vector<1x16xf32>,
      %parallel_loop3A_512 = vector.shape_cast %parallel_loop3A_511 : vector<1x16xf32> to vector<16xf32>
      %parallel_loop3A_513 = arith.index_cast %parallel_loop3A_426 : i32 to index
      %parallel_loop3A_514 = arith.constant 80 : index
      %parallel_loop3A_515 = tpu.vector_load %arg9[%parallel_loop3A_513, %parallel_loop3A_514] {strides = array<i32>} : memref<128x128xf32, #tpu.memory_space<vmem>>, vector<1x16xf32>,
      %parallel_loop3A_516 = vector.shape_cast %parallel_loop3A_515 : vector<1x16xf32> to vector<16xf32>
      %parallel_loop3A_517 = arith.mulf %parallel_loop3A_512, %parallel_loop3A_516 : vector<16xf32>
      %parallel_loop3A_518 = arith.addf %parallel_loop3A_490, %parallel_loop3A_517 : vector<16xf32>
      %parallel_loop3A_519 = arith.mulf %parallel_loop3A_512, %parallel_loop3A_512 : vector<16xf32>
      %parallel_loop3A_520 = arith.addf %parallel_loop3A_492, %parallel_loop3A_519 : vector<16xf32>
      %parallel_loop3A_521 = arith.mulf %parallel_loop3A_516, %parallel_loop3A_516 : vector<16xf32>
      %parallel_loop3A_522 = arith.addf %parallel_loop3A_494, %parallel_loop3A_521 : vector<16xf32>
      %parallel_loop3A_523 = arith.index_cast %parallel_loop3A_426 : i32 to index
      %parallel_loop3A_524 = arith.constant 96 : index
      %parallel_loop3A_525 = tpu.vector_load %arg7[%parallel_loop3A_523, %parallel_loop3A_524] {strides = array<i32>} : memref<128x128xf32, #tpu.memory_space<vmem>>, vector<1x16xf32>,
      %parallel_loop3A_526 = vector.shape_cast %parallel_loop3A_525 : vector<1x16xf32> to vector<16xf32>
      %parallel_loop3A_527 = arith.index_cast %parallel_loop3A_426 : i32 to index
      %parallel_loop3A_528 = arith.constant 96 : index
      %parallel_loop3A_529 = tpu.vector_load %arg9[%parallel_loop3A_527, %parallel_loop3A_528] {strides = array<i32>} : memref<128x128xf32, #tpu.memory_space<vmem>>, vector<1x16xf32>,
      %parallel_loop3A_530 = vector.shape_cast %parallel_loop3A_529 : vector<1x16xf32> to vector<16xf32>
      %parallel_loop3A_531 = arith.mulf %parallel_loop3A_526, %parallel_loop3A_530 : vector<16xf32>
      %parallel_loop3A_532 = arith.addf %parallel_loop3A_504, %parallel_loop3A_531 : vector<16xf32>
      %parallel_loop3A_533 = arith.mulf %parallel_loop3A_526, %parallel_loop3A_526 : vector<16xf32>
      %parallel_loop3A_534 = arith.addf %parallel_loop3A_506, %parallel_loop3A_533 : vector<16xf32>
      %parallel_loop3A_535 = arith.mulf %parallel_loop3A_530, %parallel_loop3A_530 : vector<16xf32>
      %parallel_loop3A_536 = arith.addf %parallel_loop3A_508, %parallel_loop3A_535 : vector<16xf32>
      %parallel_loop3A_537 = arith.index_cast %parallel_loop3A_426 : i32 to index
      %parallel_loop3A_538 = arith.constant 112 : index
      %parallel_loop3A_539 = tpu.vector_load %arg7[%parallel_loop3A_537, %parallel_loop3A_538] {strides = array<i32>} : memref<128x128xf32, #tpu.memory_space<vmem>>, vector<1x16xf32>,
      %parallel_loop3A_540 = vector.shape_cast %parallel_loop3A_539 : vector<1x16xf32> to vector<16xf32>
      %parallel_loop3A_541 = arith.index_cast %parallel_loop3A_426 : i32 to index
      %parallel_loop3A_542 = arith.constant 112 : index
      %parallel_loop3A_543 = tpu.vector_load %arg9[%parallel_loop3A_541, %parallel_loop3A_542] {strides = array<i32>} : memref<128x128xf32, #tpu.memory_space<vmem>>, vector<1x16xf32>,
      %parallel_loop3A_544 = vector.shape_cast %parallel_loop3A_543 : vector<1x16xf32> to vector<16xf32>
      %parallel_loop3A_545 = arith.mulf %parallel_loop3A_540, %parallel_loop3A_544 : vector<16xf32>
      %parallel_loop3A_546 = arith.addf %parallel_loop3A_518, %parallel_loop3A_545 : vector<16xf32>
      %parallel_loop3A_547 = arith.mulf %parallel_loop3A_540, %parallel_loop3A_540 : vector<16xf32>
      %parallel_loop3A_548 = arith.addf %parallel_loop3A_520, %parallel_loop3A_547 : vector<16xf32>
      %parallel_loop3A_549 = arith.mulf %parallel_loop3A_544, %parallel_loop3A_544 : vector<16xf32>
      %parallel_loop3A_550 = arith.addf %parallel_loop3A_522, %parallel_loop3A_549 : vector<16xf32>
      %parallel_loop3A_551 = arith.constant 256 : i32
      %parallel_loop3A_552 = arith.addi %parallel_loop3A_551, %parallel_loop3A_426 : i32
      %parallel_loop3A_553 = arith.constant 16 : i32
      %parallel_loop3A_554 = arith.muli %parallel_loop3A_552, %parallel_loop3A_553 : i32
      %parallel_loop3A_555 = arith.addf %parallel_loop3A_532, %parallel_loop3A_546 : vector<16xf32>
      %parallel_loop3A_556 = arith.index_cast %parallel_loop3A_554 : i32 to index
      %parallel_loop3A_557 = tpu.vector_load %arg11[%parallel_loop3A_556] {strides = array<i32>} : memref<8192xf32, #tpu.memory_space<vmem>>, vector<16xf32>,
      %parallel_loop3A_558 = vector.shape_cast %parallel_loop3A_557 : vector<16xf32> to vector<16xf32>
      %parallel_loop3A_559 = vector.shape_cast %parallel_loop3A_555 : vector<16xf32> to vector<16xf32>
      tpu.vector_store %arg11[%parallel_loop3A_556], %parallel_loop3A_559 {strides = array<i32>} : memref<8192xf32, #tpu.memory_space<vmem>>, vector<16xf32>,
      %parallel_loop3A_560 = arith.addf %parallel_loop3A_534, %parallel_loop3A_548 : vector<16xf32>
      %parallel_loop3A_561 = arith.index_cast %parallel_loop3A_554 : i32 to index
      %parallel_loop3A_562 = tpu.vector_load %arg12[%parallel_loop3A_561] {strides = array<i32>} : memref<8192xf32, #tpu.memory_space<vmem>>, vector<16xf32>,
      %parallel_loop3A_563 = vector.shape_cast %parallel_loop3A_562 : vector<16xf32> to vector<16xf32>
      %parallel_loop3A_564 = vector.shape_cast %parallel_loop3A_560 : vector<16xf32> to vector<16xf32>
      tpu.vector_store %arg12[%parallel_loop3A_561], %parallel_loop3A_564 {strides = array<i32>} : memref<8192xf32, #tpu.memory_space<vmem>>, vector<16xf32>,
      %parallel_loop3A_565 = arith.addf %parallel_loop3A_536, %parallel_loop3A_550 : vector<16xf32>
      %parallel_loop3A_566 = arith.index_cast %parallel_loop3A_554 : i32 to index
      %parallel_loop3A_567 = tpu.vector_load %arg13[%parallel_loop3A_566] {strides = array<i32>} : memref<8192xf32, #tpu.memory_space<vmem>>, vector<16xf32>,
      %parallel_loop3A_568 = vector.shape_cast %parallel_loop3A_567 : vector<16xf32> to vector<16xf32>
      %parallel_loop3A_569 = vector.shape_cast %parallel_loop3A_565 : vector<16xf32> to vector<16xf32>
      tpu.vector_store %arg13[%parallel_loop3A_566], %parallel_loop3A_569 {strides = array<i32>} : memref<8192xf32, #tpu.memory_space<vmem>>, vector<16xf32>,
    } {sc.loop_unroll_factor = 4 : i64, sc.parallel_access}
    %mul3A_173 = arith.constant 4 : i32
    %mul3A_174 = arith.muli %add3A, %mul3A_173 : i32
    %add3A_175 = arith.constant 1 : i32
    %add3A_176 = arith.addi %mul3A_174, %add3A_175 : i32
    %dma_start3A_177 = arith.constant 2048 : i32
    %dma_start3A_178 = tpu.memref_slice %arg11[%dma_start3A_177] : memref<8192xf32, #tpu.memory_space<vmem>> -> memref<2048xf32, #tpu.memory_space<vmem>>
    %dma_start3A_179 = arith.constant 0 : i32
    %dma_start3A_180 = tpu.memref_slice %arg5[%add3A_176, %dma_start3A_179] : memref<384x2048xf32, #tpu.memory_space<hbm>> -> memref<1x2048xf32, #tpu.memory_space<hbm>>
    %dma_start3A_181 = tpu.memref_squeeze %dma_start3A_180 : memref<1x2048xf32, #tpu.memory_space<hbm>> -> memref<2048xf32, #tpu.memory_space<hbm>>
    %dma_start3A_182 = arith.constant 0 : i32
    %dma_start3A_183 = tpu.memref_slice %arg5[%add3A_176, %dma_start3A_182] : memref<384x2048xf32, #tpu.memory_space<hbm>> -> memref<1x2048xf32, #tpu.memory_space<hbm>>
    %dma_start3A_184 = tpu.memref_squeeze %dma_start3A_183 : memref<1x2048xf32, #tpu.memory_space<hbm>> -> memref<2048xf32, #tpu.memory_space<hbm>>
    %dma_start3A_185 = arith.constant 2048 : i32
    %dma_start3A_186 = tpu.memref_slice %arg11[%dma_start3A_185] : memref<8192xf32, #tpu.memory_space<vmem>> -> memref<2048xf32, #tpu.memory_space<vmem>>
    tpu.enqueue_dma source(%dma_start3A_186 : memref<2048xf32, #tpu.memory_space<vmem>>) target(%dma_start3A_184 : memref<2048xf32, #tpu.memory_space<hbm>>) target_semaphore(%arg18 : memref<!tpu.dma_semaphore, #tpu.memory_space<semaphore_mem>>)
    %add3A_187 = arith.constant 128 : i32
    %add3A_188 = arith.addi %add3A_187, %add3A_176 : i32
    %dma_start3A_189 = arith.constant 2048 : i32
    %dma_start3A_190 = tpu.memref_slice %arg12[%dma_start3A_189] : memref<8192xf32, #tpu.memory_space<vmem>> -> memref<2048xf32, #tpu.memory_space<vmem>>
    %dma_start3A_191 = arith.constant 0 : i32
    %dma_start3A_192 = tpu.memref_slice %arg5[%add3A_188, %dma_start3A_191] : memref<384x2048xf32, #tpu.memory_space<hbm>> -> memref<1x2048xf32, #tpu.memory_space<hbm>>
    %dma_start3A_193 = tpu.memref_squeeze %dma_start3A_192 : memref<1x2048xf32, #tpu.memory_space<hbm>> -> memref<2048xf32, #tpu.memory_space<hbm>>
    %dma_start3A_194 = arith.constant 0 : i32
    %dma_start3A_195 = tpu.memref_slice %arg5[%add3A_188, %dma_start3A_194] : memref<384x2048xf32, #tpu.memory_space<hbm>> -> memref<1x2048xf32, #tpu.memory_space<hbm>>
    %dma_start3A_196 = tpu.memref_squeeze %dma_start3A_195 : memref<1x2048xf32, #tpu.memory_space<hbm>> -> memref<2048xf32, #tpu.memory_space<hbm>>
    %dma_start3A_197 = arith.constant 2048 : i32
    %dma_start3A_198 = tpu.memref_slice %arg12[%dma_start3A_197] : memref<8192xf32, #tpu.memory_space<vmem>> -> memref<2048xf32, #tpu.memory_space<vmem>>
    tpu.enqueue_dma source(%dma_start3A_198 : memref<2048xf32, #tpu.memory_space<vmem>>) target(%dma_start3A_196 : memref<2048xf32, #tpu.memory_space<hbm>>) target_semaphore(%arg18 : memref<!tpu.dma_semaphore, #tpu.memory_space<semaphore_mem>>)
    %add3A_199 = arith.constant 256 : i32
    %add3A_200 = arith.addi %add3A_199, %add3A_176 : i32
    %dma_start3A_201 = arith.constant 2048 : i32
    %dma_start3A_202 = tpu.memref_slice %arg13[%dma_start3A_201] : memref<8192xf32, #tpu.memory_space<vmem>> -> memref<2048xf32, #tpu.memory_space<vmem>>
    %dma_start3A_203 = arith.constant 0 : i32
    %dma_start3A_204 = tpu.memref_slice %arg5[%add3A_200, %dma_start3A_203] : memref<384x2048xf32, #tpu.memory_space<hbm>> -> memref<1x2048xf32, #tpu.memory_space<hbm>>
    %dma_start3A_205 = tpu.memref_squeeze %dma_start3A_204 : memref<1x2048xf32, #tpu.memory_space<hbm>> -> memref<2048xf32, #tpu.memory_space<hbm>>
    %dma_start3A_206 = arith.constant 0 : i32
    %dma_start3A_207 = tpu.memref_slice %arg5[%add3A_200, %dma_start3A_206] : memref<384x2048xf32, #tpu.memory_space<hbm>> -> memref<1x2048xf32, #tpu.memory_space<hbm>>
    %dma_start3A_208 = tpu.memref_squeeze %dma_start3A_207 : memref<1x2048xf32, #tpu.memory_space<hbm>> -> memref<2048xf32, #tpu.memory_space<hbm>>
    %dma_start3A_209 = arith.constant 2048 : i32
    %dma_start3A_210 = tpu.memref_slice %arg13[%dma_start3A_209] : memref<8192xf32, #tpu.memory_space<vmem>> -> memref<2048xf32, #tpu.memory_space<vmem>>
    tpu.enqueue_dma source(%dma_start3A_210 : memref<2048xf32, #tpu.memory_space<vmem>>) target(%dma_start3A_208 : memref<2048xf32, #tpu.memory_space<hbm>>) target_semaphore(%arg18 : memref<!tpu.dma_semaphore, #tpu.memory_space<semaphore_mem>>)
    %dma_wait3A_211 = arith.constant 3 : i32
    %dma_wait3A_212 = arith.constant 0 : i32
    %dma_wait3A_213 = arith.constant 0 : i32
    %dma_wait3A_214 = tpu.memref_slice %arg2[%add3A, %dma_wait3A_211, %dma_wait3A_212, %dma_wait3A_213] : memref<32x4x128x128xf32, #tpu.memory_space<hbm>> -> memref<1x1x128x128xf32, #tpu.memory_space<hbm>>
    %dma_wait3A_215 = tpu.memref_squeeze %dma_wait3A_214 : memref<1x1x128x128xf32, #tpu.memory_space<hbm>> -> memref<128x128xf32, #tpu.memory_space<hbm>>
    %dma_wait3A_216 = arith.constant 0 : i32
    %dma_wait3A_217 = arith.constant 0 : i32
    %dma_wait3A_218 = tpu.memref_slice %arg2[%add3A, %dma_wait3A_211, %dma_wait3A_216, %dma_wait3A_217] : memref<32x4x128x128xf32, #tpu.memory_space<hbm>> -> memref<1x1x128x128xf32, #tpu.memory_space<hbm>>
    %dma_wait3A_219 = tpu.memref_squeeze %dma_wait3A_218 : memref<1x1x128x128xf32, #tpu.memory_space<hbm>> -> memref<128x128xf32, #tpu.memory_space<hbm>>
    tpu.wait_dma2 semaphore(%arg15 : memref<!tpu.dma_semaphore, #tpu.memory_space<semaphore_mem>>) src(%dma_wait3A_219 : memref<128x128xf32, #tpu.memory_space<hbm>>) dst(%arg8 : memref<128x128xf32, #tpu.memory_space<vmem>>)
    %dma_wait3A_220 = arith.constant 3 : i32
    %dma_wait3A_221 = arith.constant 0 : i32
    %dma_wait3A_222 = tpu.memref_slice %arg6[%dma_wait3A_220, %dma_wait3A_221] : memref<4x128xi32, #tpu.memory_space<vmem>> -> memref<1x128xi32, #tpu.memory_space<vmem>>
    %dma_wait3A_223 = tpu.memref_squeeze %dma_wait3A_222 : memref<1x128xi32, #tpu.memory_space<vmem>> -> memref<128xi32, #tpu.memory_space<vmem>>
    %dma_wait3A_224 = arith.constant 0 : i32
    %dma_wait3A_225 = arith.constant 0 : i32
    %dma_wait3A_226 = tpu.memref_slice %arg3[%dma_wait3A_224, %dma_wait3A_225] : memref<1000x128xf32, #tpu.memory_space<hbm>> -> memref<1000x128xf32, #tpu.memory_space<hbm>>
    tpu.wait_indirect_dma semaphore(%arg17 : memref<!tpu.dma_semaphore, #tpu.memory_space<semaphore_mem>>) src(%dma_wait3A_226 : memref<1000x128xf32, #tpu.memory_space<hbm>>) dst(%arg10 : memref<128x128xf32, #tpu.memory_space<vmem>>)
    %parallel_loop3A_227 = arith.constant 0 : i32
    %parallel_loop3A_228 = arith.constant 128 : i32
    %parallel_loop3A_229 = arith.constant 1 : i32
    scf.for %parallel_loop3A_426 = %parallel_loop3A_227 to %parallel_loop3A_228 step %parallel_loop3A_229  : i32 {
      %parallel_loop3A_427 = arith.constant 0.000000e+00 : f32
      %parallel_loop3A_428 = vector.broadcast %parallel_loop3A_427 : f32 to vector<16xf32>
      %parallel_loop3A_429 = arith.constant 0.000000e+00 : f32
      %parallel_loop3A_430 = vector.broadcast %parallel_loop3A_429 : f32 to vector<16xf32>
      %parallel_loop3A_431 = arith.constant 0.000000e+00 : f32
      %parallel_loop3A_432 = vector.broadcast %parallel_loop3A_431 : f32 to vector<16xf32>
      %parallel_loop3A_433 = arith.constant 0.000000e+00 : f32
      %parallel_loop3A_434 = vector.broadcast %parallel_loop3A_433 : f32 to vector<16xf32>
      %parallel_loop3A_435 = arith.constant 0.000000e+00 : f32
      %parallel_loop3A_436 = vector.broadcast %parallel_loop3A_435 : f32 to vector<16xf32>
      %parallel_loop3A_437 = arith.constant 0.000000e+00 : f32
      %parallel_loop3A_438 = vector.broadcast %parallel_loop3A_437 : f32 to vector<16xf32>
      %parallel_loop3A_439 = arith.index_cast %parallel_loop3A_426 : i32 to index
      %parallel_loop3A_440 = arith.constant 0 : index
      %parallel_loop3A_441 = tpu.vector_load %arg8[%parallel_loop3A_439, %parallel_loop3A_440] {strides = array<i32>} : memref<128x128xf32, #tpu.memory_space<vmem>>, vector<1x16xf32>,
      %parallel_loop3A_442 = vector.shape_cast %parallel_loop3A_441 : vector<1x16xf32> to vector<16xf32>
      %parallel_loop3A_443 = arith.index_cast %parallel_loop3A_426 : i32 to index
      %parallel_loop3A_444 = arith.constant 0 : index
      %parallel_loop3A_445 = tpu.vector_load %arg10[%parallel_loop3A_443, %parallel_loop3A_444] {strides = array<i32>} : memref<128x128xf32, #tpu.memory_space<vmem>>, vector<1x16xf32>,
      %parallel_loop3A_446 = vector.shape_cast %parallel_loop3A_445 : vector<1x16xf32> to vector<16xf32>
      %parallel_loop3A_447 = arith.mulf %parallel_loop3A_442, %parallel_loop3A_446 : vector<16xf32>
      %parallel_loop3A_448 = arith.addf %parallel_loop3A_428, %parallel_loop3A_447 : vector<16xf32>
      %parallel_loop3A_449 = arith.mulf %parallel_loop3A_442, %parallel_loop3A_442 : vector<16xf32>
      %parallel_loop3A_450 = arith.addf %parallel_loop3A_432, %parallel_loop3A_449 : vector<16xf32>
      %parallel_loop3A_451 = arith.mulf %parallel_loop3A_446, %parallel_loop3A_446 : vector<16xf32>
      %parallel_loop3A_452 = arith.addf %parallel_loop3A_436, %parallel_loop3A_451 : vector<16xf32>
      %parallel_loop3A_453 = arith.index_cast %parallel_loop3A_426 : i32 to index
      %parallel_loop3A_454 = arith.constant 16 : index
      %parallel_loop3A_455 = tpu.vector_load %arg8[%parallel_loop3A_453, %parallel_loop3A_454] {strides = array<i32>} : memref<128x128xf32, #tpu.memory_space<vmem>>, vector<1x16xf32>,
      %parallel_loop3A_456 = vector.shape_cast %parallel_loop3A_455 : vector<1x16xf32> to vector<16xf32>
      %parallel_loop3A_457 = arith.index_cast %parallel_loop3A_426 : i32 to index
      %parallel_loop3A_458 = arith.constant 16 : index
      %parallel_loop3A_459 = tpu.vector_load %arg10[%parallel_loop3A_457, %parallel_loop3A_458] {strides = array<i32>} : memref<128x128xf32, #tpu.memory_space<vmem>>, vector<1x16xf32>,
      %parallel_loop3A_460 = vector.shape_cast %parallel_loop3A_459 : vector<1x16xf32> to vector<16xf32>
      %parallel_loop3A_461 = arith.mulf %parallel_loop3A_456, %parallel_loop3A_460 : vector<16xf32>
      %parallel_loop3A_462 = arith.addf %parallel_loop3A_430, %parallel_loop3A_461 : vector<16xf32>
      %parallel_loop3A_463 = arith.mulf %parallel_loop3A_456, %parallel_loop3A_456 : vector<16xf32>
      %parallel_loop3A_464 = arith.addf %parallel_loop3A_434, %parallel_loop3A_463 : vector<16xf32>
      %parallel_loop3A_465 = arith.mulf %parallel_loop3A_460, %parallel_loop3A_460 : vector<16xf32>
      %parallel_loop3A_466 = arith.addf %parallel_loop3A_438, %parallel_loop3A_465 : vector<16xf32>
      %parallel_loop3A_467 = arith.index_cast %parallel_loop3A_426 : i32 to index
      %parallel_loop3A_468 = arith.constant 32 : index
      %parallel_loop3A_469 = tpu.vector_load %arg8[%parallel_loop3A_467, %parallel_loop3A_468] {strides = array<i32>} : memref<128x128xf32, #tpu.memory_space<vmem>>, vector<1x16xf32>,
      %parallel_loop3A_470 = vector.shape_cast %parallel_loop3A_469 : vector<1x16xf32> to vector<16xf32>
      %parallel_loop3A_471 = arith.index_cast %parallel_loop3A_426 : i32 to index
      %parallel_loop3A_472 = arith.constant 32 : index
      %parallel_loop3A_473 = tpu.vector_load %arg10[%parallel_loop3A_471, %parallel_loop3A_472] {strides = array<i32>} : memref<128x128xf32, #tpu.memory_space<vmem>>, vector<1x16xf32>,
      %parallel_loop3A_474 = vector.shape_cast %parallel_loop3A_473 : vector<1x16xf32> to vector<16xf32>
      %parallel_loop3A_475 = arith.mulf %parallel_loop3A_470, %parallel_loop3A_474 : vector<16xf32>
      %parallel_loop3A_476 = arith.addf %parallel_loop3A_448, %parallel_loop3A_475 : vector<16xf32>
      %parallel_loop3A_477 = arith.mulf %parallel_loop3A_470, %parallel_loop3A_470 : vector<16xf32>
      %parallel_loop3A_478 = arith.addf %parallel_loop3A_450, %parallel_loop3A_477 : vector<16xf32>
      %parallel_loop3A_479 = arith.mulf %parallel_loop3A_474, %parallel_loop3A_474 : vector<16xf32>
      %parallel_loop3A_480 = arith.addf %parallel_loop3A_452, %parallel_loop3A_479 : vector<16xf32>
      %parallel_loop3A_481 = arith.index_cast %parallel_loop3A_426 : i32 to index
      %parallel_loop3A_482 = arith.constant 48 : index
      %parallel_loop3A_483 = tpu.vector_load %arg8[%parallel_loop3A_481, %parallel_loop3A_482] {strides = array<i32>} : memref<128x128xf32, #tpu.memory_space<vmem>>, vector<1x16xf32>,
      %parallel_loop3A_484 = vector.shape_cast %parallel_loop3A_483 : vector<1x16xf32> to vector<16xf32>
      %parallel_loop3A_485 = arith.index_cast %parallel_loop3A_426 : i32 to index
      %parallel_loop3A_486 = arith.constant 48 : index
      %parallel_loop3A_487 = tpu.vector_load %arg10[%parallel_loop3A_485, %parallel_loop3A_486] {strides = array<i32>} : memref<128x128xf32, #tpu.memory_space<vmem>>, vector<1x16xf32>,
      %parallel_loop3A_488 = vector.shape_cast %parallel_loop3A_487 : vector<1x16xf32> to vector<16xf32>
      %parallel_loop3A_489 = arith.mulf %parallel_loop3A_484, %parallel_loop3A_488 : vector<16xf32>
      %parallel_loop3A_490 = arith.addf %parallel_loop3A_462, %parallel_loop3A_489 : vector<16xf32>
      %parallel_loop3A_491 = arith.mulf %parallel_loop3A_484, %parallel_loop3A_484 : vector<16xf32>
      %parallel_loop3A_492 = arith.addf %parallel_loop3A_464, %parallel_loop3A_491 : vector<16xf32>
      %parallel_loop3A_493 = arith.mulf %parallel_loop3A_488, %parallel_loop3A_488 : vector<16xf32>
      %parallel_loop3A_494 = arith.addf %parallel_loop3A_466, %parallel_loop3A_493 : vector<16xf32>
      %parallel_loop3A_495 = arith.index_cast %parallel_loop3A_426 : i32 to index
      %parallel_loop3A_496 = arith.constant 64 : index
      %parallel_loop3A_497 = tpu.vector_load %arg8[%parallel_loop3A_495, %parallel_loop3A_496] {strides = array<i32>} : memref<128x128xf32, #tpu.memory_space<vmem>>, vector<1x16xf32>,
      %parallel_loop3A_498 = vector.shape_cast %parallel_loop3A_497 : vector<1x16xf32> to vector<16xf32>
      %parallel_loop3A_499 = arith.index_cast %parallel_loop3A_426 : i32 to index
      %parallel_loop3A_500 = arith.constant 64 : index
      %parallel_loop3A_501 = tpu.vector_load %arg10[%parallel_loop3A_499, %parallel_loop3A_500] {strides = array<i32>} : memref<128x128xf32, #tpu.memory_space<vmem>>, vector<1x16xf32>,
      %parallel_loop3A_502 = vector.shape_cast %parallel_loop3A_501 : vector<1x16xf32> to vector<16xf32>
      %parallel_loop3A_503 = arith.mulf %parallel_loop3A_498, %parallel_loop3A_502 : vector<16xf32>
      %parallel_loop3A_504 = arith.addf %parallel_loop3A_476, %parallel_loop3A_503 : vector<16xf32>
      %parallel_loop3A_505 = arith.mulf %parallel_loop3A_498, %parallel_loop3A_498 : vector<16xf32>
      %parallel_loop3A_506 = arith.addf %parallel_loop3A_478, %parallel_loop3A_505 : vector<16xf32>
      %parallel_loop3A_507 = arith.mulf %parallel_loop3A_502, %parallel_loop3A_502 : vector<16xf32>
      %parallel_loop3A_508 = arith.addf %parallel_loop3A_480, %parallel_loop3A_507 : vector<16xf32>
      %parallel_loop3A_509 = arith.index_cast %parallel_loop3A_426 : i32 to index
      %parallel_loop3A_510 = arith.constant 80 : index
      %parallel_loop3A_511 = tpu.vector_load %arg8[%parallel_loop3A_509, %parallel_loop3A_510] {strides = array<i32>} : memref<128x128xf32, #tpu.memory_space<vmem>>, vector<1x16xf32>,
      %parallel_loop3A_512 = vector.shape_cast %parallel_loop3A_511 : vector<1x16xf32> to vector<16xf32>
      %parallel_loop3A_513 = arith.index_cast %parallel_loop3A_426 : i32 to index
      %parallel_loop3A_514 = arith.constant 80 : index
      %parallel_loop3A_515 = tpu.vector_load %arg10[%parallel_loop3A_513, %parallel_loop3A_514] {strides = array<i32>} : memref<128x128xf32, #tpu.memory_space<vmem>>, vector<1x16xf32>,
      %parallel_loop3A_516 = vector.shape_cast %parallel_loop3A_515 : vector<1x16xf32> to vector<16xf32>
      %parallel_loop3A_517 = arith.mulf %parallel_loop3A_512, %parallel_loop3A_516 : vector<16xf32>
      %parallel_loop3A_518 = arith.addf %parallel_loop3A_490, %parallel_loop3A_517 : vector<16xf32>
      %parallel_loop3A_519 = arith.mulf %parallel_loop3A_512, %parallel_loop3A_512 : vector<16xf32>
      %parallel_loop3A_520 = arith.addf %parallel_loop3A_492, %parallel_loop3A_519 : vector<16xf32>
      %parallel_loop3A_521 = arith.mulf %parallel_loop3A_516, %parallel_loop3A_516 : vector<16xf32>
      %parallel_loop3A_522 = arith.addf %parallel_loop3A_494, %parallel_loop3A_521 : vector<16xf32>
      %parallel_loop3A_523 = arith.index_cast %parallel_loop3A_426 : i32 to index
      %parallel_loop3A_524 = arith.constant 96 : index
      %parallel_loop3A_525 = tpu.vector_load %arg8[%parallel_loop3A_523, %parallel_loop3A_524] {strides = array<i32>} : memref<128x128xf32, #tpu.memory_space<vmem>>, vector<1x16xf32>,
      %parallel_loop3A_526 = vector.shape_cast %parallel_loop3A_525 : vector<1x16xf32> to vector<16xf32>
      %parallel_loop3A_527 = arith.index_cast %parallel_loop3A_426 : i32 to index
      %parallel_loop3A_528 = arith.constant 96 : index
      %parallel_loop3A_529 = tpu.vector_load %arg10[%parallel_loop3A_527, %parallel_loop3A_528] {strides = array<i32>} : memref<128x128xf32, #tpu.memory_space<vmem>>, vector<1x16xf32>,
      %parallel_loop3A_530 = vector.shape_cast %parallel_loop3A_529 : vector<1x16xf32> to vector<16xf32>
      %parallel_loop3A_531 = arith.mulf %parallel_loop3A_526, %parallel_loop3A_530 : vector<16xf32>
      %parallel_loop3A_532 = arith.addf %parallel_loop3A_504, %parallel_loop3A_531 : vector<16xf32>
      %parallel_loop3A_533 = arith.mulf %parallel_loop3A_526, %parallel_loop3A_526 : vector<16xf32>
      %parallel_loop3A_534 = arith.addf %parallel_loop3A_506, %parallel_loop3A_533 : vector<16xf32>
      %parallel_loop3A_535 = arith.mulf %parallel_loop3A_530, %parallel_loop3A_530 : vector<16xf32>
      %parallel_loop3A_536 = arith.addf %parallel_loop3A_508, %parallel_loop3A_535 : vector<16xf32>
      %parallel_loop3A_537 = arith.index_cast %parallel_loop3A_426 : i32 to index
      %parallel_loop3A_538 = arith.constant 112 : index
      %parallel_loop3A_539 = tpu.vector_load %arg8[%parallel_loop3A_537, %parallel_loop3A_538] {strides = array<i32>} : memref<128x128xf32, #tpu.memory_space<vmem>>, vector<1x16xf32>,
      %parallel_loop3A_540 = vector.shape_cast %parallel_loop3A_539 : vector<1x16xf32> to vector<16xf32>
      %parallel_loop3A_541 = arith.index_cast %parallel_loop3A_426 : i32 to index
      %parallel_loop3A_542 = arith.constant 112 : index
      %parallel_loop3A_543 = tpu.vector_load %arg10[%parallel_loop3A_541, %parallel_loop3A_542] {strides = array<i32>} : memref<128x128xf32, #tpu.memory_space<vmem>>, vector<1x16xf32>,
      %parallel_loop3A_544 = vector.shape_cast %parallel_loop3A_543 : vector<1x16xf32> to vector<16xf32>
      %parallel_loop3A_545 = arith.mulf %parallel_loop3A_540, %parallel_loop3A_544 : vector<16xf32>
      %parallel_loop3A_546 = arith.addf %parallel_loop3A_518, %parallel_loop3A_545 : vector<16xf32>
      %parallel_loop3A_547 = arith.mulf %parallel_loop3A_540, %parallel_loop3A_540 : vector<16xf32>
      %parallel_loop3A_548 = arith.addf %parallel_loop3A_520, %parallel_loop3A_547 : vector<16xf32>
      %parallel_loop3A_549 = arith.mulf %parallel_loop3A_544, %parallel_loop3A_544 : vector<16xf32>
      %parallel_loop3A_550 = arith.addf %parallel_loop3A_522, %parallel_loop3A_549 : vector<16xf32>
      %parallel_loop3A_551 = arith.constant 384 : i32
      %parallel_loop3A_552 = arith.addi %parallel_loop3A_551, %parallel_loop3A_426 : i32
      %parallel_loop3A_553 = arith.constant 16 : i32
      %parallel_loop3A_554 = arith.muli %parallel_loop3A_552, %parallel_loop3A_553 : i32
      %parallel_loop3A_555 = arith.addf %parallel_loop3A_532, %parallel_loop3A_546 : vector<16xf32>
      %parallel_loop3A_556 = arith.index_cast %parallel_loop3A_554 : i32 to index
      %parallel_loop3A_557 = tpu.vector_load %arg11[%parallel_loop3A_556] {strides = array<i32>} : memref<8192xf32, #tpu.memory_space<vmem>>, vector<16xf32>,
      %parallel_loop3A_558 = vector.shape_cast %parallel_loop3A_557 : vector<16xf32> to vector<16xf32>
      %parallel_loop3A_559 = vector.shape_cast %parallel_loop3A_555 : vector<16xf32> to vector<16xf32>
      tpu.vector_store %arg11[%parallel_loop3A_556], %parallel_loop3A_559 {strides = array<i32>} : memref<8192xf32, #tpu.memory_space<vmem>>, vector<16xf32>,
      %parallel_loop3A_560 = arith.addf %parallel_loop3A_534, %parallel_loop3A_548 : vector<16xf32>
      %parallel_loop3A_561 = arith.index_cast %parallel_loop3A_554 : i32 to index
      %parallel_loop3A_562 = tpu.vector_load %arg12[%parallel_loop3A_561] {strides = array<i32>} : memref<8192xf32, #tpu.memory_space<vmem>>, vector<16xf32>,
      %parallel_loop3A_563 = vector.shape_cast %parallel_loop3A_562 : vector<16xf32> to vector<16xf32>
      %parallel_loop3A_564 = vector.shape_cast %parallel_loop3A_560 : vector<16xf32> to vector<16xf32>
      tpu.vector_store %arg12[%parallel_loop3A_561], %parallel_loop3A_564 {strides = array<i32>} : memref<8192xf32, #tpu.memory_space<vmem>>, vector<16xf32>,
      %parallel_loop3A_565 = arith.addf %parallel_loop3A_536, %parallel_loop3A_550 : vector<16xf32>
      %parallel_loop3A_566 = arith.index_cast %parallel_loop3A_554 : i32 to index
      %parallel_loop3A_567 = tpu.vector_load %arg13[%parallel_loop3A_566] {strides = array<i32>} : memref<8192xf32, #tpu.memory_space<vmem>>, vector<16xf32>,
      %parallel_loop3A_568 = vector.shape_cast %parallel_loop3A_567 : vector<16xf32> to vector<16xf32>
      %parallel_loop3A_569 = vector.shape_cast %parallel_loop3A_565 : vector<16xf32> to vector<16xf32>
      tpu.vector_store %arg13[%parallel_loop3A_566], %parallel_loop3A_569 {strides = array<i32>} : memref<8192xf32, #tpu.memory_space<vmem>>, vector<16xf32>,
    } {sc.loop_unroll_factor = 4 : i64, sc.parallel_access}
    %mul3A_230 = arith.constant 4 : i32
    %mul3A_231 = arith.muli %add3A, %mul3A_230 : i32
    %add3A_232 = arith.constant 2 : i32
    %add3A_233 = arith.addi %mul3A_231, %add3A_232 : i32
    %dma_start3A_234 = arith.constant 4096 : i32
    %dma_start3A_235 = tpu.memref_slice %arg11[%dma_start3A_234] : memref<8192xf32, #tpu.memory_space<vmem>> -> memref<2048xf32, #tpu.memory_space<vmem>>
    %dma_start3A_236 = arith.constant 0 : i32
    %dma_start3A_237 = tpu.memref_slice %arg5[%add3A_233, %dma_start3A_236] : memref<384x2048xf32, #tpu.memory_space<hbm>> -> memref<1x2048xf32, #tpu.memory_space<hbm>>
    %dma_start3A_238 = tpu.memref_squeeze %dma_start3A_237 : memref<1x2048xf32, #tpu.memory_space<hbm>> -> memref<2048xf32, #tpu.memory_space<hbm>>
    %dma_start3A_239 = arith.constant 0 : i32
    %dma_start3A_240 = tpu.memref_slice %arg5[%add3A_233, %dma_start3A_239] : memref<384x2048xf32, #tpu.memory_space<hbm>> -> memref<1x2048xf32, #tpu.memory_space<hbm>>
    %dma_start3A_241 = tpu.memref_squeeze %dma_start3A_240 : memref<1x2048xf32, #tpu.memory_space<hbm>> -> memref<2048xf32, #tpu.memory_space<hbm>>
    %dma_start3A_242 = arith.constant 4096 : i32
    %dma_start3A_243 = tpu.memref_slice %arg11[%dma_start3A_242] : memref<8192xf32, #tpu.memory_space<vmem>> -> memref<2048xf32, #tpu.memory_space<vmem>>
    tpu.enqueue_dma source(%dma_start3A_243 : memref<2048xf32, #tpu.memory_space<vmem>>) target(%dma_start3A_241 : memref<2048xf32, #tpu.memory_space<hbm>>) target_semaphore(%arg18 : memref<!tpu.dma_semaphore, #tpu.memory_space<semaphore_mem>>)
    %add3A_244 = arith.constant 128 : i32
    %add3A_245 = arith.addi %add3A_244, %add3A_233 : i32
    %dma_start3A_246 = arith.constant 4096 : i32
    %dma_start3A_247 = tpu.memref_slice %arg12[%dma_start3A_246] : memref<8192xf32, #tpu.memory_space<vmem>> -> memref<2048xf32, #tpu.memory_space<vmem>>
    %dma_start3A_248 = arith.constant 0 : i32
    %dma_start3A_249 = tpu.memref_slice %arg5[%add3A_245, %dma_start3A_248] : memref<384x2048xf32, #tpu.memory_space<hbm>> -> memref<1x2048xf32, #tpu.memory_space<hbm>>
    %dma_start3A_250 = tpu.memref_squeeze %dma_start3A_249 : memref<1x2048xf32, #tpu.memory_space<hbm>> -> memref<2048xf32, #tpu.memory_space<hbm>>
    %dma_start3A_251 = arith.constant 0 : i32
    %dma_start3A_252 = tpu.memref_slice %arg5[%add3A_245, %dma_start3A_251] : memref<384x2048xf32, #tpu.memory_space<hbm>> -> memref<1x2048xf32, #tpu.memory_space<hbm>>
    %dma_start3A_253 = tpu.memref_squeeze %dma_start3A_252 : memref<1x2048xf32, #tpu.memory_space<hbm>> -> memref<2048xf32, #tpu.memory_space<hbm>>
    %dma_start3A_254 = arith.constant 4096 : i32
    %dma_start3A_255 = tpu.memref_slice %arg12[%dma_start3A_254] : memref<8192xf32, #tpu.memory_space<vmem>> -> memref<2048xf32, #tpu.memory_space<vmem>>
    tpu.enqueue_dma source(%dma_start3A_255 : memref<2048xf32, #tpu.memory_space<vmem>>) target(%dma_start3A_253 : memref<2048xf32, #tpu.memory_space<hbm>>) target_semaphore(%arg18 : memref<!tpu.dma_semaphore, #tpu.memory_space<semaphore_mem>>)
    %add3A_256 = arith.constant 256 : i32
    %add3A_257 = arith.addi %add3A_256, %add3A_233 : i32
    %dma_start3A_258 = arith.constant 4096 : i32
    %dma_start3A_259 = tpu.memref_slice %arg13[%dma_start3A_258] : memref<8192xf32, #tpu.memory_space<vmem>> -> memref<2048xf32, #tpu.memory_space<vmem>>
    %dma_start3A_260 = arith.constant 0 : i32
    %dma_start3A_261 = tpu.memref_slice %arg5[%add3A_257, %dma_start3A_260] : memref<384x2048xf32, #tpu.memory_space<hbm>> -> memref<1x2048xf32, #tpu.memory_space<hbm>>
    %dma_start3A_262 = tpu.memref_squeeze %dma_start3A_261 : memref<1x2048xf32, #tpu.memory_space<hbm>> -> memref<2048xf32, #tpu.memory_space<hbm>>
    %dma_start3A_263 = arith.constant 0 : i32
    %dma_start3A_264 = tpu.memref_slice %arg5[%add3A_257, %dma_start3A_263] : memref<384x2048xf32, #tpu.memory_space<hbm>> -> memref<1x2048xf32, #tpu.memory_space<hbm>>
    %dma_start3A_265 = tpu.memref_squeeze %dma_start3A_264 : memref<1x2048xf32, #tpu.memory_space<hbm>> -> memref<2048xf32, #tpu.memory_space<hbm>>
    %dma_start3A_266 = arith.constant 4096 : i32
    %dma_start3A_267 = tpu.memref_slice %arg13[%dma_start3A_266] : memref<8192xf32, #tpu.memory_space<vmem>> -> memref<2048xf32, #tpu.memory_space<vmem>>
    tpu.enqueue_dma source(%dma_start3A_267 : memref<2048xf32, #tpu.memory_space<vmem>>) target(%dma_start3A_265 : memref<2048xf32, #tpu.memory_space<hbm>>) target_semaphore(%arg18 : memref<!tpu.dma_semaphore, #tpu.memory_space<semaphore_mem>>)
    %mul3A_268 = arith.constant 4 : i32
    %mul3A_269 = arith.muli %add3A, %mul3A_268 : i32
    %add3A_270 = arith.constant 3 : i32
    %add3A_271 = arith.addi %mul3A_269, %add3A_270 : i32
    %dma_start3A_272 = arith.constant 6144 : i32
    %dma_start3A_273 = tpu.memref_slice %arg11[%dma_start3A_272] : memref<8192xf32, #tpu.memory_space<vmem>> -> memref<2048xf32, #tpu.memory_space<vmem>>
    %dma_start3A_274 = arith.constant 0 : i32
    %dma_start3A_275 = tpu.memref_slice %arg5[%add3A_271, %dma_start3A_274] : memref<384x2048xf32, #tpu.memory_space<hbm>> -> memref<1x2048xf32, #tpu.memory_space<hbm>>
    %dma_start3A_276 = tpu.memref_squeeze %dma_start3A_275 : memref<1x2048xf32, #tpu.memory_space<hbm>> -> memref<2048xf32, #tpu.memory_space<hbm>>
    %dma_start3A_277 = arith.constant 0 : i32
    %dma_start3A_278 = tpu.memref_slice %arg5[%add3A_271, %dma_start3A_277] : memref<384x2048xf32, #tpu.memory_space<hbm>> -> memref<1x2048xf32, #tpu.memory_space<hbm>>
    %dma_start3A_279 = tpu.memref_squeeze %dma_start3A_278 : memref<1x2048xf32, #tpu.memory_space<hbm>> -> memref<2048xf32, #tpu.memory_space<hbm>>
    %dma_start3A_280 = arith.constant 6144 : i32
    %dma_start3A_281 = tpu.memref_slice %arg11[%dma_start3A_280] : memref<8192xf32, #tpu.memory_space<vmem>> -> memref<2048xf32, #tpu.memory_space<vmem>>
    tpu.enqueue_dma source(%dma_start3A_281 : memref<2048xf32, #tpu.memory_space<vmem>>) target(%dma_start3A_279 : memref<2048xf32, #tpu.memory_space<hbm>>) target_semaphore(%arg18 : memref<!tpu.dma_semaphore, #tpu.memory_space<semaphore_mem>>)
    %add3A_282 = arith.constant 128 : i32
    %add3A_283 = arith.addi %add3A_282, %add3A_271 : i32
    %dma_start3A_284 = arith.constant 6144 : i32
    %dma_start3A_285 = tpu.memref_slice %arg12[%dma_start3A_284] : memref<8192xf32, #tpu.memory_space<vmem>> -> memref<2048xf32, #tpu.memory_space<vmem>>
    %dma_start3A_286 = arith.constant 0 : i32
    %dma_start3A_287 = tpu.memref_slice %arg5[%add3A_283, %dma_start3A_286] : memref<384x2048xf32, #tpu.memory_space<hbm>> -> memref<1x2048xf32, #tpu.memory_space<hbm>>
    %dma_start3A_288 = tpu.memref_squeeze %dma_start3A_287 : memref<1x2048xf32, #tpu.memory_space<hbm>> -> memref<2048xf32, #tpu.memory_space<hbm>>
    %dma_start3A_289 = arith.constant 0 : i32
    %dma_start3A_290 = tpu.memref_slice %arg5[%add3A_283, %dma_start3A_289] : memref<384x2048xf32, #tpu.memory_space<hbm>> -> memref<1x2048xf32, #tpu.memory_space<hbm>>
    %dma_start3A_291 = tpu.memref_squeeze %dma_start3A_290 : memref<1x2048xf32, #tpu.memory_space<hbm>> -> memref<2048xf32, #tpu.memory_space<hbm>>
    %dma_start3A_292 = arith.constant 6144 : i32
    %dma_start3A_293 = tpu.memref_slice %arg12[%dma_start3A_292] : memref<8192xf32, #tpu.memory_space<vmem>> -> memref<2048xf32, #tpu.memory_space<vmem>>
    tpu.enqueue_dma source(%dma_start3A_293 : memref<2048xf32, #tpu.memory_space<vmem>>) target(%dma_start3A_291 : memref<2048xf32, #tpu.memory_space<hbm>>) target_semaphore(%arg18 : memref<!tpu.dma_semaphore, #tpu.memory_space<semaphore_mem>>)
    %add3A_294 = arith.constant 256 : i32
    %add3A_295 = arith.addi %add3A_294, %add3A_271 : i32
    %dma_start3A_296 = arith.constant 6144 : i32
    %dma_start3A_297 = tpu.memref_slice %arg13[%dma_start3A_296] : memref<8192xf32, #tpu.memory_space<vmem>> -> memref<2048xf32, #tpu.memory_space<vmem>>
    %dma_start3A_298 = arith.constant 0 : i32
    %dma_start3A_299 = tpu.memref_slice %arg5[%add3A_295, %dma_start3A_298] : memref<384x2048xf32, #tpu.memory_space<hbm>> -> memref<1x2048xf32, #tpu.memory_space<hbm>>
    %dma_start3A_300 = tpu.memref_squeeze %dma_start3A_299 : memref<1x2048xf32, #tpu.memory_space<hbm>> -> memref<2048xf32, #tpu.memory_space<hbm>>
    %dma_start3A_301 = arith.constant 0 : i32
    %dma_start3A_302 = tpu.memref_slice %arg5[%add3A_295, %dma_start3A_301] : memref<384x2048xf32, #tpu.memory_space<hbm>> -> memref<1x2048xf32, #tpu.memory_space<hbm>>
    %dma_start3A_303 = tpu.memref_squeeze %dma_start3A_302 : memref<1x2048xf32, #tpu.memory_space<hbm>> -> memref<2048xf32, #tpu.memory_space<hbm>>
    %dma_start3A_304 = arith.constant 6144 : i32
    %dma_start3A_305 = tpu.memref_slice %arg13[%dma_start3A_304] : memref<8192xf32, #tpu.memory_space<vmem>> -> memref<2048xf32, #tpu.memory_space<vmem>>
    tpu.enqueue_dma source(%dma_start3A_305 : memref<2048xf32, #tpu.memory_space<vmem>>) target(%dma_start3A_303 : memref<2048xf32, #tpu.memory_space<hbm>>) target_semaphore(%arg18 : memref<!tpu.dma_semaphore, #tpu.memory_space<semaphore_mem>>)
    %dma_wait3A_306 = arith.constant 0 : i32
    %dma_wait3A_307 = tpu.memref_slice %arg11[%dma_wait3A_306] : memref<8192xf32, #tpu.memory_space<vmem>> -> memref<2048xf32, #tpu.memory_space<vmem>>
    %dma_wait3A_308 = arith.constant 0 : i32
    %dma_wait3A_309 = tpu.memref_slice %arg5[%add3A_119, %dma_wait3A_308] : memref<384x2048xf32, #tpu.memory_space<hbm>> -> memref<1x2048xf32, #tpu.memory_space<hbm>>
    %dma_wait3A_310 = tpu.memref_squeeze %dma_wait3A_309 : memref<1x2048xf32, #tpu.memory_space<hbm>> -> memref<2048xf32, #tpu.memory_space<hbm>>
    %dma_wait3A_311 = arith.constant 0 : i32
    %dma_wait3A_312 = tpu.memref_slice %arg5[%add3A_119, %dma_wait3A_311] : memref<384x2048xf32, #tpu.memory_space<hbm>> -> memref<1x2048xf32, #tpu.memory_space<hbm>>
    %dma_wait3A_313 = tpu.memref_squeeze %dma_wait3A_312 : memref<1x2048xf32, #tpu.memory_space<hbm>> -> memref<2048xf32, #tpu.memory_space<hbm>>
    %dma_wait3A_314 = arith.constant 0 : i32
    %dma_wait3A_315 = tpu.memref_slice %arg11[%dma_wait3A_314] : memref<8192xf32, #tpu.memory_space<vmem>> -> memref<2048xf32, #tpu.memory_space<vmem>>
    tpu.wait_dma2 semaphore(%arg18 : memref<!tpu.dma_semaphore, #tpu.memory_space<semaphore_mem>>) src(%dma_wait3A_315 : memref<2048xf32, #tpu.memory_space<vmem>>) dst(%dma_wait3A_313 : memref<2048xf32, #tpu.memory_space<hbm>>)
    %dma_wait3A_316 = arith.constant 0 : i32
    %dma_wait3A_317 = tpu.memref_slice %arg12[%dma_wait3A_316] : memref<8192xf32, #tpu.memory_space<vmem>> -> memref<2048xf32, #tpu.memory_space<vmem>>
    %dma_wait3A_318 = arith.constant 0 : i32
    %dma_wait3A_319 = tpu.memref_slice %arg5[%add3A_131, %dma_wait3A_318] : memref<384x2048xf32, #tpu.memory_space<hbm>> -> memref<1x2048xf32, #tpu.memory_space<hbm>>
    %dma_wait3A_320 = tpu.memref_squeeze %dma_wait3A_319 : memref<1x2048xf32, #tpu.memory_space<hbm>> -> memref<2048xf32, #tpu.memory_space<hbm>>
    %dma_wait3A_321 = arith.constant 0 : i32
    %dma_wait3A_322 = tpu.memref_slice %arg5[%add3A_131, %dma_wait3A_321] : memref<384x2048xf32, #tpu.memory_space<hbm>> -> memref<1x2048xf32, #tpu.memory_space<hbm>>
    %dma_wait3A_323 = tpu.memref_squeeze %dma_wait3A_322 : memref<1x2048xf32, #tpu.memory_space<hbm>> -> memref<2048xf32, #tpu.memory_space<hbm>>
    %dma_wait3A_324 = arith.constant 0 : i32
    %dma_wait3A_325 = tpu.memref_slice %arg12[%dma_wait3A_324] : memref<8192xf32, #tpu.memory_space<vmem>> -> memref<2048xf32, #tpu.memory_space<vmem>>
    tpu.wait_dma2 semaphore(%arg18 : memref<!tpu.dma_semaphore, #tpu.memory_space<semaphore_mem>>) src(%dma_wait3A_325 : memref<2048xf32, #tpu.memory_space<vmem>>) dst(%dma_wait3A_323 : memref<2048xf32, #tpu.memory_space<hbm>>)
    %dma_wait3A_326 = arith.constant 0 : i32
    %dma_wait3A_327 = tpu.memref_slice %arg13[%dma_wait3A_326] : memref<8192xf32, #tpu.memory_space<vmem>> -> memref<2048xf32, #tpu.memory_space<vmem>>
    %dma_wait3A_328 = arith.constant 0 : i32
    %dma_wait3A_329 = tpu.memref_slice %arg5[%add3A_143, %dma_wait3A_328] : memref<384x2048xf32, #tpu.memory_space<hbm>> -> memref<1x2048xf32, #tpu.memory_space<hbm>>
    %dma_wait3A_330 = tpu.memref_squeeze %dma_wait3A_329 : memref<1x2048xf32, #tpu.memory_space<hbm>> -> memref<2048xf32, #tpu.memory_space<hbm>>
    %dma_wait3A_331 = arith.constant 0 : i32
    %dma_wait3A_332 = tpu.memref_slice %arg5[%add3A_143, %dma_wait3A_331] : memref<384x2048xf32, #tpu.memory_space<hbm>> -> memref<1x2048xf32, #tpu.memory_space<hbm>>
    %dma_wait3A_333 = tpu.memref_squeeze %dma_wait3A_332 : memref<1x2048xf32, #tpu.memory_space<hbm>> -> memref<2048xf32, #tpu.memory_space<hbm>>
    %dma_wait3A_334 = arith.constant 0 : i32
    %dma_wait3A_335 = tpu.memref_slice %arg13[%dma_wait3A_334] : memref<8192xf32, #tpu.memory_space<vmem>> -> memref<2048xf32, #tpu.memory_space<vmem>>
    tpu.wait_dma2 semaphore(%arg18 : memref<!tpu.dma_semaphore, #tpu.memory_space<semaphore_mem>>) src(%dma_wait3A_335 : memref<2048xf32, #tpu.memory_space<vmem>>) dst(%dma_wait3A_333 : memref<2048xf32, #tpu.memory_space<hbm>>)
    %dma_wait3A_336 = arith.constant 2048 : i32
    %dma_wait3A_337 = tpu.memref_slice %arg11[%dma_wait3A_336] : memref<8192xf32, #tpu.memory_space<vmem>> -> memref<2048xf32, #tpu.memory_space<vmem>>
    %dma_wait3A_338 = arith.constant 0 : i32
    %dma_wait3A_339 = tpu.memref_slice %arg5[%add3A_176, %dma_wait3A_338] : memref<384x2048xf32, #tpu.memory_space<hbm>> -> memref<1x2048xf32, #tpu.memory_space<hbm>>
    %dma_wait3A_340 = tpu.memref_squeeze %dma_wait3A_339 : memref<1x2048xf32, #tpu.memory_space<hbm>> -> memref<2048xf32, #tpu.memory_space<hbm>>
    %dma_wait3A_341 = arith.constant 0 : i32
    %dma_wait3A_342 = tpu.memref_slice %arg5[%add3A_176, %dma_wait3A_341] : memref<384x2048xf32, #tpu.memory_space<hbm>> -> memref<1x2048xf32, #tpu.memory_space<hbm>>
    %dma_wait3A_343 = tpu.memref_squeeze %dma_wait3A_342 : memref<1x2048xf32, #tpu.memory_space<hbm>> -> memref<2048xf32, #tpu.memory_space<hbm>>
    %dma_wait3A_344 = arith.constant 2048 : i32
    %dma_wait3A_345 = tpu.memref_slice %arg11[%dma_wait3A_344] : memref<8192xf32, #tpu.memory_space<vmem>> -> memref<2048xf32, #tpu.memory_space<vmem>>
    tpu.wait_dma2 semaphore(%arg18 : memref<!tpu.dma_semaphore, #tpu.memory_space<semaphore_mem>>) src(%dma_wait3A_345 : memref<2048xf32, #tpu.memory_space<vmem>>) dst(%dma_wait3A_343 : memref<2048xf32, #tpu.memory_space<hbm>>)
    %dma_wait3A_346 = arith.constant 2048 : i32
    %dma_wait3A_347 = tpu.memref_slice %arg12[%dma_wait3A_346] : memref<8192xf32, #tpu.memory_space<vmem>> -> memref<2048xf32, #tpu.memory_space<vmem>>
    %dma_wait3A_348 = arith.constant 0 : i32
    %dma_wait3A_349 = tpu.memref_slice %arg5[%add3A_188, %dma_wait3A_348] : memref<384x2048xf32, #tpu.memory_space<hbm>> -> memref<1x2048xf32, #tpu.memory_space<hbm>>
    %dma_wait3A_350 = tpu.memref_squeeze %dma_wait3A_349 : memref<1x2048xf32, #tpu.memory_space<hbm>> -> memref<2048xf32, #tpu.memory_space<hbm>>
    %dma_wait3A_351 = arith.constant 0 : i32
    %dma_wait3A_352 = tpu.memref_slice %arg5[%add3A_188, %dma_wait3A_351] : memref<384x2048xf32, #tpu.memory_space<hbm>> -> memref<1x2048xf32, #tpu.memory_space<hbm>>
    %dma_wait3A_353 = tpu.memref_squeeze %dma_wait3A_352 : memref<1x2048xf32, #tpu.memory_space<hbm>> -> memref<2048xf32, #tpu.memory_space<hbm>>
    %dma_wait3A_354 = arith.constant 2048 : i32
    %dma_wait3A_355 = tpu.memref_slice %arg12[%dma_wait3A_354] : memref<8192xf32, #tpu.memory_space<vmem>> -> memref<2048xf32, #tpu.memory_space<vmem>>
    tpu.wait_dma2 semaphore(%arg18 : memref<!tpu.dma_semaphore, #tpu.memory_space<semaphore_mem>>) src(%dma_wait3A_355 : memref<2048xf32, #tpu.memory_space<vmem>>) dst(%dma_wait3A_353 : memref<2048xf32, #tpu.memory_space<hbm>>)
    %dma_wait3A_356 = arith.constant 2048 : i32
    %dma_wait3A_357 = tpu.memref_slice %arg13[%dma_wait3A_356] : memref<8192xf32, #tpu.memory_space<vmem>> -> memref<2048xf32, #tpu.memory_space<vmem>>
    %dma_wait3A_358 = arith.constant 0 : i32
    %dma_wait3A_359 = tpu.memref_slice %arg5[%add3A_200, %dma_wait3A_358] : memref<384x2048xf32, #tpu.memory_space<hbm>> -> memref<1x2048xf32, #tpu.memory_space<hbm>>
    %dma_wait3A_360 = tpu.memref_squeeze %dma_wait3A_359 : memref<1x2048xf32, #tpu.memory_space<hbm>> -> memref<2048xf32, #tpu.memory_space<hbm>>
    %dma_wait3A_361 = arith.constant 0 : i32
    %dma_wait3A_362 = tpu.memref_slice %arg5[%add3A_200, %dma_wait3A_361] : memref<384x2048xf32, #tpu.memory_space<hbm>> -> memref<1x2048xf32, #tpu.memory_space<hbm>>
    %dma_wait3A_363 = tpu.memref_squeeze %dma_wait3A_362 : memref<1x2048xf32, #tpu.memory_space<hbm>> -> memref<2048xf32, #tpu.memory_space<hbm>>
    %dma_wait3A_364 = arith.constant 2048 : i32
    %dma_wait3A_365 = tpu.memref_slice %arg13[%dma_wait3A_364] : memref<8192xf32, #tpu.memory_space<vmem>> -> memref<2048xf32, #tpu.memory_space<vmem>>
    tpu.wait_dma2 semaphore(%arg18 : memref<!tpu.dma_semaphore, #tpu.memory_space<semaphore_mem>>) src(%dma_wait3A_365 : memref<2048xf32, #tpu.memory_space<vmem>>) dst(%dma_wait3A_363 : memref<2048xf32, #tpu.memory_space<hbm>>)
    %dma_wait3A_366 = arith.constant 4096 : i32
    %dma_wait3A_367 = tpu.memref_slice %arg11[%dma_wait3A_366] : memref<8192xf32, #tpu.memory_space<vmem>> -> memref<2048xf32, #tpu.memory_space<vmem>>
    %dma_wait3A_368 = arith.constant 0 : i32
    %dma_wait3A_369 = tpu.memref_slice %arg5[%add3A_233, %dma_wait3A_368] : memref<384x2048xf32, #tpu.memory_space<hbm>> -> memref<1x2048xf32, #tpu.memory_space<hbm>>
    %dma_wait3A_370 = tpu.memref_squeeze %dma_wait3A_369 : memref<1x2048xf32, #tpu.memory_space<hbm>> -> memref<2048xf32, #tpu.memory_space<hbm>>
    %dma_wait3A_371 = arith.constant 0 : i32
    %dma_wait3A_372 = tpu.memref_slice %arg5[%add3A_233, %dma_wait3A_371] : memref<384x2048xf32, #tpu.memory_space<hbm>> -> memref<1x2048xf32, #tpu.memory_space<hbm>>
    %dma_wait3A_373 = tpu.memref_squeeze %dma_wait3A_372 : memref<1x2048xf32, #tpu.memory_space<hbm>> -> memref<2048xf32, #tpu.memory_space<hbm>>
    %dma_wait3A_374 = arith.constant 4096 : i32
    %dma_wait3A_375 = tpu.memref_slice %arg11[%dma_wait3A_374] : memref<8192xf32, #tpu.memory_space<vmem>> -> memref<2048xf32, #tpu.memory_space<vmem>>
    tpu.wait_dma2 semaphore(%arg18 : memref<!tpu.dma_semaphore, #tpu.memory_space<semaphore_mem>>) src(%dma_wait3A_375 : memref<2048xf32, #tpu.memory_space<vmem>>) dst(%dma_wait3A_373 : memref<2048xf32, #tpu.memory_space<hbm>>)
    %dma_wait3A_376 = arith.constant 4096 : i32
    %dma_wait3A_377 = tpu.memref_slice %arg12[%dma_wait3A_376] : memref<8192xf32, #tpu.memory_space<vmem>> -> memref<2048xf32, #tpu.memory_space<vmem>>
    %dma_wait3A_378 = arith.constant 0 : i32
    %dma_wait3A_379 = tpu.memref_slice %arg5[%add3A_245, %dma_wait3A_378] : memref<384x2048xf32, #tpu.memory_space<hbm>> -> memref<1x2048xf32, #tpu.memory_space<hbm>>
    %dma_wait3A_380 = tpu.memref_squeeze %dma_wait3A_379 : memref<1x2048xf32, #tpu.memory_space<hbm>> -> memref<2048xf32, #tpu.memory_space<hbm>>
    %dma_wait3A_381 = arith.constant 0 : i32
    %dma_wait3A_382 = tpu.memref_slice %arg5[%add3A_245, %dma_wait3A_381] : memref<384x2048xf32, #tpu.memory_space<hbm>> -> memref<1x2048xf32, #tpu.memory_space<hbm>>
    %dma_wait3A_383 = tpu.memref_squeeze %dma_wait3A_382 : memref<1x2048xf32, #tpu.memory_space<hbm>> -> memref<2048xf32, #tpu.memory_space<hbm>>
    %dma_wait3A_384 = arith.constant 4096 : i32
    %dma_wait3A_385 = tpu.memref_slice %arg12[%dma_wait3A_384] : memref<8192xf32, #tpu.memory_space<vmem>> -> memref<2048xf32, #tpu.memory_space<vmem>>
    tpu.wait_dma2 semaphore(%arg18 : memref<!tpu.dma_semaphore, #tpu.memory_space<semaphore_mem>>) src(%dma_wait3A_385 : memref<2048xf32, #tpu.memory_space<vmem>>) dst(%dma_wait3A_383 : memref<2048xf32, #tpu.memory_space<hbm>>)
    %dma_wait3A_386 = arith.constant 4096 : i32
    %dma_wait3A_387 = tpu.memref_slice %arg13[%dma_wait3A_386] : memref<8192xf32, #tpu.memory_space<vmem>> -> memref<2048xf32, #tpu.memory_space<vmem>>
    %dma_wait3A_388 = arith.constant 0 : i32
    %dma_wait3A_389 = tpu.memref_slice %arg5[%add3A_257, %dma_wait3A_388] : memref<384x2048xf32, #tpu.memory_space<hbm>> -> memref<1x2048xf32, #tpu.memory_space<hbm>>
    %dma_wait3A_390 = tpu.memref_squeeze %dma_wait3A_389 : memref<1x2048xf32, #tpu.memory_space<hbm>> -> memref<2048xf32, #tpu.memory_space<hbm>>
    %dma_wait3A_391 = arith.constant 0 : i32
    %dma_wait3A_392 = tpu.memref_slice %arg5[%add3A_257, %dma_wait3A_391] : memref<384x2048xf32, #tpu.memory_space<hbm>> -> memref<1x2048xf32, #tpu.memory_space<hbm>>
    %dma_wait3A_393 = tpu.memref_squeeze %dma_wait3A_392 : memref<1x2048xf32, #tpu.memory_space<hbm>> -> memref<2048xf32, #tpu.memory_space<hbm>>
    %dma_wait3A_394 = arith.constant 4096 : i32
    %dma_wait3A_395 = tpu.memref_slice %arg13[%dma_wait3A_394] : memref<8192xf32, #tpu.memory_space<vmem>> -> memref<2048xf32, #tpu.memory_space<vmem>>
    tpu.wait_dma2 semaphore(%arg18 : memref<!tpu.dma_semaphore, #tpu.memory_space<semaphore_mem>>) src(%dma_wait3A_395 : memref<2048xf32, #tpu.memory_space<vmem>>) dst(%dma_wait3A_393 : memref<2048xf32, #tpu.memory_space<hbm>>)
    %dma_wait3A_396 = arith.constant 6144 : i32
    %dma_wait3A_397 = tpu.memref_slice %arg11[%dma_wait3A_396] : memref<8192xf32, #tpu.memory_space<vmem>> -> memref<2048xf32, #tpu.memory_space<vmem>>
    %dma_wait3A_398 = arith.constant 0 : i32
    %dma_wait3A_399 = tpu.memref_slice %arg5[%add3A_271, %dma_wait3A_398] : memref<384x2048xf32, #tpu.memory_space<hbm>> -> memref<1x2048xf32, #tpu.memory_space<hbm>>
    %dma_wait3A_400 = tpu.memref_squeeze %dma_wait3A_399 : memref<1x2048xf32, #tpu.memory_space<hbm>> -> memref<2048xf32, #tpu.memory_space<hbm>>
    %dma_wait3A_401 = arith.constant 0 : i32
    %dma_wait3A_402 = tpu.memref_slice %arg5[%add3A_271, %dma_wait3A_401] : memref<384x2048xf32, #tpu.memory_space<hbm>> -> memref<1x2048xf32, #tpu.memory_space<hbm>>
    %dma_wait3A_403 = tpu.memref_squeeze %dma_wait3A_402 : memref<1x2048xf32, #tpu.memory_space<hbm>> -> memref<2048xf32, #tpu.memory_space<hbm>>
    %dma_wait3A_404 = arith.constant 6144 : i32
    %dma_wait3A_405 = tpu.memref_slice %arg11[%dma_wait3A_404] : memref<8192xf32, #tpu.memory_space<vmem>> -> memref<2048xf32, #tpu.memory_space<vmem>>
    tpu.wait_dma2 semaphore(%arg18 : memref<!tpu.dma_semaphore, #tpu.memory_space<semaphore_mem>>) src(%dma_wait3A_405 : memref<2048xf32, #tpu.memory_space<vmem>>) dst(%dma_wait3A_403 : memref<2048xf32, #tpu.memory_space<hbm>>)
    %dma_wait3A_406 = arith.constant 6144 : i32
    %dma_wait3A_407 = tpu.memref_slice %arg12[%dma_wait3A_406] : memref<8192xf32, #tpu.memory_space<vmem>> -> memref<2048xf32, #tpu.memory_space<vmem>>
    %dma_wait3A_408 = arith.constant 0 : i32
    %dma_wait3A_409 = tpu.memref_slice %arg5[%add3A_283, %dma_wait3A_408] : memref<384x2048xf32, #tpu.memory_space<hbm>> -> memref<1x2048xf32, #tpu.memory_space<hbm>>
    %dma_wait3A_410 = tpu.memref_squeeze %dma_wait3A_409 : memref<1x2048xf32, #tpu.memory_space<hbm>> -> memref<2048xf32, #tpu.memory_space<hbm>>
    %dma_wait3A_411 = arith.constant 0 : i32
    %dma_wait3A_412 = tpu.memref_slice %arg5[%add3A_283, %dma_wait3A_411] : memref<384x2048xf32, #tpu.memory_space<hbm>> -> memref<1x2048xf32, #tpu.memory_space<hbm>>
    %dma_wait3A_413 = tpu.memref_squeeze %dma_wait3A_412 : memref<1x2048xf32, #tpu.memory_space<hbm>> -> memref<2048xf32, #tpu.memory_space<hbm>>
    %dma_wait3A_414 = arith.constant 6144 : i32
    %dma_wait3A_415 = tpu.memref_slice %arg12[%dma_wait3A_414] : memref<8192xf32, #tpu.memory_space<vmem>> -> memref<2048xf32, #tpu.memory_space<vmem>>
    tpu.wait_dma2 semaphore(%arg18 : memref<!tpu.dma_semaphore, #tpu.memory_space<semaphore_mem>>) src(%dma_wait3A_415 : memref<2048xf32, #tpu.memory_space<vmem>>) dst(%dma_wait3A_413 : memref<2048xf32, #tpu.memory_space<hbm>>)
    %dma_wait3A_416 = arith.constant 6144 : i32
    %dma_wait3A_417 = tpu.memref_slice %arg13[%dma_wait3A_416] : memref<8192xf32, #tpu.memory_space<vmem>> -> memref<2048xf32, #tpu.memory_space<vmem>>
    %dma_wait3A_418 = arith.constant 0 : i32
    %dma_wait3A_419 = tpu.memref_slice %arg5[%add3A_295, %dma_wait3A_418] : memref<384x2048xf32, #tpu.memory_space<hbm>> -> memref<1x2048xf32, #tpu.memory_space<hbm>>
    %dma_wait3A_420 = tpu.memref_squeeze %dma_wait3A_419 : memref<1x2048xf32, #tpu.memory_space<hbm>> -> memref<2048xf32, #tpu.memory_space<hbm>>
    %dma_wait3A_421 = arith.constant 0 : i32
    %dma_wait3A_422 = tpu.memref_slice %arg5[%add3A_295, %dma_wait3A_421] : memref<384x2048xf32, #tpu.memory_space<hbm>> -> memref<1x2048xf32, #tpu.memory_space<hbm>>
    %dma_wait3A_423 = tpu.memref_squeeze %dma_wait3A_422 : memref<1x2048xf32, #tpu.memory_space<hbm>> -> memref<2048xf32, #tpu.memory_space<hbm>>
    %dma_wait3A_424 = arith.constant 6144 : i32
    %dma_wait3A_425 = tpu.memref_slice %arg13[%dma_wait3A_424] : memref<8192xf32, #tpu.memory_space<vmem>> -> memref<2048xf32, #tpu.memory_space<vmem>>
    tpu.wait_dma2 semaphore(%arg18 : memref<!tpu.dma_semaphore, #tpu.memory_space<semaphore_mem>>) src(%dma_wait3A_425 : memref<2048xf32, #tpu.memory_space<vmem>>) dst(%dma_wait3A_423 : memref<2048xf32, #tpu.memory_space<hbm>>)
    return
  }
}

module attributes {stable_mosaic.version = 14 : i64} {
  func.func @_tc_finish_body(%arg0: memref<384x2048xf32, #tpu.memory_space<vmem>>, %arg1: memref<1x1xf32, #tpu.memory_space<smem>>) attributes {dimension_semantics = [], scalar_prefetch = 0 : i64, scratch_operands = 0 : i64, tpu.core_type = #tpu.core_type<tc>} {
    %iota3A = tpu.iota {dimensions = array<i32: 0>} : vector<2048x128xi32>
    %iota3A_0 = tpu.iota {dimensions = array<i32: 1>} : vector<2048x128xi32>
    %jit3A = arith.constant 16 : i32
    %div3A = vector.broadcast %jit3A : i32 to vector<2048x128xi32>
    %div3A_1 = arith.divsi %iota3A, %div3A : vector<2048x128xi32>
    %sign3A = arith.constant 0 : i32
    %sign3A_2 = vector.broadcast %sign3A : i32 to vector<2048x128xi32>
    %sign3A_3 = arith.cmpi sgt, %iota3A, %sign3A_2 : vector<2048x128xi32>
    %sign3A_4 = arith.extui %sign3A_3 : vector<2048x128xi1> to vector<2048x128xi32>
    %sign3A_5 = arith.constant 0 : i32
    %sign3A_6 = vector.broadcast %sign3A_5 : i32 to vector<2048x128xi32>
    %sign3A_7 = arith.cmpi slt, %iota3A, %sign3A_6 : vector<2048x128xi32>
    %sign3A_8 = arith.extui %sign3A_7 : vector<2048x128xi1> to vector<2048x128xi32>
    %sign3A_9 = arith.subi %sign3A_4, %sign3A_8 : vector<2048x128xi32>
    %sign3A_10 = arith.constant 0 : i32
    %sign3A_11 = arith.cmpi sgt, %jit3A, %sign3A_10 : i32
    %sign3A_12 = arith.extui %sign3A_11 : i1 to i32
    %sign3A_13 = arith.constant 0 : i32
    %sign3A_14 = arith.cmpi slt, %jit3A, %sign3A_13 : i32
    %sign3A_15 = arith.extui %sign3A_14 : i1 to i32
    %sign3A_16 = arith.subi %sign3A_12, %sign3A_15 : i32
    %ne3A = vector.broadcast %sign3A_16 : i32 to vector<2048x128xi32>
    %ne3A_17 = arith.cmpi ne, %sign3A_9, %ne3A : vector<2048x128xi32>
    %rem3A = vector.broadcast %jit3A : i32 to vector<2048x128xi32>
    %rem3A_18 = arith.remsi %iota3A, %rem3A : vector<2048x128xi32>
    %ne3A_19 = arith.constant 0 : i32
    %ne3A_20 = vector.broadcast %ne3A_19 : i32 to vector<2048x128xi32>
    %ne3A_21 = arith.cmpi ne, %rem3A_18, %ne3A_20 : vector<2048x128xi32>
    %and3A = arith.andi %ne3A_17, %ne3A_21 : vector<2048x128xi1>
    %sub3A = arith.constant 1 : i32
    %sub3A_22 = vector.broadcast %sub3A : i32 to vector<2048x128xi32>
    %sub3A_23 = arith.subi %div3A_1, %sub3A_22 : vector<2048x128xi32>
    %select_n3A = arith.select %and3A, %sub3A_23, %div3A_1 : vector<2048x128xi1>, vector<2048x128xi32>
    %eq3A = arith.cmpi eq, %select_n3A, %iota3A_0 : vector<2048x128xi32>
    %convert_element_type3A = arith.extui %eq3A : vector<2048x128xi1> to vector<2048x128xi32>
    %convert_element_type3A_24 = arith.sitofp %convert_element_type3A : vector<2048x128xi32> to vector<2048x128xf32>
    %get3A = arith.constant 0 : index
    %get3A_25 = arith.constant 0 : index
    %get3A_26 = vector.load %arg0[%get3A, %get3A_25] : memref<384x2048xf32, #tpu.memory_space<vmem>>, vector<384x2048xf32>
    %dot_general3A = arith.constant dense<0.000000e+00> : vector<384x128xf32>
    %dot_general3A_27 = tpu.matmul %get3A_26, %convert_element_type3A_24, %dot_general3A {dimension_numbers = #tpu.dot_dimension_numbers<[1], [0], [0], [1], [0, 0, 1, 1], [], []>, transpose_lhs_hint = false} : vector<384x2048xf32>, vector<2048x128xf32>, vector<384x128xf32> -> vector<384x128xf32>
    %slice3A = vector.extract_strided_slice %dot_general3A_27 {offsets = [0, 0], sizes = [128, 128], strides = [1, 1]} : vector<384x128xf32> to vector<128x128xf32>
    %slice3A_28 = vector.extract_strided_slice %dot_general3A_27 {offsets = [128, 0], sizes = [128, 128], strides = [1, 1]} : vector<384x128xf32> to vector<128x128xf32>
    %slice3A_29 = vector.extract_strided_slice %dot_general3A_27 {offsets = [256, 0], sizes = [128, 128], strides = [1, 1]} : vector<384x128xf32> to vector<128x128xf32>
    %mul3A = arith.constant 1.000000e+00 : f32
    %mul3A_30 = vector.broadcast %mul3A : f32 to vector<128x128xf32>
    %mul3A_31 = arith.mulf %mul3A_30, %slice3A_28 : vector<128x128xf32>
    %mul3A_32 = arith.mulf %mul3A_31, %slice3A_29 : vector<128x128xf32>
    %add3A = arith.constant 1.000000e+00 : f32
    %add3A_33 = vector.broadcast %add3A : f32 to vector<128x128xf32>
    %add3A_34 = arith.addf %add3A_33, %mul3A_32 : vector<128x128xf32>
    %mul3A_35 = arith.constant 2.000000e+00 : f32
    %mul3A_36 = arith.constant 1.000000e+00 : f32
    %mul3A_37 = arith.mulf %mul3A_35, %mul3A_36 : f32
    %mul3A_38 = vector.broadcast %mul3A_37 : f32 to vector<128x128xf32>
    %mul3A_39 = arith.mulf %mul3A_38, %slice3A : vector<128x128xf32>
    %sub3A_40 = arith.subf %add3A_34, %mul3A_39 : vector<128x128xf32>
    %add3A_41 = arith.constant 9.99999993E-9 : f32
    %add3A_42 = vector.broadcast %add3A_41 : f32 to vector<128x128xf32>
    %add3A_43 = arith.addf %sub3A_40, %add3A_42 : vector<128x128xf32>
    %mul3A_44 = arith.constant 1.000000e+00 : f32
    %mul3A_45 = vector.broadcast %mul3A_44 : f32 to vector<128x128xf32>
    %mul3A_46 = arith.mulf %mul3A_45, %slice3A_29 : vector<128x128xf32>
    %add3A_47 = arith.constant 1.000000e+00 : f32
    %add3A_48 = vector.broadcast %add3A_47 : f32 to vector<128x128xf32>
    %add3A_49 = arith.addf %add3A_48, %mul3A_46 : vector<128x128xf32>
    %mul3A_50 = arith.constant 1.000000e+00 : f32
    %mul3A_51 = vector.broadcast %mul3A_50 : f32 to vector<128x128xf32>
    %mul3A_52 = arith.mulf %mul3A_51, %slice3A_28 : vector<128x128xf32>
    %sub3A_53 = arith.constant 1.000000e+00 : f32
    %sub3A_54 = vector.broadcast %sub3A_53 : f32 to vector<128x128xf32>
    %sub3A_55 = arith.subf %sub3A_54, %mul3A_52 : vector<128x128xf32>
    %mul3A_56 = arith.mulf %add3A_49, %add3A_49 : vector<128x128xf32>
    %mul3A_57 = arith.mulf %mul3A_56, %slice3A_28 : vector<128x128xf32>
    %mul3A_58 = arith.mulf %sub3A_55, %sub3A_55 : vector<128x128xf32>
    %mul3A_59 = arith.mulf %mul3A_58, %slice3A_29 : vector<128x128xf32>
    %add3A_60 = arith.addf %mul3A_57, %mul3A_59 : vector<128x128xf32>
    %mul3A_61 = arith.constant 2.000000e+00 : f32
    %mul3A_62 = vector.broadcast %mul3A_61 : f32 to vector<128x128xf32>
    %mul3A_63 = arith.mulf %mul3A_62, %add3A_49 : vector<128x128xf32>
    %mul3A_64 = arith.mulf %mul3A_63, %sub3A_55 : vector<128x128xf32>
    %mul3A_65 = arith.mulf %mul3A_64, %slice3A : vector<128x128xf32>
    %sub3A_66 = arith.subf %add3A_60, %mul3A_65 : vector<128x128xf32>
    %max3A = arith.constant 0.000000e+00 : f32
    %max3A_67 = vector.broadcast %max3A : f32 to vector<128x128xf32>
    %max3A_68 = arith.maximumf %sub3A_66, %max3A_67 : vector<128x128xf32>
    %sqrt3A = arith.constant 1.000000e+00 : f32
    %sqrt3A_69 = math.sqrt %sqrt3A : f32
    %sqrt3A_70 = math.sqrt %max3A_68 : vector<128x128xf32>
    %div3A_71 = arith.divf %sqrt3A_70, %add3A_43 : vector<128x128xf32>
    %mul3A_72 = vector.broadcast %sqrt3A_69 : f32 to vector<128x128xf32>
    %mul3A_73 = arith.mulf %mul3A_72, %div3A_71 : vector<128x128xf32>
    %jit3A_74 = arith.constant 9.99999993E-9 : f32
    %jit3A_75 = arith.constant 0.999989986 : f32
    %max3A_76 = vector.broadcast %jit3A_74 : f32 to vector<128x128xf32>
    %max3A_77 = arith.maximumf %max3A_76, %mul3A_73 : vector<128x128xf32>
    %min3A = vector.broadcast %jit3A_75 : f32 to vector<128x128xf32>
    %min3A_78 = arith.minimumf %min3A, %max3A_77 : vector<128x128xf32>
    %div3A_79 = arith.constant 1.000000e+00 : f32
    %div3A_80 = arith.divf %div3A_79, %sqrt3A_69 : f32
    %add3A_81 = arith.constant 1.000000e+00 : f32
    %add3A_82 = vector.broadcast %add3A_81 : f32 to vector<128x128xf32>
    %add3A_83 = arith.addf %add3A_82, %min3A_78 : vector<128x128xf32>
    %sub3A_84 = arith.constant 1.000000e+00 : f32
    %sub3A_85 = vector.broadcast %sub3A_84 : f32 to vector<128x128xf32>
    %sub3A_86 = arith.subf %sub3A_85, %min3A_78 : vector<128x128xf32>
    %div3A_87 = arith.divf %add3A_83, %sub3A_86 : vector<128x128xf32>
    %log3A = math.log %div3A_87 : vector<128x128xf32>
    %mul3A_88 = vector.broadcast %div3A_80 : f32 to vector<128x128xf32>
    %mul3A_89 = arith.mulf %mul3A_88, %log3A : vector<128x128xf32>
    %reduce_sum3A = vector.shape_cast %mul3A_89 : vector<128x128xf32> to vector<1x128x128xf32>
    %reduce_sum3A_90 = arith.constant dense<0.000000e+00> : vector<1xf32>
    %reduce_sum3A_91 = vector.multi_reduction <add>, %reduce_sum3A, %reduce_sum3A_90 [1, 2] : vector<1x128x128xf32> to vector<1xf32>
    %reduce_sum3A_92 = vector.shape_cast %reduce_sum3A_91 : vector<1xf32> to vector<1x1x1xf32>
    %reduce_sum3A_93 = vector.extract %reduce_sum3A_92[0, 0, 0] : f32 from vector<1x1x1xf32>
    %mul3A_94 = arith.constant 6.10351563E-5 : f32
    %mul3A_95 = arith.mulf %reduce_sum3A_93, %mul3A_94 : f32
    %swap3A = arith.constant 0 : index
    %swap3A_96 = arith.constant 0 : index
    %swap3A_97 = memref.load %arg1[%swap3A, %swap3A_96] : memref<1x1xf32, #tpu.memory_space<smem>>
    memref.store %mul3A_95, %arg1[%swap3A, %swap3A_96] : memref<1x1xf32, #tpu.memory_space<smem>>
    return
  }
}

</mosaic_0001>

<sc_bundles>
// kernel: kernel.4.cloned.1.call-start
scs
__scs_entry_jumppad:
0x0: {  	(pc) =	sbr.rel $0x88, $3  }
0x1: {  	(tag) =	ssettag $0x0;
	lr =	simm.s32 $0x1  }
0x2: {  	[smem:$0x3F9E] =	sst lr;
	_ =	strace $0xD0000000  }
0x3: {  	_ = 	snop  }
0x4: {  	_ = 	snop  }
0x5: {  	_ = 	snop  }
0x6: {  	_ = 	snop  }
0x7: {  	_ = 	snop  }
__scs_overlays_trampoline_lowered:
0x8: {  	[smem:$0x3FAD] =	sst s0  }
0x9: {  	[smem:$0x3FAE] =	sst s1  }
0xa: {  	[smem:$0x3FAF] =	sst s2  }
0xb: {  	[smem:$0x3FB0] =	sst s3  }
0xc: {  	[smem:$0x3FB1] =	sst s4  }
0xd: {  	[smem:$0x3FB2] =	sst s5  }
0xe: {  	[smem:$0x3FB3] =	sst s6  }
0xf: {  	[smem:$0x3FB4] =	sst s7  }
0x10: {  	[smem:$0x3FB5] =	sst s8  }
0x11: {  	[smem:$0x3FB6] =	sst s9;
	s0 =	simm.s32 @!p0 $0x0  }
0x12: {  	s1 =	sld [smem:$0x3F9C];
	s0 =	simm.s32 @p0 $0x1  }
0x13: {  	[smem:$0x3FB7] =	sst s0;
	s0 =	simm.s32 @!p1 $0x0  }
0x14: {  	s2 =	sld [smem:$0x3F9B];
	s0 =	simm.s32 @p1 $0x1  }
0x15: {  	[smem:$0x3FB8] =	sst s0;
	s0 =	simm.s32 @!p2 $0x0  }
0x16: {  	s3 =	sld [smem:$0x3FDB];
	s0 =	simm.s32 @p2 $0x1  }
0x17: {  	s4 =	simm.s32 $0x1BF5;
	[smem:$0x3FBA] =	sst s0  }
0x18: {  	s0 =	sld [smem:$0x3F9D];
	_ =	swait.ge [sflag:s4], $0x0  }
0x19: {  	s7 =	sld [smem:$0x3F9E]  }
0x1a: {  	s8 =	sadd.s32 $0xFFFFE003, lr  }
0x1b: {  	s9 =	sadd.s32 $0xFFFFFEF7, lr;
	s5 =	simm.s32 $0xFFFFFFFF;
	p2 =	slt.u32 s8, $0xFFFFF086  }
0x1c: {  	p1 =	slt.u32 s9, $0xF7A;
	s5 =	simm.s32 @!p2 $0x0  }
0x1d: {  	s5 =	simm.s32 @p1 $0x1;
	p0 =	seq.s32 s7, s2  }
0x1e: {  	s7 =	smul.u32 @!p0 $0xF7A, s2;
	p2 =	seq.s32 @!p0 s5, $0x0  }
0x1f: {  	s9 =	smul.u32 $0xF7A, s1;
	s8 =	simm.s32 @!p0 $0x1BF5;
	p2 =	por !p2, p0  }
0x20: {  	[sflag:s8] =	ssyncset.s32 @!p0 $0xFFFFF086;
	s6 =	sadd.s32 @!p0 s3, s7;
	s7 =	simm.s32 @!p0 $0x108  }
0x21: {  	s3 =	sadd.s32 s3, s9;
	s6 =	sadd.s32 @!p0 $0x88, s6;
	s7 =	simm.s32 @p2 $0x1082  }
0x22: {  	[simem:s7], [sflag:s8] =	dma.local @!p0 [hbm:s6], $0xF7A  }
0x23: {  	s9 =	sor.u32 $0xD0000000, s2;
	s6 =	simm.s32 $0x108;
	_ =	swait.ge @!p0 [sflag:s8], $0x0  }
0x24: {  	s3 =	sadd.s32 $0x88, s3;
	s6 =	simm.s32 @!p1 $0x1082;
	[sflag:s4] =	ssyncset.s32 $0xFFFFF086  }
0x25: {  	[simem:s6], [sflag:s4] =	dma.local [hbm:s3], $0xF7A  }
0x26: {  	[smem:$0x3F9E] =	sst s1;
	(tag) =	ssettag s2;
	_ =	strace s9  }
0x27: {  	s1 =	sld [smem:$0x3FAE]  }
0x28: {  	s2 =	sld [smem:$0x3FAF]  }
0x29: {  	s4 =	sld [smem:$0x3FB1]  }
0x2a: {  	p0 =	seq.s32 s5, $0x0;
	s5 =	sld [smem:$0x3FB2]  }
0x2b: {  	s6 =	sld [smem:$0x3FB3]  }
0x2c: {  	s7 =	sld [smem:$0x3FB4]  }
0x2d: {  	s3 =	simm.s32 $0x108;
	s8 =	sld [smem:$0x3FB5]  }
0x2e: {  	s3 =	simm.s32 @!p0 $0x1082;
	s9 =	sld [smem:$0x3FB6]  }
0x2f: {  	lr =	sadd.s32 s0, s3;
	s0 =	sld [smem:$0x3FAD]  }
0x30: {  	s3 =	sld [smem:$0x3FB0]  }
0x31: {  	[smem:$0x3FB9] =	sst s10  }
0x32: {  	s10 =	sld [smem:$0x3FB7];
	_ =	sdelay $0x3  }
0x33: {  	p0 =	seq.s32 s10, $0x1;
	s10 =	sld [smem:$0x3FB9];
	_ =	sdelay $0x3  }
0x34: {  	[smem:$0x3FB9] =	sst s10  }
0x35: {  	s10 =	sld [smem:$0x3FB8];
	_ =	sdelay $0x3  }
0x36: {  	p1 =	seq.s32 s10, $0x1;
	s10 =	sld [smem:$0x3FB9];
	_ =	sdelay $0x3  }
0x37: {  	[smem:$0x3FB9] =	sst s10  }
0x38: {  	s10 =	sld [smem:$0x3FBA]  }
0x39: {  	_ = 	snop;
	(pc) =	sbr.ind lr, $3  }
0x3a: {  	_ = 	snop  }
0x3b: {  	_ = 	snop  }
0x3c: {  	p2 =	seq.s32 s10, $0x1;
	s10 =	sld [smem:$0x3FB9]  }
0x3d: {  	_ =	shalt  }
0x3e: {  	_ =	shalt  }
0x3f: {  	_ =	shalt  }
0x40: {  	_ =	shalt  }
0x41: {  	_ =	shalt  }
0x42: {  	_ =	shalt  }
0x43: {  	_ =	shalt  }
0x44: {  	_ =	shalt  }
0x45: {  	_ =	shalt  }
0x46: {  	_ =	shalt  }
0x47: {  	_ =	shalt  }
0x48: {  	_ =	shalt  }
0x49: {  	_ =	shalt  }
0x4a: {  	_ =	shalt  }
0x4b: {  	_ =	shalt  }
0x4c: {  	_ =	shalt  }
0x4d: {  	_ =	shalt  }
0x4e: {  	_ =	shalt  }
0x4f: {  	_ =	shalt  }
0x50: {  	_ =	shalt  }
0x51: {  	_ =	shalt  }
0x52: {  	_ =	shalt  }
0x53: {  	_ =	shalt  }
0x54: {  	_ =	shalt  }
0x55: {  	_ =	shalt  }
0x56: {  	_ =	shalt  }
0x57: {  	_ =	shalt  }
0x58: {  	_ =	shalt  }
0x59: {  	_ =	shalt  }
0x5a: {  	_ =	shalt  }
0x5b: {  	_ =	shalt  }
0x5c: {  	_ =	shalt  }
0x5d: {  	_ =	shalt  }
0x5e: {  	_ =	shalt  }
0x5f: {  	_ =	shalt  }
0x60: {  	_ =	shalt  }
0x61: {  	_ =	shalt  }
0x62: {  	_ =	shalt  }
0x63: {  	_ =	shalt  }
0x64: {  	_ =	shalt  }
0x65: {  	_ =	shalt  }
0x66: {  	_ =	shalt  }
0x67: {  	_ =	shalt  }
0x68: {  	_ =	shalt  }
0x69: {  	_ =	shalt  }
0x6a: {  	_ =	shalt  }
0x6b: {  	_ =	shalt  }
0x6c: {  	_ =	shalt  }
0x6d: {  	_ =	shalt  }
0x6e: {  	_ =	shalt  }
0x6f: {  	_ =	shalt  }
0x70: {  	_ =	shalt  }
0x71: {  	_ =	shalt  }
0x72: {  	_ =	shalt  }
0x73: {  	_ =	shalt  }
0x74: {  	_ =	shalt  }
0x75: {  	_ =	shalt  }
0x76: {  	_ =	shalt  }
0x77: {  	_ =	shalt  }
0x78: {  	_ =	shalt  }
0x79: {  	_ =	shalt  }
0x7a: {  	_ =	shalt  }
0x7b: {  	_ =	shalt  }
0x7c: {  	_ =	shalt  }
0x7d: {  	_ =	shalt  }
0x7e: {  	_ =	shalt  }
0x7f: {  	_ =	shalt  }
0x80: {  	_ =	shalt  }
0x81: {  	_ =	shalt  }
0x82: {  	_ =	shalt  }
0x83: {  	_ =	shalt  }
0x84: {  	_ =	shalt  }
0x85: {  	_ =	shalt  }
0x86: {  	_ =	shalt  }
0x87: {  	_ =	shalt  }
.Lfunc_end0:
.L_simem_size_0:
called_computation_lowered:
.L_overlay_start_0:
0x88: {  	s2 =	sld [smem:$0x3FD9]  }
0x89: {  	s3 =	sld [smem:$0x3FFE];
	_ =	sdelay $0x1  }
0x8a: {  	s1 =	srdreg.scid  }
0x8b: {  	s0 =	sand.u32 $0x1, s1  }
0x8c: {  	s17 =	sshll.u32 s0, $0xA;
	s2 =	sadd.s32 s3, s2  }
0x8d: {  	s2 =	sadd.s32 s2, s17  }
0x8e: {  	[smem:$0x3FC5] =	sst s2  }
0x8f: {  	_ = 	snop  }
0x90: {  	s2 =	sld [smem:$0x3FC9]  }
0x91: {  	s18 =	sld [smem:$0x3FC8]  }
0x92: {  	s4 =	sld [smem:$0x3FC7];
	(tm) =	ssettm $0x1  }
0x93: {  	s5 =	sld [smem:$0x3FFB];
	_ =	sdelay $0x3  }
0x94: {  	_ =	strace s5  }
0x95: {  	s5 =	sld [smem:$0x3FFC];
	_ =	sdelay $0x3  }
0x96: {  	_ =	strace s5  }
0x97: {  	s5 =	sld [smem:$0x3FFD];
	_ =	sdelay $0x3  }
0x98: {  	_ =	strace s5  }
0x99: {  	_ =	strace $0x8FFFFFFF  }
0x9a: {  	s19 =	sld [smem:$0x3FDB];
	_ =	sdelay $0x1  }
0x9b: {  	s6 =	simm.s32 $_scs_section_size  }
0x9c: {  	s7 =	simm.s32 $_size__tile_overlayer_lowered;
	s8 =	simm.s32 $_tile_overlayer_lowered  }
0x9d: {  	s22 =	simm.s32 $0x1BFF;
	s21 =	sshll.u32 s8, $0x1;
	s5 =	sadd.s32 s6, s19  }
0x9e: {  	s9 =	simm.s32 $0x0;
	s20 =	sshll.u32 s7, $0x1;
	s7 =	sadd.s32 s21, s5  }
0x9f: {  	[timem:s9], [sflag:s22] =	dma.local [hbm:s7], s20  }
0xa0: {  	_ =	swait.ge [sflag:s22], s20  }
0xa1: {  	s6 =	ssub.s32 $0x0, s20;
	[sflag:s22] =	ssyncset.done $0x0  }
0xa2: {  	[sflag:s22] =	ssyncadd.s32 s6;
	_ =	sdelay $0x1  }
0xa3: {  	s23 =	simm.s32 $0x1B8B  }
0xa4: {  	_ =	swait.ge [sflag:s23], $0x1  }
0xa5: {  	[sflag:s23] =	ssyncset.done $0x0  }
0xa6: {  	s25 =	simm.s32 $0x1B8E;
	s24 =	sld [smem:$0x3FFE];
	[sflag:s23] =	ssyncadd.s32 $0xFFFFFFFF  }
0xa7: {  	s26 =	simm.s32 $execute0_lowered;
	[smem:$0x3FD2] =	sst s25  }
0xa8: {  	s7 =	sshll.u32 s26, $0x1;
	_ =	strace $0x80000046;
	[dreg:$0x1] =	wrdreg $0xFFFFFFFF  }
0xa9: {  	s28 =	simm.s32 $_size_execute0_lowered;
	s5 =	sadd.s32 s5, s7;
	[dreg:$0x0] =	wrdreg $0x0  }
0xaa: {  	s7 =	sshll.u32 s28, $0x1;
	[dreg:$0x2] =	wrdreg s5  }
0xab: {  	[dreg:$0x3] =	wrdreg s7  }
0xac: {  	[dreg:$0x4] =	wrdreg $0xC0  }
0xad: {  	_ =	task [dreg:s9], $0x5FFFF  }
0xae: {  	[dreg:$0x1] =	wrdreg $0xFFFFFFFF  }
0xaf: {  	[dreg:$0x0] =	wrdreg $0x60  }
0xb0: {  	[dreg:$0x2] =	wrdreg s18  }
0xb1: {  	[dreg:$0x3] =	wrdreg s4  }
0xb2: {  	[dreg:$0x4] =	wrdreg s2  }
0xb3: {  	[dreg:$0x5] =	wrdreg s24  }
0xb4: {  	[dreg:$0x6] =	wrdreg $0x9  }
0xb5: {  	_ =	task.clear_ibuf [dreg:s9], $0x7FFFF;
	_ =	strace $0x90000046  }
0xb6: {  	s29 =	simm.s32 $0x9;
	_ =	strace $0x80000048  }
0xb7: {  	_ =	swait.ge [sflag:s29], $0x1  }
0xb8: {  	[sflag:s29] =	ssyncadd.s32 $0xFFFFFFFF  }
0xb9: {  	_ =	strace $0x90000048  }
0xba: {  	_ =	sfence  }
0xbb: {  	s30 =	sld [smem:$0x0];
	_ =	sdelay $0x2  }
0xbc: {  	s31 =	sshll.u32 s1, $0xD;
	s1 =	sshrl.u32 s1, $0x2  }
0xbd: {  	s3 =	sand.u32 $0x4000, s31;
	s1 =	sadd.s32 s1, s30  }
0xbe: {  	s0 =	sor.u32 s3, s0;
	s1 =	sshll.u32 s1, $0x11  }
0xbf: {  	s0 =	sor.u32 s1, s0  }
0xc0: {  	s0 =	sadd.s32 $0x8F2B, s0  }
0xc1: {  	[sflag:s0] =	ssyncadd.remote.s32 $0x1  }
0xc2: {  	_ =	sfence.sel $0xFFFF  }
0xc3: {  	[dreg:$0x0] =	wrdreg $0xFFFFFFFF;
	(pc) =	sbr.abs _section_cstart, $3  }
0xc4: {  	[dreg:$0x1] =	wrdreg $0xFFFFFFFF  }
0xc5: {  	_ =	task.clear_ibuf [dreg:s9], $0x2FFFF;
	_ =	strace $0x9FFFFFFF  }
0xc6: {  	(tm) =	ssettm $0x7FFFFFFF  }
0xc7: {  	_ =	shalt  }
tec
execute0_lowered:
.L_overlay_start_1:
0x0: {  	(tag) =	ssettag $0x1  }
0x1: {  	s0 =	rddreg [dreg:$0x0]  }
0x2: {  	s1 =	rddreg [dreg:$0x1]  }
0x3: {  	s2 =	rddreg [dreg:$0x2]  }
0x4: {  	s4 =	rddreg [dreg:$0x3]  }
0x5: {  	s3 =	simm.s32 $0x0;
	s5 =	srdreg.scid;
	s6 =	stileid.u32  }
0x6: {  	s28 =	simm.s32 $0xC200;
	s29 =	simm.s32 $0x1;
	s30 =	simm.s32 $0x3  }
0x7: {  	s31 =	simm.s32 $0x400;
	[smem:$0x7FF] =	sst s3;
	s5 =	sand.u32 $0x1, s5  }
0x8: {  	s6 =	sshll.u32 s6, $0x1;
	s9 =	sadd.s32 $0x600, s4;
	_ =	strace $0x80000047  }
0x9: {  	s7 =	ssub.s32 $0x2, s5;
	s6 =	sor.u32 s5, s6;
	s5 =	sshll.u32 s5, $0x9  }
0xa: {  	s20 =	sshrl.u32 s7, $0x1;
	s8 =	sshll.u32 s6, $0xD;
	s11 =	sshll.u32 s6, $0x6  }
0xb: {  	s7 =	ssub.s32 s7, s20;
	s4 =	sadd.s32 s0, s8;
	s2 =	sadd.s32 s2, s11  }
0xc: {  	s10 =	sand.u32 $0x3C000, s8;
	[dreg:$0x5] =	wrdreg s2;
	s22 =	sadd.s32 $0x800, s4  }
0xd: {  	s21 =	sor.u32 s5, s10;
	s23 =	sadd.s32 $0x1000, s4;
	[dreg:$0x6] =	wrdreg s22  }
0xe: {  	s2 =	sshll.u32 s6, $0x2;
	s24 =	sadd.s32 $0x1800, s4;
	[dreg:$0x7] =	wrdreg s23  }
0xf: {  	s0 =	sshrl.u32 s21, $0x3;
	[dreg:$0x8] =	wrdreg s24;
	s26 =	sor.u32 $0x81, s2  }
0x10: {  	s16 =	sor.u32 $0x82, s2;
	s19 =	sor.u32 $0x102, s2;
	s23 =	sor.u32 $0x83, s2  }
0x11: {  	s8 =	sadd.s32 s9, s0;
	s11 =	sshll.u32 s26, $0x4;
	s0 =	sshll.u32 s26, $0x8  }
0x12: {  	s17 =	sshll.u32 s16, $0x4;
	s18 =	sshll.u32 s16, $0x8;
	s20 =	sshll.u32 s19, $0x4  }
0x13: {  	s21 =	sshll.u32 s19, $0x8;
	s24 =	sshll.u32 s23, $0x8;
	s25 =	sadd.s32 $0x8000, s8  }
0x14: {  	s6 =	sadd.s32 $0x10000, s8;
	s10 =	sadd.s32 $0x10, s8;
	[dreg:$0x9] =	wrdreg s25  }
0x15: {  	s5 =	sand.u32 $0x50, s11;
	s0 =	sand.u32 $0xF800, s0;
	[dreg:$0xa] =	wrdreg s6  }
0x16: {  	s22 =	sand.u32 $0x60, s20;
	[dreg:$0xb] =	wrdreg s10;
	s6 =	sor.u32 $0x101, s2  }
0x17: {  	s5 =	sadd.s32 s9, s5;
	s2 =	sor.u32 $0x103, s2;
	s25 =	sshll.u32 s23, $0x4  }
0x18: {  	s12 =	sshll.u32 s6, $0x4;
	s13 =	sadd.s32 s0, s5;
	s14 =	sshll.u32 s6, $0x8  }
0x19: {  	s26 =	sshll.u32 s2, $0x4;
	s2 =	sshll.u32 s2, $0x8;
	s15 =	sand.u32 $0x50, s12  }
0x1a: {  	s0 =	sand.u32 $0x17800, s14;
	s6 =	sand.u32 $0x70, s26;
	s2 =	sand.u32 $0x17800, s2  }
0x1b: {  	s26 =	simm.s32 $0x8200;
	s5 =	sadd.s32 s9, s15;
	s15 =	sadd.s32 $0x20, s8  }
0x1c: {  	s6 =	sadd.s32 s9, s6;
	s14 =	sadd.s32 s0, s5;
	s0 =	sand.u32 $0x60, s17  }
0x1d: {  	s5 =	sand.u32 $0xF800, s18;
	s18 =	sadd.s32 $0x30, s8;
	s0 =	sadd.s32 s9, s0  }
0x1e: {  	s20 =	sadd.s32 s2, s6;
	s2 =	simm.s32 $0x4;
	s16 =	sadd.s32 s5, s0  }
0x1f: {  	s0 =	sand.u32 $0x17800, s21;
	s5 =	sadd.s32 s9, s22;
	s21 =	smax.u32 s7, $0x1  }
0x20: {  	s17 =	sadd.s32 s0, s5;
	s0 =	sand.u32 $0xF800, s24;
	s5 =	sand.u32 $0x70, s25  }
0x21: {  	s24 =	simm.s32 $0x5;
	s25 =	simm.s32 $0x80;
	s5 =	sadd.s32 s9, s5  }
0x22: {  	s19 =	sadd.s32 s0, s5;
	s0 =	simm.s32 $0x2;
	s5 =	simm.s32 $0x0  }
.LBB2_1:
0x23: {  	s6 =	rddreg [dreg:$0x5]  }
0x24: {  	[tilespmem:s3], [sflag:$0x5] =	stream.linear.gather [hbm4b:s6+s3], $0x200, $0x38;
	[tilespmem:$0x16200] =	vst v63  }
0x25: {  	s22 =	simm.s32 $0x200  }
0x26: {  	[tilespmem:s22], [sflag:$0x1] =	stream.linear.gather [hbm4b:s4+s3], $0x4000, $0x38;
	[tilespmem:$0x16200] =	vst v63  }
0x27: {  	s23 =	rddreg [dreg:$0x6];
	s7 =	simm.s32 $0x4200  }
0x28: {  	[tilespmem:s7], [sflag:$0x2] =	stream.linear.gather [hbm4b:s23+s3], $0x4000, $0x38;
	[tilespmem:$0x16200] =	vst v63  }
0x29: {  	_ =	swait.ge [sflag:s24], $0x200  }
0x2a: {  	[sflag:s24] =	ssyncset.done $0x0  }
0x2b: {  	[sflag:s24] =	ssyncadd.s32 $0xFFFFFE00  }
0x2c: {  	[tilespmem:s26], [sflag:$0x3] =	stream.indirect.gather [hbm4b:s1+s25], $0x80, s3, s25, $0xb8;
	[tilespmem:$0x16200] =	vst v63  }
0x2d: {  	_ = 	snop  }
0x2e: {  	[tilespmem:s28], [sflag:$0x4] =	stream.indirect.gather [hbm4b:s1+s25], $0x80, s25, s25, $0xb8;
	[tilespmem:$0x16200] =	vst v63  }
0x2f: {  	_ =	swait.ge [sflag:s29], $0x4000  }
0x30: {  	[sflag:s29] =	ssyncset.done $0x0  }
0x31: {  	[sflag:s29] =	ssyncadd.s32 $0xFFFFC000  }
0x32: {  	_ =	swait.ge [sflag:s30], $0x4000  }
0x33: {  	[sflag:s30] =	ssyncset.done $0x0  }
0x34: {  	s11 =	simm.s32 $0x300;
	[sflag:s30] =	ssyncadd.s32 $0xFFFFC000  }
0x35: {  	s6 =	simm.s32 $0x8300;
	v0 =	vld [tilespmem:s11+$0xE0]  }
0x36: {  	v1 =	vld [tilespmem:s6+$0xE0]  }
0x37: {  	v2 =	vld [tilespmem:s11+$0xC0]  }
0x38: {  	v3 =	vld [tilespmem:s6+$0xC0]  }
0x39: {  	v4 =	vld [tilespmem:s11+$0xA0]  }
0x3a: {  	v5 =	vld [tilespmem:s11+$0x80]  }
0x3b: {  	v6 =	vld [tilespmem:s6+$0x80]  }
0x3c: {  	v7 =	vld [tilespmem:s11+$0x90]  }
0x3d: {  	v8 =	vld [tilespmem:s6+$0x90]  }
0x3e: {  	v9 =	vld [tilespmem:s6+$0xA0]  }
0x3f: {  	v11 =	vld [tilespmem:s11+$0xB0];
	v10 =	vmul.f32 v1, v0;
	v0 =	vmul.f32 v0, v0  }
0x40: {  	v13 =	vld [tilespmem:s6+$0xFFFFFF00];
	v12 =	vmul.f32 v3, v2;
	v2 =	vmul.f32 v2, v2  }
0x41: {  	v14 =	vld [tilespmem:s6+$0xB0];
	v3 =	vmul.f32 v3, v3;
	v15 =	vmul.f32 v5, v5  }
0x42: {  	v17 =	vld [tilespmem:s11+$0xFFFFFF10];
	v16 =	vmul.f32 v6, v6;
	v18 =	vmul.f32 v7, v7  }
0x43: {  	v20 =	vld [tilespmem:s11+$0xD0];
	v19 =	vmul.f32 v8, v8;
	v21 =	vmul.f32 v9, v4  }
0x44: {  	v22 =	vld [tilespmem:s6+$0xD0];
	v4 =	vmul.f32 v4, v4;
	v9 =	vmul.f32 v9, v9  }
0x45: {  	v24 =	vld [tilespmem:s11+$0xF0];
	v23 =	vmul.f32 v11, v11;
	v5 =	vmul.f32 v6, v5  }
0x46: {  	v25 =	vld [tilespmem:s11+$0xFFFFFFA0];
	v6 =	vmul.f32 v8, v7;
	v11 =	vmul.f32 v14, v11;
	v4 =	vadd.f32 v4, v15  }
0x47: {  	v7 =	vld [tilespmem:s6+$0xF0];
	v8 =	vadd.f32 v9, v16;
	v9 =	vadd.f32 v23, v18;
	v15 =	vmul.f32 v14, v14  }
0x48: {  	v1 =	vmul.f32 v1, v1;
	v5 =	vadd.f32 $0.0e+00, v5;
	v6 =	vadd.f32 $0.0e+00, v6;
	v14 =	vld [tilespmem:s11+$0xFFFFFF80]  }
0x49: {  	v18 =	vld [tilespmem:s6+$0xFFFFFF80];
	v15 =	vadd.f32 v15, v19;
	v2 =	vadd.f32 v2, v4;
	v4 =	vmul.f32 v20, v20  }
0x4a: {  	v16 =	vld [tilespmem:s6+$0xFFFFFF10];
	v5 =	vadd.f32 v21, v5;
	v6 =	vadd.f32 v11, v6;
	v11 =	vmul.f32 v22, v20  }
0x4b: {  	v19 =	vld [tilespmem:s11+$0xFFFFFF90];
	v3 =	vadd.f32 v3, v8;
	v8 =	vmul.f32 v22, v22;
	v4 =	vadd.f32 v4, v9  }
0x4c: {  	v21 =	vld [tilespmem:s6+$0xFFFFFF20];
	v5 =	vadd.f32 v12, v5;
	v6 =	vadd.f32 v11, v6;
	v12 =	vmul.f32 v7, v24  }
0x4d: {  	v9 =	vld [tilespmem:s6+$0xFFFFFF90];
	v8 =	vadd.f32 v8, v15;
	v0 =	vadd.f32 v0, v2;
	v2 =	vmul.f32 v24, v24  }
0x4e: {  	v11 =	vld [tilespmem:s11+$0x0];
	v7 =	vmul.f32 v7, v7;
	v1 =	vadd.f32 v1, v3;
	v20 =	vmul.f32 v18, v14  }
0x4f: {  	v15 =	vld [tilespmem:s6+$0x0];
	v14 =	vmul.f32 v14, v14;
	v5 =	vadd.f32 v10, v5;
	v6 =	vadd.f32 v12, v6  }
0x50: {  	v3 =	vld [tilespmem:s6+$0x10];
	v18 =	vmul.f32 v18, v18;
	v12 =	vmul.f32 v16, v17;
	v4 =	vadd.f32 v2, v4  }
0x51: {  	v7 =	vadd.f32 v7, v8;
	v8 =	vld [tilespmem:s11+$0xFFFFFF00];
	v17 =	vmul.f32 v17, v17;
	v2 =	vadd.f32 v6, v5  }
0x52: {  	v10 =	vld [tilespmem:s11+$0x10];
	v5 =	vadd.f32 $0.0e+00, v12;
	v0 =	vadd.f32 v4, v0;
	v4 =	vmul.f32 v13, v13  }
0x53: {  	v6 =	vld [tilespmem:s11+$0xFFFFFF20];
	v1 =	vadd.f32 v7, v1;
	v7 =	vmul.f32 v16, v16;
	v12 =	vmul.f32 v9, v19  }
0x54: {  	v23 =	vld [tilespmem:s11+$0xFFFFFF30];
	v22 =	vmul.f32 v15, v11;
	v19 =	vmul.f32 v19, v19  }
0x55: {  	v20 =	vadd.f32 $0.0e+00, v20;
	v16 =	vld [tilespmem:s6+$0xFFFFFF30];
	v9 =	vmul.f32 v9, v9;
	v11 =	vmul.f32 v11, v11  }
0x56: {  	v26 =	vld [tilespmem:s6+$0xFFFFFFA0];
	v15 =	vmul.f32 v15, v15;
	v12 =	vadd.f32 $0.0e+00, v12;
	v13 =	vmul.f32 v13, v8  }
0x57: {  	v28 =	vld [tilespmem:s11+$0xFFFFFFB0];
	v24 =	vmul.f32 v3, v10;
	v22 =	vadd.f32 $0.0e+00, v22;
	v8 =	vmul.f32 v8, v8  }
0x58: {  	v29 =	vld [tilespmem:s6+$0xFFFFFFB0];
	v27 =	vmul.f32 v6, v6;
	v13 =	vadd.f32 $0.0e+00, v13;
	v6 =	vmul.f32 v21, v6  }
0x59: {  	v30 =	vld [tilespmem:s11+$0x20];
	v10 =	vmul.f32 v10, v10;
	v3 =	vmul.f32 v3, v3;
	v24 =	vadd.f32 $0.0e+00, v24  }
0x5a: {  	v31 =	vld [tilespmem:s11+$0x30];
	v21 =	vmul.f32 v21, v21;
	v6 =	vadd.f32 v6, v13;
	v13 =	vmul.f32 v16, v23  }
0x5b: {  	v8 =	vadd.f32 v27, v8;
	v27 =	vmul.f32 v23, v23;
	v16 =	vmul.f32 v16, v16;
	v23 =	vld [tilespmem:s6+$0x20]  }
0x5c: {  	v32 =	vld [tilespmem:s11+$0xFFFFFF40];
	v21 =	vadd.f32 v21, v4;
	v4 =	vmul.f32 v25, v25;
	v5 =	vadd.f32 v13, v5  }
0x5d: {  	v13 =	vmul.f32 v26, v25;
	v25 =	vmul.f32 v26, v26;
	v26 =	vld [tilespmem:s6+$0x30];
	v17 =	vadd.f32 v27, v17  }
0x5e: {  	v27 =	vmul.f32 v28, v28;
	v28 =	vmul.f32 v29, v28;
	v16 =	vadd.f32 v16, v7;
	v7 =	vld [tilespmem:s11+$0xFFFFFF50]  }
0x5f: {  	v14 =	vadd.f32 v4, v14;
	v13 =	vadd.f32 v13, v20;
	v20 =	vmul.f32 v29, v29;
	v29 =	vld [tilespmem:s6+$0xFFFFFF40]  }
0x60: {  	v4 =	vld [tilespmem:s6+$0xFFFFFF50];
	v12 =	vadd.f32 v28, v12;
	v18 =	vadd.f32 v25, v18;
	v28 =	vmul.f32 v23, v30  }
0x61: {  	v19 =	vadd.f32 v27, v19;
	v27 =	vld [tilespmem:s6+$0xFFFFFFC0];
	v30 =	vmul.f32 v30, v30;
	v23 =	vmul.f32 v23, v23  }
0x62: {  	v20 =	vadd.f32 v20, v9;
	v22 =	vadd.f32 v28, v22;
	v28 =	vld [tilespmem:s11+$0xFFFFFFC0];
	v25 =	vmul.f32 v26, v31  }
0x63: {  	v9 =	vld [tilespmem:s11+$0xFFFFFFD0];
	v31 =	vmul.f32 v31, v31;
	v26 =	vmul.f32 v26, v26;
	v30 =	vadd.f32 v30, v11  }
0x64: {  	v11 =	vld [tilespmem:s6+$0xFFFFFFD0];
	v15 =	vadd.f32 v23, v15;
	v24 =	vadd.f32 v25, v24;
	v25 =	vmul.f32 v29, v32  }
0x65: {  	v61 =	vld [tilespmem:s6+$0x40];
	v23 =	vmul.f32 v4, v7;
	v7 =	vmul.f32 v7, v7;
	v31 =	vadd.f32 v31, v10  }
0x66: {  	v34 =	vld [tilespmem:s11+$0x50];
	v26 =	vadd.f32 v26, v3;
	v3 =	vmul.f32 v32, v32;
	v25 =	vadd.f32 v25, v6  }
0x67: {  	v10 =	vld [tilespmem:s11+$0x40];
	v6 =	vmul.f32 v29, v29;
	v29 =	vadd.f32 v23, v5;
	v5 =	vmul.f32 v27, v28  }
0x68: {  	v35 =	vld [tilespmem:s11+$0xFFFFFF70];
	v23 =	vmul.f32 v4, v4;
	v33 =	vadd.f32 v3, v8;
	v8 =	vmul.f32 v28, v28  }
0x69: {  	v3 =	vadd.f32 v6, v21;
	v6 =	vmul.f32 v11, v9;
	v4 =	vadd.f32 v5, v13;
	v13 =	vld [tilespmem:s6+$0x50]  }
0x6a: {  	v28 =	vld [tilespmem:s6+$0xFFFFFF60];
	v21 =	vmul.f32 v27, v27;
	v9 =	vmul.f32 v9, v9  }
0x6b: {  	v27 =	vld [tilespmem:s11+$0xFFFFFF60];
	v11 =	vmul.f32 v11, v11;
	v5 =	vadd.f32 v7, v17;
	v8 =	vadd.f32 v8, v14  }
0x6c: {  	v62 =	vld [tilespmem:s6+$0xFFFFFF70];
	v14 =	vmul.f32 v10, v10;
	v7 =	vadd.f32 v6, v12;
	v6 =	vadd.f32 v23, v16  }
0x6d: {  	v12 =	vmul.f32 v61, v10;
	v16 =	vmul.f32 v61, v61;
	v9 =	vadd.f32 v9, v19  }
0x6e: {  	v63 =	vld [tilespmem:s6+$0xFFFFFFE0];
	v11 =	vadd.f32 v11, v20;
	v14 =	vadd.f32 v14, v30;
	v17 =	vmul.f32 v13, v34  }
0x6f: {  	v19 =	vmul.f32 v34, v34;
	v10 =	vadd.f32 v12, v22;
	v12 =	vadd.f32 v21, v18;
	v18 =	vld [tilespmem:s11+$0xFFFFFFE0]  }
0x70: {  	v23 =	vmul.f32 v28, v28;
	v36 =	vmul.f32 v27, v27;
	v17 =	vadd.f32 v17, v24;
	v24 =	vld [tilespmem:s11+$0xFFFFFFF0]  }
0x71: {  	v15 =	vadd.f32 v16, v15;
	v22 =	vld [tilespmem:s6+$0xFFFFFFF0];
	v20 =	vmul.f32 v28, v27;
	v27 =	vmul.f32 v62, v35  }
0x72: {  	s9 =	simm.s32 $0x10220;
	v16 =	vadd.f32 v19, v31;
	v21 =	vld [tilespmem:s11+$0x60];
	v28 =	vmul.f32 v35, v35;
	v13 =	vmul.f32 v13, v13  }
0x73: {  	s7 =	simm.s32 $0x12220;
	[tilespmem:s9+$0x10] =	vst v2;
	v2 =	vld [tilespmem:s6+$0x60];
	v19 =	vadd.f32 v20, v25;
	v25 =	vmul.f32 v62, v62;
	v20 =	vadd.f32 v27, v29  }
0x74: {  	s10 =	simm.s32 $0x14220;
	s12 =	simm.s32 $0x12220;
	[tilespmem:s7+$0x10] =	vst v0;
	v0 =	vld [tilespmem:s11+$0x70];
	v27 =	vmul.f32 v63, v63;
	v13 =	vadd.f32 v13, v26;
	v30 =	vmul.f32 v63, v18  }
0x75: {  	s22 =	simm.s32 $0x0;
	s23 =	simm.s32 $0x500;
	[tilespmem:s10+$0x10] =	vst v1;
	v1 =	vld [tilespmem:s6+$0x70];
	s11 =	simm.s32 $0x14220;
	v29 =	vmul.f32 v18, v18;
	v18 =	vadd.f32 v36, v33;
	v26 =	vmul.f32 v24, v24  }
.LBB2_2:
0x76: {  	v31 =	vld [tilespmem:s23+$0xE0];
	v4 =	vadd.f32 v30, v4;
	v24 =	vmul.f32 v22, v24;
	v22 =	vmul.f32 v22, v22;
	s6 =	sadd.s32 $0x200, s6  }
0x77: {  	v3 =	vadd.f32 v23, v3;
	v5 =	vadd.f32 v28, v5;
	v30 =	vld [tilespmem:s6+$0xE0];
	v23 =	vmul.f32 v21, v21  }
0x78: {  	v28 =	vld [tilespmem:s23+$0xC0];
	v7 =	vadd.f32 v24, v7;
	v21 =	vmul.f32 v2, v21;
	v24 =	vmul.f32 v2, v2  }
0x79: {  	v6 =	vadd.f32 v25, v6;
	v8 =	vadd.f32 v29, v8;
	v32 =	vld [tilespmem:s6+$0xC0];
	v25 =	vmul.f32 v0, v0  }
0x7a: {  	v29 =	vld [tilespmem:s23+$0xA0];
	v10 =	vadd.f32 v21, v10;
	v0 =	vmul.f32 v1, v0;
	v1 =	vmul.f32 v1, v1  }
0x7b: {  	v12 =	vadd.f32 v27, v12;
	v9 =	vadd.f32 v26, v9;
	v21 =	vld [tilespmem:s23+$0x80]  }
0x7c: {  	v11 =	vadd.f32 v22, v11;
	v26 =	vld [tilespmem:s6+$0x80];
	v17 =	vadd.f32 v0, v17  }
0x7d: {  	v2 =	vadd.f32 v23, v14;
	v0 =	vadd.f32 v24, v15;
	v22 =	vld [tilespmem:s23+$0x90]  }
0x7e: {  	v15 =	vadd.f32 v25, v16;
	v1 =	vadd.f32 v1, v13;
	v14 =	vld [tilespmem:s6+$0x90]  }
0x7f: {  	v19 =	vadd.f32 v20, v19;
	v23 =	vmul.f32 v31, v31;
	v16 =	vmul.f32 v30, v31;
	v13 =	vld [tilespmem:s6+$0xA0]  }
0x80: {  	v4 =	vadd.f32 v7, v4;
	v25 =	vmul.f32 v30, v30;
	v24 =	vmul.f32 v32, v28;
	v20 =	vld [tilespmem:s23+$0xB0]  }
0x81: {  	v27 =	vmul.f32 v28, v28;
	v28 =	vmul.f32 v32, v32;
	v10 =	vadd.f32 v17, v10;
	v7 =	vld [tilespmem:s6+$0xFFFFFF00];
	[tilespmem:s9+$0xFFFFFFE0] =	vst v19  }
0x82: {  	v5 =	vadd.f32 v5, v18;
	v17 =	vmul.f32 v21, v21;
	v19 =	vmul.f32 v26, v26;
	v30 =	vld [tilespmem:s6+$0xB0];
	[tilespmem:s9+$0xFFFFFFF0] =	vst v4  }
0x83: {  	s22 =	sadd.s32 $0x4, s22;
	v3 =	vadd.f32 v6, v3;
	v18 =	vmul.f32 v22, v22;
	v4 =	vld [tilespmem:s23+$0xFFFFFF10];
	v31 =	vmul.f32 v14, v14;
	[tilespmem:s9+$0x0] =	vst v10  }
0x84: {  	p0 =	slt.u32 s22, $0x7C;
	v10 =	vmul.f32 v29, v29;
	v6 =	vmul.f32 v13, v29;
	v29 =	vld [tilespmem:s23+$0xD0];
	[tilespmem:s7+$0xFFFFFFE0] =	vst v5;
	v5 =	vadd.f32 v9, v8  }
0x85: {  	v8 =	vmul.f32 v13, v13;
	v9 =	vmul.f32 v20, v20;
	v13 =	vld [tilespmem:s6+$0xD0];
	[tilespmem:s10+$0xFFFFFFE0] =	vst v3;
	v3 =	vadd.f32 v11, v12  }
0x86: {  	v11 =	vmul.f32 v26, v21;
	v12 =	vmul.f32 v14, v22;
	v10 =	vadd.f32 v10, v17;
	v14 =	vld [tilespmem:s23+$0xF0];
	[tilespmem:s7+$0xFFFFFFF0] =	vst v5  }
0x87: {  	v5 =	vadd.f32 v8, v19;
	v8 =	vadd.f32 v9, v18;
	v9 =	vmul.f32 v30, v30;
	v17 =	vld [tilespmem:s6+$0xF0];
	[tilespmem:s10+$0xFFFFFFF0] =	vst v3  }
0x88: {  	v11 =	vadd.f32 $0.0e+00, v11;
	v12 =	vadd.f32 $0.0e+00, v12;
	v18 =	vmul.f32 v30, v20;
	v3 =	vld [tilespmem:s6+$0xFFFFFF10]  }
0x89: {  	v10 =	vadd.f32 v27, v10;
	v19 =	vld [tilespmem:s23+$0xFFFFFF80];
	v9 =	vadd.f32 v9, v31;
	v20 =	vmul.f32 v29, v29  }
0x8a: {  	v6 =	vadd.f32 v6, v11;
	v11 =	vadd.f32 v18, v12;
	v21 =	vld [tilespmem:s6+$0xFFFFFF80];
	v12 =	vmul.f32 v13, v29  }
0x8b: {  	v5 =	vadd.f32 v28, v5;
	v13 =	vmul.f32 v13, v13;
	v18 =	vld [tilespmem:s23+$0xFFFFFF90];
	v8 =	vadd.f32 v20, v8  }
0x8c: {  	v6 =	vadd.f32 v24, v6;
	v20 =	vld [tilespmem:s6+$0xFFFFFF90];
	v11 =	vadd.f32 v12, v11;
	v12 =	vmul.f32 v17, v14  }
0x8d: {  	v10 =	vadd.f32 v23, v10;
	v9 =	vadd.f32 v13, v9;
	v13 =	vmul.f32 v14, v14;
	v22 =	vld [tilespmem:s23+$0x0]  }
0x8e: {  	v6 =	vadd.f32 v16, v6;
	v14 =	vld [tilespmem:s6+$0x0];
	v11 =	vadd.f32 v12, v11;
	v12 =	vmul.f32 v17, v17  }
0x8f: {  	v5 =	vadd.f32 v25, v5;
	v16 =	vmul.f32 v3, v4;
	v8 =	vadd.f32 v13, v8;
	v17 =	vld [tilespmem:s23+$0x10]  }
0x90: {  	v13 =	vmul.f32 v21, v19;
	v23 =	vld [tilespmem:s6+$0x10];
	v9 =	vadd.f32 v12, v9;
	v6 =	vadd.f32 v11, v6  }
0x91: {  	s9 =	sadd.s32 $0x40, s9;
	v12 =	vadd.f32 $0.0e+00, v16;
	v8 =	vadd.f32 v8, v10;
	v11 =	vld [tilespmem:s23+$0xFFFFFF00];
	v16 =	vmul.f32 v20, v18  }
0x92: {  	s7 =	sadd.s32 $0x40, s7;
	v10 =	vmul.f32 v7, v7;
	v13 =	vadd.f32 $0.0e+00, v13;
	v24 =	vld [tilespmem:s23+$0xFFFFFF20];
	[tilespmem:s9+$0x10] =	vst v6;
	v5 =	vadd.f32 v9, v5  }
0x93: {  	s10 =	sadd.s32 $0x40, s10;
	v4 =	vmul.f32 v4, v4;
	v6 =	vld [tilespmem:s6+$0xFFFFFF20];
	v9 =	vadd.f32 $0.0e+00, v16;
	v16 =	vmul.f32 v14, v22;
	[tilespmem:s7+$0x10] =	vst v8  }
0x94: {  	v2 =	vadd.f32 v15, v2;
	v3 =	vmul.f32 v3, v3;
	v19 =	vmul.f32 v19, v19;
	v8 =	vld [tilespmem:s23+$0xFFFFFF30];
	[tilespmem:s10+$0x10] =	vst v5  }
0x95: {  	v15 =	vmul.f32 v21, v21;
	v5 =	vld [tilespmem:s6+$0xFFFFFF30];
	v16 =	vadd.f32 $0.0e+00, v16;
	v21 =	vmul.f32 v23, v17  }
0x96: {  	v0 =	vadd.f32 v1, v0;
	v7 =	vmul.f32 v7, v11;
	v11 =	vmul.f32 v11, v11;
	v25 =	vld [tilespmem:s23+$0xFFFFFFA0];
	[tilespmem:s12+$0x0] =	vst v2;
	s12 =	smov.u32 s7  }
0x97: {  	v2 =	vmul.f32 v18, v18;
	v1 =	vmul.f32 v24, v24;
	v18 =	vld [tilespmem:s6+$0xFFFFFFA0];
	v21 =	vadd.f32 $0.0e+00, v21  }
0x98: {  	v7 =	vadd.f32 $0.0e+00, v7;
	v24 =	vmul.f32 v6, v24;
	v6 =	vmul.f32 v6, v6;
	v26 =	vld [tilespmem:s23+$0xFFFFFFB0];
	[tilespmem:s11+$0x0] =	vst v0;
	s11 =	smov.u32 s10  }
0x99: {  	v0 =	vadd.f32 v1, v11;
	v1 =	vmul.f32 v8, v8;
	v11 =	vmul.f32 v20, v20;
	v20 =	vld [tilespmem:s6+$0xFFFFFFB0]  }
0x9a: {  	v7 =	vadd.f32 v24, v7;
	v8 =	vmul.f32 v5, v8;
	v5 =	vmul.f32 v5, v5;
	v24 =	vld [tilespmem:s23+$0x20]  }
0x9b: {  	v22 =	vmul.f32 v22, v22;
	v6 =	vadd.f32 v6, v10;
	v10 =	vmul.f32 v25, v25;
	v27 =	vld [tilespmem:s6+$0x20]  }
0x9c: {  	v8 =	vadd.f32 v8, v12;
	v12 =	vmul.f32 v18, v25;
	v18 =	vmul.f32 v18, v18;
	v25 =	vld [tilespmem:s23+$0x30]  }
0x9d: {  	v14 =	vmul.f32 v14, v14;
	v1 =	vadd.f32 v1, v4;
	v4 =	vmul.f32 v26, v26;
	v28 =	vld [tilespmem:s6+$0x30]  }
0x9e: {  	v29 =	vld [tilespmem:s23+$0xFFFFFF40];
	v12 =	vadd.f32 v12, v13;
	v13 =	vmul.f32 v20, v26;
	v20 =	vmul.f32 v20, v20  }
0x9f: {  	v26 =	vadd.f32 v5, v3;
	v5 =	vmul.f32 v17, v17;
	v17 =	vmul.f32 v23, v23;
	v3 =	vld [tilespmem:s6+$0xFFFFFF40]  }
0xa0: {  	v23 =	vld [tilespmem:s23+$0xFFFFFF50];
	v9 =	vadd.f32 v13, v9;
	v13 =	vmul.f32 v27, v24;
	v24 =	vmul.f32 v24, v24  }
0xa1: {  	v10 =	vadd.f32 v10, v19;
	v19 =	vmul.f32 v27, v27;
	v30 =	vld [tilespmem:s6+$0xFFFFFF50];
	v27 =	vmul.f32 v25, v25  }
0xa2: {  	v31 =	vld [tilespmem:s23+$0xFFFFFFC0];
	v13 =	vadd.f32 v13, v16;
	v16 =	vmul.f32 v28, v25;
	v25 =	vmul.f32 v28, v28  }
0xa3: {  	v15 =	vadd.f32 v18, v15;
	v2 =	vadd.f32 v4, v2;
	v28 =	vmul.f32 v29, v29;
	v4 =	vld [tilespmem:s6+$0xFFFFFFC0]  }
0xa4: {  	v11 =	vadd.f32 v20, v11;
	v18 =	vmul.f32 v3, v29;
	v20 =	vld [tilespmem:s23+$0xFFFFFFD0];
	v16 =	vadd.f32 v16, v21  }
0xa5: {  	v19 =	vadd.f32 v19, v14;
	v3 =	vmul.f32 v3, v3;
	v29 =	vadd.f32 v24, v22;
	v21 =	vld [tilespmem:s6+$0xFFFFFFD0]  }
0xa6: {  	v27 =	vadd.f32 v27, v5;
	v25 =	vadd.f32 v25, v17;
	v14 =	vmul.f32 v30, v23;
	v17 =	vld [tilespmem:s23+$0x40]  }
0xa7: {  	v5 =	vmul.f32 v23, v23;
	v18 =	vadd.f32 v18, v7;
	v22 =	vmul.f32 v30, v30;
	v23 =	vld [tilespmem:s6+$0x40]  }
0xa8: {  	v30 =	vadd.f32 v14, v8;
	v7 =	vmul.f32 v4, v31;
	v8 =	vmul.f32 v31, v31;
	v14 =	vld [tilespmem:s23+$0x50]  }
0xa9: {  	v31 =	vadd.f32 v28, v0;
	v0 =	vmul.f32 v4, v4;
	v24 =	vmul.f32 v20, v20;
	v28 =	vld [tilespmem:s6+$0x50]  }
0xaa: {  	v32 =	vld [tilespmem:s23+$0xFFFFFF60];
	v4 =	vadd.f32 v7, v12;
	v7 =	vmul.f32 v21, v20;
	v20 =	vmul.f32 v21, v21  }
0xab: {  	v3 =	vadd.f32 v3, v6;
	v5 =	vadd.f32 v5, v1;
	v1 =	vld [tilespmem:s6+$0xFFFFFF60];
	v21 =	vmul.f32 v17, v17  }
0xac: {  	v33 =	vld [tilespmem:s23+$0xFFFFFF70];
	v7 =	vadd.f32 v7, v9;
	v9 =	vmul.f32 v23, v17;
	v34 =	vmul.f32 v23, v23  }
0xad: {  	v6 =	vadd.f32 v22, v26;
	v8 =	vadd.f32 v8, v10;
	v26 =	vld [tilespmem:s6+$0xFFFFFF70];
	v35 =	vmul.f32 v14, v14  }
0xae: {  	v36 =	vld [tilespmem:s23+$0xFFFFFFE0];
	v10 =	vadd.f32 v9, v13;
	v13 =	vmul.f32 v28, v14;
	v28 =	vmul.f32 v28, v28  }
0xaf: {  	v12 =	vadd.f32 v0, v15;
	v9 =	vadd.f32 v24, v2;
	v37 =	vmul.f32 v32, v32;
	v38 =	vld [tilespmem:s6+$0xFFFFFFE0]  }
0xb0: {  	v11 =	vadd.f32 v20, v11;
	v0 =	vmul.f32 v1, v32;
	v24 =	vld [tilespmem:s23+$0xFFFFFFF0];
	v17 =	vadd.f32 v13, v16  }
.Ltmp0:
0xb1: {  	v14 =	vadd.f32 v21, v29;
	v15 =	vadd.f32 v34, v19;
	v23 =	vmul.f32 v1, v1;
	v22 =	vld [tilespmem:s6+$0xFFFFFFF0];
	(pc) =	sbr.rel @p0 .LBB2_2-.Ltmp0, $4  }
0xb2: {  	v16 =	vadd.f32 v35, v27;
	v13 =	vadd.f32 v28, v25;
	v1 =	vmul.f32 v26, v33;
	v21 =	vld [tilespmem:s23+$0x60]  }
0xb3: {  	v28 =	vmul.f32 v33, v33;
	v19 =	vadd.f32 v0, v18;
	v25 =	vmul.f32 v26, v26;
	v2 =	vld [tilespmem:s6+$0x60]  }
0xb4: {  	v29 =	vmul.f32 v36, v36;
	v20 =	vadd.f32 v1, v30;
	v30 =	vmul.f32 v38, v36;
	v0 =	vld [tilespmem:s23+$0x70]  }
0xb5: {  	v18 =	vadd.f32 v37, v31;
	v27 =	vmul.f32 v38, v38;
	s23 =	sadd.s32 $0x200, s23;
	v26 =	vmul.f32 v24, v24;
	v1 =	vld [tilespmem:s6+$0x70]  }
0xb6: {  	v4 =	vadd.f32 v30, v4;
	v3 =	vadd.f32 v23, v3  }
0xb7: {  	v24 =	vmul.f32 v22, v24;
	v5 =	vadd.f32 v28, v5;
	v6 =	vadd.f32 v25, v6  }
0xb8: {  	v8 =	vadd.f32 v29, v8;
	v22 =	vmul.f32 v22, v22;
	v19 =	vadd.f32 v20, v19  }
0xb9: {  	v12 =	vadd.f32 v27, v12;
	v9 =	vadd.f32 v26, v9;
	v23 =	vmul.f32 v2, v21  }
0xba: {  	v20 =	vmul.f32 v21, v21;
	v7 =	vadd.f32 v24, v7;
	v5 =	vadd.f32 v5, v18  }
0xbb: {  	v2 =	vmul.f32 v2, v2;
	v3 =	vadd.f32 v6, v3;
	v10 =	vadd.f32 v23, v10  }
0xbc: {  	[tilespmem:s9+$0xFFFFFFE0] =	vst v19;
	v24 =	vmul.f32 v1, v0;
	v4 =	vadd.f32 v7, v4;
	v7 =	vadd.f32 v22, v11  }
0xbd: {  	v0 =	vmul.f32 v0, v0;
	v11 =	vadd.f32 v20, v14;
	v2 =	vadd.f32 v2, v15;
	[tilespmem:s7+$0xFFFFFFE0] =	vst v5  }
0xbe: {  	v1 =	vmul.f32 v1, v1;
	v17 =	vadd.f32 v24, v17;
	[tilespmem:s9+$0xFFFFFFF0] =	vst v4;
	v4 =	vadd.f32 v9, v8  }
0xbf: {  	[tilespmem:s10+$0xFFFFFFE0] =	vst v3;
	v0 =	vadd.f32 v0, v16;
	v3 =	vadd.f32 v7, v12  }
0xc0: {  	v1 =	vadd.f32 v1, v13;
	v10 =	vadd.f32 v17, v10;
	[tilespmem:s7+$0xFFFFFFF0] =	vst v4  }
0xc1: {  	v0 =	vadd.f32 v0, v11;
	[tilespmem:s10+$0xFFFFFFF0] =	vst v3  }
0xc2: {  	v1 =	vadd.f32 v1, v2;
	[tilespmem:s9+$0x0] =	vst v10  }
0xc3: {  	[tilespmem:s12+$0x0] =	vst v0  }
0xc4: {  	[tilespmem:s11+$0x0] =	vst v1  }
0xc5: {  	s12 =	simm.s32 $0x200;
	s6 =	rddreg [dreg:$0x7]  }
0xc6: {  	[tilespmem:s12], [sflag:$0x1] =	stream.linear.gather [hbm4b:s6+s3], $0x4000, $0x38;
	[tilespmem:$0x16200] =	vst v63  }
0xc7: {  	s22 =	simm.s32 $0x100  }
0xc8: {  	[tilespmem:s26], [sflag:$0x3] =	stream.indirect.gather [hbm4b:s1+s25], $0x80, s22, s25, $0xb8;
	[tilespmem:$0x16200] =	vst v63  }
0xc9: {  	_ =	swait.ge [sflag:s0], $0x4000  }
0xca: {  	[sflag:s0] =	ssyncset.done $0x0  }
0xcb: {  	[sflag:s0] =	ssyncadd.s32 $0xFFFFC000  }
0xcc: {  	_ =	swait.ge [sflag:s2], $0x4000  }
0xcd: {  	[sflag:s2] =	ssyncset.done $0x0  }
0xce: {  	s23 =	simm.s32 $0x4300;
	[sflag:s2] =	ssyncadd.s32 $0xFFFFC000  }
0xcf: {  	s6 =	simm.s32 $0xC300;
	v0 =	vld [tilespmem:s23+$0xE0]  }
0xd0: {  	v1 =	vld [tilespmem:s6+$0xE0]  }
0xd1: {  	v2 =	vld [tilespmem:s23+$0xC0]  }
0xd2: {  	v3 =	vld [tilespmem:s6+$0xC0]  }
0xd3: {  	v4 =	vld [tilespmem:s23+$0xA0]  }
0xd4: {  	v5 =	vld [tilespmem:s23+$0x80]  }
0xd5: {  	v6 =	vld [tilespmem:s6+$0x80]  }
0xd6: {  	v7 =	vld [tilespmem:s23+$0x90]  }
0xd7: {  	v8 =	vld [tilespmem:s6+$0x90]  }
0xd8: {  	v9 =	vld [tilespmem:s6+$0xA0]  }
0xd9: {  	v11 =	vld [tilespmem:s23+$0xB0];
	v10 =	vmul.f32 v1, v0;
	v0 =	vmul.f32 v0, v0  }
0xda: {  	v13 =	vld [tilespmem:s6+$0xFFFFFF00];
	v12 =	vmul.f32 v3, v2;
	v2 =	vmul.f32 v2, v2  }
0xdb: {  	v14 =	vld [tilespmem:s6+$0xB0];
	v3 =	vmul.f32 v3, v3;
	v15 =	vmul.f32 v5, v5  }
0xdc: {  	v17 =	vld [tilespmem:s23+$0xFFFFFF10];
	v16 =	vmul.f32 v6, v6;
	v18 =	vmul.f32 v7, v7  }
0xdd: {  	v20 =	vld [tilespmem:s23+$0xD0];
	v19 =	vmul.f32 v8, v8;
	v21 =	vmul.f32 v9, v4  }
0xde: {  	v22 =	vld [tilespmem:s6+$0xD0];
	v4 =	vmul.f32 v4, v4;
	v9 =	vmul.f32 v9, v9  }
0xdf: {  	v24 =	vld [tilespmem:s23+$0xF0];
	v23 =	vmul.f32 v11, v11;
	v5 =	vmul.f32 v6, v5  }
0xe0: {  	v25 =	vld [tilespmem:s23+$0xFFFFFFA0];
	v6 =	vmul.f32 v8, v7;
	v11 =	vmul.f32 v14, v11;
	v4 =	vadd.f32 v4, v15  }
0xe1: {  	v7 =	vld [tilespmem:s6+$0xF0];
	v8 =	vadd.f32 v9, v16;
	v9 =	vadd.f32 v23, v18;
	v15 =	vmul.f32 v14, v14  }
0xe2: {  	v1 =	vmul.f32 v1, v1;
	v5 =	vadd.f32 $0.0e+00, v5;
	v6 =	vadd.f32 $0.0e+00, v6;
	v14 =	vld [tilespmem:s23+$0xFFFFFF80]  }
0xe3: {  	v18 =	vld [tilespmem:s6+$0xFFFFFF80];
	v15 =	vadd.f32 v15, v19;
	v2 =	vadd.f32 v2, v4;
	v4 =	vmul.f32 v20, v20  }
0xe4: {  	v16 =	vld [tilespmem:s6+$0xFFFFFF10];
	v5 =	vadd.f32 v21, v5;
	v6 =	vadd.f32 v11, v6;
	v11 =	vmul.f32 v22, v20  }
0xe5: {  	v19 =	vld [tilespmem:s23+$0xFFFFFF90];
	v3 =	vadd.f32 v3, v8;
	v8 =	vmul.f32 v22, v22;
	v4 =	vadd.f32 v4, v9  }
0xe6: {  	v21 =	vld [tilespmem:s6+$0xFFFFFF20];
	v5 =	vadd.f32 v12, v5;
	v6 =	vadd.f32 v11, v6;
	v12 =	vmul.f32 v7, v24  }
0xe7: {  	v9 =	vld [tilespmem:s6+$0xFFFFFF90];
	v8 =	vadd.f32 v8, v15;
	v0 =	vadd.f32 v0, v2;
	v2 =	vmul.f32 v24, v24  }
0xe8: {  	v11 =	vld [tilespmem:s23+$0x0];
	v7 =	vmul.f32 v7, v7;
	v1 =	vadd.f32 v1, v3;
	v20 =	vmul.f32 v18, v14  }
0xe9: {  	v15 =	vld [tilespmem:s6+$0x0];
	v14 =	vmul.f32 v14, v14;
	v5 =	vadd.f32 v10, v5;
	v6 =	vadd.f32 v12, v6  }
0xea: {  	v3 =	vld [tilespmem:s6+$0x10];
	v18 =	vmul.f32 v18, v18;
	v12 =	vmul.f32 v16, v17;
	v4 =	vadd.f32 v2, v4  }
0xeb: {  	v7 =	vadd.f32 v7, v8;
	v8 =	vld [tilespmem:s23+$0xFFFFFF00];
	v17 =	vmul.f32 v17, v17;
	v2 =	vadd.f32 v6, v5  }
0xec: {  	v10 =	vld [tilespmem:s23+$0x10];
	v5 =	vadd.f32 $0.0e+00, v12;
	v0 =	vadd.f32 v4, v0;
	v4 =	vmul.f32 v13, v13  }
0xed: {  	v6 =	vld [tilespmem:s23+$0xFFFFFF20];
	v1 =	vadd.f32 v7, v1;
	v7 =	vmul.f32 v16, v16;
	v12 =	vmul.f32 v9, v19  }
0xee: {  	v23 =	vld [tilespmem:s23+$0xFFFFFF30];
	v22 =	vmul.f32 v15, v11;
	v19 =	vmul.f32 v19, v19  }
0xef: {  	v20 =	vadd.f32 $0.0e+00, v20;
	v16 =	vld [tilespmem:s6+$0xFFFFFF30];
	v9 =	vmul.f32 v9, v9;
	v11 =	vmul.f32 v11, v11  }
0xf0: {  	v26 =	vld [tilespmem:s6+$0xFFFFFFA0];
	v15 =	vmul.f32 v15, v15;
	v12 =	vadd.f32 $0.0e+00, v12;
	v13 =	vmul.f32 v13, v8  }
0xf1: {  	v28 =	vld [tilespmem:s23+$0xFFFFFFB0];
	v24 =	vmul.f32 v3, v10;
	v22 =	vadd.f32 $0.0e+00, v22;
	v8 =	vmul.f32 v8, v8  }
0xf2: {  	v29 =	vld [tilespmem:s6+$0xFFFFFFB0];
	v27 =	vmul.f32 v6, v6;
	v13 =	vadd.f32 $0.0e+00, v13;
	v6 =	vmul.f32 v21, v6  }
0xf3: {  	v30 =	vld [tilespmem:s23+$0x20];
	v10 =	vmul.f32 v10, v10;
	v3 =	vmul.f32 v3, v3;
	v24 =	vadd.f32 $0.0e+00, v24  }
0xf4: {  	v31 =	vld [tilespmem:s23+$0x30];
	v21 =	vmul.f32 v21, v21;
	v6 =	vadd.f32 v6, v13;
	v13 =	vmul.f32 v16, v23  }
0xf5: {  	v8 =	vadd.f32 v27, v8;
	v27 =	vmul.f32 v23, v23;
	v16 =	vmul.f32 v16, v16;
	v23 =	vld [tilespmem:s6+$0x20]  }
0xf6: {  	v32 =	vld [tilespmem:s23+$0xFFFFFF40];
	v21 =	vadd.f32 v21, v4;
	v4 =	vmul.f32 v25, v25;
	v5 =	vadd.f32 v13, v5  }
0xf7: {  	v13 =	vmul.f32 v26, v25;
	v25 =	vmul.f32 v26, v26;
	v26 =	vld [tilespmem:s6+$0x30];
	v17 =	vadd.f32 v27, v17  }
0xf8: {  	v27 =	vmul.f32 v28, v28;
	v28 =	vmul.f32 v29, v28;
	v16 =	vadd.f32 v16, v7;
	v7 =	vld [tilespmem:s23+$0xFFFFFF50]  }
0xf9: {  	v14 =	vadd.f32 v4, v14;
	v13 =	vadd.f32 v13, v20;
	v20 =	vmul.f32 v29, v29;
	v29 =	vld [tilespmem:s6+$0xFFFFFF40]  }
0xfa: {  	v4 =	vld [tilespmem:s6+$0xFFFFFF50];
	v12 =	vadd.f32 v28, v12;
	v18 =	vadd.f32 v25, v18;
	v28 =	vmul.f32 v23, v30  }
0xfb: {  	v19 =	vadd.f32 v27, v19;
	v27 =	vld [tilespmem:s6+$0xFFFFFFC0];
	v30 =	vmul.f32 v30, v30;
	v23 =	vmul.f32 v23, v23  }
0xfc: {  	v20 =	vadd.f32 v20, v9;
	v22 =	vadd.f32 v28, v22;
	v28 =	vld [tilespmem:s23+$0xFFFFFFC0];
	v25 =	vmul.f32 v26, v31  }
0xfd: {  	v9 =	vld [tilespmem:s23+$0xFFFFFFD0];
	v31 =	vmul.f32 v31, v31;
	v26 =	vmul.f32 v26, v26;
	v30 =	vadd.f32 v30, v11  }
0xfe: {  	v11 =	vld [tilespmem:s6+$0xFFFFFFD0];
	v15 =	vadd.f32 v23, v15;
	v24 =	vadd.f32 v25, v24;
	v25 =	vmul.f32 v29, v32  }
0xff: {  	v61 =	vld [tilespmem:s6+$0x40];
	v23 =	vmul.f32 v4, v7;
	v7 =	vmul.f32 v7, v7;
	v31 =	vadd.f32 v31, v10  }
0x100: {  	v34 =	vld [tilespmem:s23+$0x50];
	v26 =	vadd.f32 v26, v3;
	v3 =	vmul.f32 v32, v32;
	v25 =	vadd.f32 v25, v6  }
0x101: {  	v10 =	vld [tilespmem:s23+$0x40];
	v6 =	vmul.f32 v29, v29;
	v29 =	vadd.f32 v23, v5;
	v5 =	vmul.f32 v27, v28  }
0x102: {  	v35 =	vld [tilespmem:s23+$0xFFFFFF70];
	v23 =	vmul.f32 v4, v4;
	v33 =	vadd.f32 v3, v8;
	v8 =	vmul.f32 v28, v28  }
0x103: {  	v3 =	vadd.f32 v6, v21;
	v6 =	vmul.f32 v11, v9;
	v4 =	vadd.f32 v5, v13;
	v13 =	vld [tilespmem:s6+$0x50]  }
0x104: {  	v28 =	vld [tilespmem:s6+$0xFFFFFF60];
	v21 =	vmul.f32 v27, v27;
	v9 =	vmul.f32 v9, v9  }
0x105: {  	v27 =	vld [tilespmem:s23+$0xFFFFFF60];
	v11 =	vmul.f32 v11, v11;
	v5 =	vadd.f32 v7, v17;
	v8 =	vadd.f32 v8, v14  }
0x106: {  	v62 =	vld [tilespmem:s6+$0xFFFFFF70];
	v14 =	vmul.f32 v10, v10;
	v7 =	vadd.f32 v6, v12;
	v6 =	vadd.f32 v23, v16  }
0x107: {  	v12 =	vmul.f32 v61, v10;
	v16 =	vmul.f32 v61, v61;
	v9 =	vadd.f32 v9, v19  }
0x108: {  	v63 =	vld [tilespmem:s6+$0xFFFFFFE0];
	v11 =	vadd.f32 v11, v20;
	v14 =	vadd.f32 v14, v30;
	v17 =	vmul.f32 v13, v34  }
0x109: {  	v19 =	vmul.f32 v34, v34;
	v10 =	vadd.f32 v12, v22;
	v12 =	vadd.f32 v21, v18;
	v18 =	vld [tilespmem:s23+$0xFFFFFFE0]  }
0x10a: {  	v23 =	vmul.f32 v28, v28;
	v36 =	vmul.f32 v27, v27;
	v17 =	vadd.f32 v17, v24;
	v24 =	vld [tilespmem:s23+$0xFFFFFFF0]  }
0x10b: {  	v15 =	vadd.f32 v16, v15;
	v22 =	vld [tilespmem:s6+$0xFFFFFFF0];
	v20 =	vmul.f32 v28, v27;
	v27 =	vmul.f32 v62, v35  }
0x10c: {  	s9 =	simm.s32 $0x10A30;
	v16 =	vadd.f32 v19, v31;
	v21 =	vld [tilespmem:s23+$0x60];
	v28 =	vmul.f32 v35, v35;
	v13 =	vmul.f32 v13, v13  }
0x10d: {  	s7 =	simm.s32 $0x12A30;
	[tilespmem:s9+$0x0] =	vst v2;
	v2 =	vld [tilespmem:s6+$0x60];
	v19 =	vadd.f32 v20, v25;
	v25 =	vmul.f32 v62, v62;
	v20 =	vadd.f32 v27, v29  }
0x10e: {  	s10 =	simm.s32 $0x14A30;
	s11 =	simm.s32 $0x14A30;
	[tilespmem:s7+$0x0] =	vst v0;
	v0 =	vld [tilespmem:s23+$0x70];
	v27 =	vmul.f32 v63, v63;
	v13 =	vadd.f32 v13, v26;
	v30 =	vmul.f32 v63, v18  }
0x10f: {  	s12 =	simm.s32 $0x12A30;
	s22 =	simm.s32 $0x0;
	[tilespmem:s10+$0x0] =	vst v1;
	v1 =	vld [tilespmem:s6+$0x70];
	s23 =	simm.s32 $0x4500;
	v29 =	vmul.f32 v18, v18;
	v18 =	vadd.f32 v36, v33;
	v26 =	vmul.f32 v24, v24  }
.LBB2_4:
0x110: {  	v31 =	vld [tilespmem:s23+$0xE0];
	v4 =	vadd.f32 v30, v4;
	v24 =	vmul.f32 v22, v24;
	v22 =	vmul.f32 v22, v22;
	s6 =	sadd.s32 $0x200, s6  }
0x111: {  	v3 =	vadd.f32 v23, v3;
	v5 =	vadd.f32 v28, v5;
	v30 =	vld [tilespmem:s6+$0xE0];
	v23 =	vmul.f32 v21, v21  }
0x112: {  	v28 =	vld [tilespmem:s23+$0xC0];
	v7 =	vadd.f32 v24, v7;
	v21 =	vmul.f32 v2, v21;
	v24 =	vmul.f32 v2, v2  }
0x113: {  	v6 =	vadd.f32 v25, v6;
	v8 =	vadd.f32 v29, v8;
	v32 =	vld [tilespmem:s6+$0xC0];
	v25 =	vmul.f32 v0, v0  }
0x114: {  	v29 =	vld [tilespmem:s23+$0xA0];
	v10 =	vadd.f32 v21, v10;
	v0 =	vmul.f32 v1, v0;
	v1 =	vmul.f32 v1, v1  }
0x115: {  	v12 =	vadd.f32 v27, v12;
	v9 =	vadd.f32 v26, v9;
	v21 =	vld [tilespmem:s23+$0x80]  }
0x116: {  	v11 =	vadd.f32 v22, v11;
	v26 =	vld [tilespmem:s6+$0x80];
	v17 =	vadd.f32 v0, v17  }
0x117: {  	v2 =	vadd.f32 v23, v14;
	v0 =	vadd.f32 v24, v15;
	v22 =	vld [tilespmem:s23+$0x90]  }
0x118: {  	v15 =	vadd.f32 v25, v16;
	v1 =	vadd.f32 v1, v13;
	v14 =	vld [tilespmem:s6+$0x90]  }
0x119: {  	v19 =	vadd.f32 v20, v19;
	v23 =	vmul.f32 v31, v31;
	v16 =	vmul.f32 v30, v31;
	v13 =	vld [tilespmem:s6+$0xA0]  }
0x11a: {  	v4 =	vadd.f32 v7, v4;
	v25 =	vmul.f32 v30, v30;
	v24 =	vmul.f32 v32, v28;
	v20 =	vld [tilespmem:s23+$0xB0]  }
0x11b: {  	v27 =	vmul.f32 v28, v28;
	v28 =	vmul.f32 v32, v32;
	v10 =	vadd.f32 v17, v10;
	v7 =	vld [tilespmem:s6+$0xFFFFFF00];
	[tilespmem:s9+$0xFFFFFFD0] =	vst v19  }
0x11c: {  	v5 =	vadd.f32 v5, v18;
	v17 =	vmul.f32 v21, v21;
	v19 =	vmul.f32 v26, v26;
	v30 =	vld [tilespmem:s6+$0xB0];
	[tilespmem:s9+$0xFFFFFFE0] =	vst v4  }
0x11d: {  	s22 =	sadd.s32 $0x4, s22;
	v3 =	vadd.f32 v6, v3;
	v18 =	vmul.f32 v22, v22;
	v4 =	vld [tilespmem:s23+$0xFFFFFF10];
	v31 =	vmul.f32 v14, v14;
	[tilespmem:s9+$0xFFFFFFF0] =	vst v10  }
0x11e: {  	p0 =	slt.u32 s22, $0x7C;
	v10 =	vmul.f32 v29, v29;
	v6 =	vmul.f32 v13, v29;
	v29 =	vld [tilespmem:s23+$0xD0];
	[tilespmem:s7+$0xFFFFFFD0] =	vst v5;
	v5 =	vadd.f32 v9, v8  }
0x11f: {  	v8 =	vmul.f32 v13, v13;
	v9 =	vmul.f32 v20, v20;
	v13 =	vld [tilespmem:s6+$0xD0];
	[tilespmem:s10+$0xFFFFFFD0] =	vst v3;
	v3 =	vadd.f32 v11, v12  }
0x120: {  	v11 =	vmul.f32 v26, v21;
	v12 =	vmul.f32 v14, v22;
	v10 =	vadd.f32 v10, v17;
	v14 =	vld [tilespmem:s23+$0xF0];
	[tilespmem:s7+$0xFFFFFFE0] =	vst v5  }
0x121: {  	v5 =	vadd.f32 v8, v19;
	v8 =	vadd.f32 v9, v18;
	v9 =	vmul.f32 v30, v30;
	v17 =	vld [tilespmem:s6+$0xF0];
	[tilespmem:s10+$0xFFFFFFE0] =	vst v3  }
0x122: {  	v11 =	vadd.f32 $0.0e+00, v11;
	v12 =	vadd.f32 $0.0e+00, v12;
	v18 =	vmul.f32 v30, v20;
	v3 =	vld [tilespmem:s6+$0xFFFFFF10]  }
0x123: {  	v10 =	vadd.f32 v27, v10;
	v19 =	vld [tilespmem:s23+$0xFFFFFF80];
	v9 =	vadd.f32 v9, v31;
	v20 =	vmul.f32 v29, v29  }
0x124: {  	v6 =	vadd.f32 v6, v11;
	v11 =	vadd.f32 v18, v12;
	v21 =	vld [tilespmem:s6+$0xFFFFFF80];
	v12 =	vmul.f32 v13, v29  }
0x125: {  	v5 =	vadd.f32 v28, v5;
	v13 =	vmul.f32 v13, v13;
	v18 =	vld [tilespmem:s23+$0xFFFFFF90];
	v8 =	vadd.f32 v20, v8  }
0x126: {  	v6 =	vadd.f32 v24, v6;
	v20 =	vld [tilespmem:s6+$0xFFFFFF90];
	v11 =	vadd.f32 v12, v11;
	v12 =	vmul.f32 v17, v14  }
0x127: {  	v10 =	vadd.f32 v23, v10;
	v9 =	vadd.f32 v13, v9;
	v13 =	vmul.f32 v14, v14;
	v22 =	vld [tilespmem:s23+$0x0]  }
0x128: {  	v6 =	vadd.f32 v16, v6;
	v14 =	vld [tilespmem:s6+$0x0];
	v11 =	vadd.f32 v12, v11;
	v12 =	vmul.f32 v17, v17  }
0x129: {  	v5 =	vadd.f32 v25, v5;
	v16 =	vmul.f32 v3, v4;
	v8 =	vadd.f32 v13, v8;
	v17 =	vld [tilespmem:s23+$0x10]  }
0x12a: {  	v13 =	vmul.f32 v21, v19;
	v23 =	vld [tilespmem:s6+$0x10];
	v9 =	vadd.f32 v12, v9;
	v6 =	vadd.f32 v11, v6  }
0x12b: {  	s9 =	sadd.s32 $0x40, s9;
	v12 =	vadd.f32 $0.0e+00, v16;
	v8 =	vadd.f32 v8, v10;
	v11 =	vld [tilespmem:s23+$0xFFFFFF00];
	v16 =	vmul.f32 v20, v18  }
0x12c: {  	s7 =	sadd.s32 $0x40, s7;
	v10 =	vmul.f32 v7, v7;
	v13 =	vadd.f32 $0.0e+00, v13;
	v24 =	vld [tilespmem:s23+$0xFFFFFF20];
	[tilespmem:s9+$0x0] =	vst v6;
	v5 =	vadd.f32 v9, v5  }
0x12d: {  	s10 =	sadd.s32 $0x40, s10;
	v4 =	vmul.f32 v4, v4;
	v6 =	vld [tilespmem:s6+$0xFFFFFF20];
	v9 =	vadd.f32 $0.0e+00, v16;
	v16 =	vmul.f32 v14, v22;
	[tilespmem:s7+$0x0] =	vst v8  }
0x12e: {  	v2 =	vadd.f32 v15, v2;
	v3 =	vmul.f32 v3, v3;
	v19 =	vmul.f32 v19, v19;
	v8 =	vld [tilespmem:s23+$0xFFFFFF30];
	[tilespmem:s10+$0x0] =	vst v5  }
0x12f: {  	v15 =	vmul.f32 v21, v21;
	v5 =	vld [tilespmem:s6+$0xFFFFFF30];
	v16 =	vadd.f32 $0.0e+00, v16;
	v21 =	vmul.f32 v23, v17  }
0x130: {  	v0 =	vadd.f32 v1, v0;
	v7 =	vmul.f32 v7, v11;
	v11 =	vmul.f32 v11, v11;
	v25 =	vld [tilespmem:s23+$0xFFFFFFA0];
	[tilespmem:s12+$0xFFFFFFF0] =	vst v2;
	s12 =	smov.u32 s7  }
0x131: {  	v2 =	vmul.f32 v18, v18;
	v1 =	vmul.f32 v24, v24;
	v18 =	vld [tilespmem:s6+$0xFFFFFFA0];
	v21 =	vadd.f32 $0.0e+00, v21  }
0x132: {  	v7 =	vadd.f32 $0.0e+00, v7;
	v24 =	vmul.f32 v6, v24;
	v6 =	vmul.f32 v6, v6;
	v26 =	vld [tilespmem:s23+$0xFFFFFFB0];
	[tilespmem:s11+$0xFFFFFFF0] =	vst v0;
	s11 =	smov.u32 s10  }
0x133: {  	v0 =	vadd.f32 v1, v11;
	v1 =	vmul.f32 v8, v8;
	v11 =	vmul.f32 v20, v20;
	v20 =	vld [tilespmem:s6+$0xFFFFFFB0]  }
0x134: {  	v7 =	vadd.f32 v24, v7;
	v8 =	vmul.f32 v5, v8;
	v5 =	vmul.f32 v5, v5;
	v24 =	vld [tilespmem:s23+$0x20]  }
0x135: {  	v22 =	vmul.f32 v22, v22;
	v6 =	vadd.f32 v6, v10;
	v10 =	vmul.f32 v25, v25;
	v27 =	vld [tilespmem:s6+$0x20]  }
0x136: {  	v8 =	vadd.f32 v8, v12;
	v12 =	vmul.f32 v18, v25;
	v18 =	vmul.f32 v18, v18;
	v25 =	vld [tilespmem:s23+$0x30]  }
0x137: {  	v14 =	vmul.f32 v14, v14;
	v1 =	vadd.f32 v1, v4;
	v4 =	vmul.f32 v26, v26;
	v28 =	vld [tilespmem:s6+$0x30]  }
0x138: {  	v29 =	vld [tilespmem:s23+$0xFFFFFF40];
	v12 =	vadd.f32 v12, v13;
	v13 =	vmul.f32 v20, v26;
	v20 =	vmul.f32 v20, v20  }
0x139: {  	v26 =	vadd.f32 v5, v3;
	v5 =	vmul.f32 v17, v17;
	v17 =	vmul.f32 v23, v23;
	v3 =	vld [tilespmem:s6+$0xFFFFFF40]  }
0x13a: {  	v23 =	vld [tilespmem:s23+$0xFFFFFF50];
	v9 =	vadd.f32 v13, v9;
	v13 =	vmul.f32 v27, v24;
	v24 =	vmul.f32 v24, v24  }
0x13b: {  	v10 =	vadd.f32 v10, v19;
	v19 =	vmul.f32 v27, v27;
	v30 =	vld [tilespmem:s6+$0xFFFFFF50];
	v27 =	vmul.f32 v25, v25  }
0x13c: {  	v31 =	vld [tilespmem:s23+$0xFFFFFFC0];
	v13 =	vadd.f32 v13, v16;
	v16 =	vmul.f32 v28, v25;
	v25 =	vmul.f32 v28, v28  }
0x13d: {  	v15 =	vadd.f32 v18, v15;
	v2 =	vadd.f32 v4, v2;
	v28 =	vmul.f32 v29, v29;
	v4 =	vld [tilespmem:s6+$0xFFFFFFC0]  }
0x13e: {  	v11 =	vadd.f32 v20, v11;
	v18 =	vmul.f32 v3, v29;
	v20 =	vld [tilespmem:s23+$0xFFFFFFD0];
	v16 =	vadd.f32 v16, v21  }
0x13f: {  	v19 =	vadd.f32 v19, v14;
	v3 =	vmul.f32 v3, v3;
	v29 =	vadd.f32 v24, v22;
	v21 =	vld [tilespmem:s6+$0xFFFFFFD0]  }
0x140: {  	v27 =	vadd.f32 v27, v5;
	v25 =	vadd.f32 v25, v17;
	v14 =	vmul.f32 v30, v23;
	v17 =	vld [tilespmem:s23+$0x40]  }
0x141: {  	v5 =	vmul.f32 v23, v23;
	v18 =	vadd.f32 v18, v7;
	v22 =	vmul.f32 v30, v30;
	v23 =	vld [tilespmem:s6+$0x40]  }
0x142: {  	v30 =	vadd.f32 v14, v8;
	v7 =	vmul.f32 v4, v31;
	v8 =	vmul.f32 v31, v31;
	v14 =	vld [tilespmem:s23+$0x50]  }
0x143: {  	v31 =	vadd.f32 v28, v0;
	v0 =	vmul.f32 v4, v4;
	v24 =	vmul.f32 v20, v20;
	v28 =	vld [tilespmem:s6+$0x50]  }
0x144: {  	v32 =	vld [tilespmem:s23+$0xFFFFFF60];
	v4 =	vadd.f32 v7, v12;
	v7 =	vmul.f32 v21, v20;
	v20 =	vmul.f32 v21, v21  }
0x145: {  	v3 =	vadd.f32 v3, v6;
	v5 =	vadd.f32 v5, v1;
	v1 =	vld [tilespmem:s6+$0xFFFFFF60];
	v21 =	vmul.f32 v17, v17  }
0x146: {  	v33 =	vld [tilespmem:s23+$0xFFFFFF70];
	v7 =	vadd.f32 v7, v9;
	v9 =	vmul.f32 v23, v17;
	v34 =	vmul.f32 v23, v23  }
0x147: {  	v6 =	vadd.f32 v22, v26;
	v8 =	vadd.f32 v8, v10;
	v26 =	vld [tilespmem:s6+$0xFFFFFF70];
	v35 =	vmul.f32 v14, v14  }
0x148: {  	v36 =	vld [tilespmem:s23+$0xFFFFFFE0];
	v10 =	vadd.f32 v9, v13;
	v13 =	vmul.f32 v28, v14;
	v28 =	vmul.f32 v28, v28  }
0x149: {  	v12 =	vadd.f32 v0, v15;
	v9 =	vadd.f32 v24, v2;
	v37 =	vmul.f32 v32, v32;
	v38 =	vld [tilespmem:s6+$0xFFFFFFE0]  }
0x14a: {  	v11 =	vadd.f32 v20, v11;
	v0 =	vmul.f32 v1, v32;
	v24 =	vld [tilespmem:s23+$0xFFFFFFF0];
	v17 =	vadd.f32 v13, v16  }
.Ltmp1:
0x14b: {  	v14 =	vadd.f32 v21, v29;
	v15 =	vadd.f32 v34, v19;
	v23 =	vmul.f32 v1, v1;
	v22 =	vld [tilespmem:s6+$0xFFFFFFF0];
	(pc) =	sbr.rel @p0 .LBB2_4-.Ltmp1, $4  }
0x14c: {  	v16 =	vadd.f32 v35, v27;
	v13 =	vadd.f32 v28, v25;
	v1 =	vmul.f32 v26, v33;
	v21 =	vld [tilespmem:s23+$0x60]  }
0x14d: {  	v28 =	vmul.f32 v33, v33;
	v19 =	vadd.f32 v0, v18;
	v25 =	vmul.f32 v26, v26;
	v2 =	vld [tilespmem:s6+$0x60]  }
0x14e: {  	v29 =	vmul.f32 v36, v36;
	v20 =	vadd.f32 v1, v30;
	v30 =	vmul.f32 v38, v36;
	v0 =	vld [tilespmem:s23+$0x70]  }
0x14f: {  	v18 =	vadd.f32 v37, v31;
	v27 =	vmul.f32 v38, v38;
	s23 =	sadd.s32 $0x200, s23;
	v26 =	vmul.f32 v24, v24;
	v1 =	vld [tilespmem:s6+$0x70]  }
0x150: {  	v4 =	vadd.f32 v30, v4;
	v3 =	vadd.f32 v23, v3  }
0x151: {  	v24 =	vmul.f32 v22, v24;
	v5 =	vadd.f32 v28, v5;
	v6 =	vadd.f32 v25, v6  }
0x152: {  	v8 =	vadd.f32 v29, v8;
	v22 =	vmul.f32 v22, v22;
	v19 =	vadd.f32 v20, v19  }
0x153: {  	v12 =	vadd.f32 v27, v12;
	v9 =	vadd.f32 v26, v9;
	v23 =	vmul.f32 v2, v21  }
0x154: {  	v20 =	vmul.f32 v21, v21;
	v7 =	vadd.f32 v24, v7;
	v5 =	vadd.f32 v5, v18  }
0x155: {  	v2 =	vmul.f32 v2, v2;
	v3 =	vadd.f32 v6, v3;
	v10 =	vadd.f32 v23, v10  }
0x156: {  	[tilespmem:s9+$0xFFFFFFD0] =	vst v19;
	v24 =	vmul.f32 v1, v0;
	v4 =	vadd.f32 v7, v4;
	v7 =	vadd.f32 v22, v11  }
0x157: {  	v0 =	vmul.f32 v0, v0;
	v11 =	vadd.f32 v20, v14;
	v2 =	vadd.f32 v2, v15;
	[tilespmem:s7+$0xFFFFFFD0] =	vst v5  }
0x158: {  	v1 =	vmul.f32 v1, v1;
	v17 =	vadd.f32 v24, v17;
	[tilespmem:s9+$0xFFFFFFE0] =	vst v4;
	v4 =	vadd.f32 v9, v8  }
0x159: {  	[tilespmem:s10+$0xFFFFFFD0] =	vst v3;
	v0 =	vadd.f32 v0, v16;
	v3 =	vadd.f32 v7, v12  }
0x15a: {  	v1 =	vadd.f32 v1, v13;
	v10 =	vadd.f32 v17, v10;
	[tilespmem:s7+$0xFFFFFFE0] =	vst v4  }
0x15b: {  	v0 =	vadd.f32 v0, v11;
	[tilespmem:s10+$0xFFFFFFE0] =	vst v3  }
0x15c: {  	v1 =	vadd.f32 v1, v2;
	[tilespmem:s9+$0xFFFFFFF0] =	vst v10  }
0x15d: {  	[tilespmem:s12+$0xFFFFFFF0] =	vst v0  }
0x15e: {  	[tilespmem:s11+$0xFFFFFFF0] =	vst v1  }
0x15f: {  	s23 =	simm.s32 $0x4200;
	s6 =	rddreg [dreg:$0x8]  }
0x160: {  	[tilespmem:s23], [sflag:$0x2] =	stream.linear.gather [hbm4b:s6+s3], $0x4000, $0x38;
	[tilespmem:$0x16200] =	vst v63  }
0x161: {  	s7 =	simm.s32 $0x180  }
0x162: {  	[tilespmem:s28], [sflag:$0x4] =	stream.indirect.gather [hbm4b:s1+s25], $0x80, s7, s25, $0xb8;
	[tilespmem:$0x16200] =	vst v63  }
0x163: {  	s9 =	simm.s32 $0x10200  }
0x164: {  	[hbm4b:s8+s25] =	stream.strided.scatter [tilespmem:s9], [sflag:$0x5], $0x800, s31, s25, $0x38;
	[tilespmem:$0x16200] =	vst v63  }
0x165: {  	s11 =	simm.s32 $0x12200;
	s10 =	rddreg [dreg:$0x9]  }
0x166: {  	[hbm4b:s10+s25] =	stream.strided.scatter [tilespmem:s11], [sflag:$0x5], $0x800, s31, s25, $0x38;
	[tilespmem:$0x16200] =	vst v63  }
0x167: {  	s22 =	simm.s32 $0x14200;
	s12 =	rddreg [dreg:$0xa]  }
0x168: {  	[hbm4b:s12+s25] =	stream.strided.scatter [tilespmem:s22], [sflag:$0x5], $0x800, s31, s25, $0x38;
	[tilespmem:$0x16200] =	vst v63  }
0x169: {  	_ =	swait.ge [sflag:s29], $0x4000  }
0x16a: {  	[sflag:s29] =	ssyncset.done $0x0  }
0x16b: {  	[sflag:s29] =	ssyncadd.s32 $0xFFFFC000  }
0x16c: {  	_ =	swait.ge [sflag:s30], $0x4000  }
0x16d: {  	[sflag:s30] =	ssyncset.done $0x0  }
0x16e: {  	s23 =	simm.s32 $0x300;
	[sflag:s30] =	ssyncadd.s32 $0xFFFFC000  }
0x16f: {  	s6 =	simm.s32 $0x8300;
	v0 =	vld [tilespmem:s23+$0xE0]  }
0x170: {  	v1 =	vld [tilespmem:s6+$0xE0]  }
0x171: {  	v2 =	vld [tilespmem:s23+$0xC0]  }
0x172: {  	v3 =	vld [tilespmem:s6+$0xC0]  }
0x173: {  	v4 =	vld [tilespmem:s23+$0xA0]  }
0x174: {  	v5 =	vld [tilespmem:s23+$0x80]  }
0x175: {  	v6 =	vld [tilespmem:s6+$0x80]  }
0x176: {  	v7 =	vld [tilespmem:s23+$0x90]  }
0x177: {  	v8 =	vld [tilespmem:s6+$0x90]  }
0x178: {  	v9 =	vld [tilespmem:s6+$0xA0]  }
0x179: {  	v11 =	vld [tilespmem:s23+$0xB0];
	v10 =	vmul.f32 v1, v0;
	v0 =	vmul.f32 v0, v0  }
0x17a: {  	v13 =	vld [tilespmem:s6+$0xFFFFFF00];
	v12 =	vmul.f32 v3, v2;
	v2 =	vmul.f32 v2, v2  }
0x17b: {  	v14 =	vld [tilespmem:s6+$0xB0];
	v3 =	vmul.f32 v3, v3;
	v15 =	vmul.f32 v5, v5  }
0x17c: {  	v17 =	vld [tilespmem:s23+$0xFFFFFF10];
	v16 =	vmul.f32 v6, v6;
	v18 =	vmul.f32 v7, v7  }
0x17d: {  	v20 =	vld [tilespmem:s23+$0xD0];
	v19 =	vmul.f32 v8, v8;
	v21 =	vmul.f32 v9, v4  }
0x17e: {  	v22 =	vld [tilespmem:s6+$0xD0];
	v4 =	vmul.f32 v4, v4;
	v9 =	vmul.f32 v9, v9  }
0x17f: {  	v24 =	vld [tilespmem:s23+$0xF0];
	v23 =	vmul.f32 v11, v11;
	v5 =	vmul.f32 v6, v5  }
0x180: {  	v25 =	vld [tilespmem:s23+$0xFFFFFFA0];
	v6 =	vmul.f32 v8, v7;
	v11 =	vmul.f32 v14, v11;
	v4 =	vadd.f32 v4, v15  }
0x181: {  	v7 =	vld [tilespmem:s6+$0xF0];
	v8 =	vadd.f32 v9, v16;
	v9 =	vadd.f32 v23, v18;
	v15 =	vmul.f32 v14, v14  }
0x182: {  	v1 =	vmul.f32 v1, v1;
	v5 =	vadd.f32 $0.0e+00, v5;
	v6 =	vadd.f32 $0.0e+00, v6;
	v14 =	vld [tilespmem:s23+$0xFFFFFF80]  }
0x183: {  	v18 =	vld [tilespmem:s6+$0xFFFFFF80];
	v15 =	vadd.f32 v15, v19;
	v2 =	vadd.f32 v2, v4;
	v4 =	vmul.f32 v20, v20  }
0x184: {  	v16 =	vld [tilespmem:s6+$0xFFFFFF10];
	v5 =	vadd.f32 v21, v5;
	v6 =	vadd.f32 v11, v6;
	v11 =	vmul.f32 v22, v20  }
0x185: {  	v19 =	vld [tilespmem:s23+$0xFFFFFF90];
	v3 =	vadd.f32 v3, v8;
	v8 =	vmul.f32 v22, v22;
	v4 =	vadd.f32 v4, v9  }
0x186: {  	v21 =	vld [tilespmem:s6+$0xFFFFFF20];
	v5 =	vadd.f32 v12, v5;
	v6 =	vadd.f32 v11, v6;
	v12 =	vmul.f32 v7, v24  }
0x187: {  	v9 =	vld [tilespmem:s6+$0xFFFFFF90];
	v8 =	vadd.f32 v8, v15;
	v0 =	vadd.f32 v0, v2;
	v2 =	vmul.f32 v24, v24  }
0x188: {  	v11 =	vld [tilespmem:s23+$0x0];
	v7 =	vmul.f32 v7, v7;
	v1 =	vadd.f32 v1, v3;
	v20 =	vmul.f32 v18, v14  }
0x189: {  	v15 =	vld [tilespmem:s6+$0x0];
	v14 =	vmul.f32 v14, v14;
	v5 =	vadd.f32 v10, v5;
	v6 =	vadd.f32 v12, v6  }
0x18a: {  	v3 =	vld [tilespmem:s6+$0x10];
	v18 =	vmul.f32 v18, v18;
	v12 =	vmul.f32 v16, v17;
	v4 =	vadd.f32 v2, v4  }
0x18b: {  	v7 =	vadd.f32 v7, v8;
	v8 =	vld [tilespmem:s23+$0xFFFFFF00];
	v17 =	vmul.f32 v17, v17;
	v2 =	vadd.f32 v6, v5  }
0x18c: {  	v10 =	vld [tilespmem:s23+$0x10];
	v5 =	vadd.f32 $0.0e+00, v12;
	v0 =	vadd.f32 v4, v0;
	v4 =	vmul.f32 v13, v13  }
0x18d: {  	v6 =	vld [tilespmem:s23+$0xFFFFFF20];
	v1 =	vadd.f32 v7, v1;
	v7 =	vmul.f32 v16, v16;
	v12 =	vmul.f32 v9, v19  }
0x18e: {  	v23 =	vld [tilespmem:s23+$0xFFFFFF30];
	v22 =	vmul.f32 v15, v11;
	v19 =	vmul.f32 v19, v19  }
0x18f: {  	v20 =	vadd.f32 $0.0e+00, v20;
	v16 =	vld [tilespmem:s6+$0xFFFFFF30];
	v9 =	vmul.f32 v9, v9;
	v11 =	vmul.f32 v11, v11  }
0x190: {  	v26 =	vld [tilespmem:s6+$0xFFFFFFA0];
	v15 =	vmul.f32 v15, v15;
	v12 =	vadd.f32 $0.0e+00, v12;
	v13 =	vmul.f32 v13, v8  }
0x191: {  	v28 =	vld [tilespmem:s23+$0xFFFFFFB0];
	v24 =	vmul.f32 v3, v10;
	v22 =	vadd.f32 $0.0e+00, v22;
	v8 =	vmul.f32 v8, v8  }
0x192: {  	v29 =	vld [tilespmem:s6+$0xFFFFFFB0];
	v27 =	vmul.f32 v6, v6;
	v13 =	vadd.f32 $0.0e+00, v13;
	v6 =	vmul.f32 v21, v6  }
0x193: {  	v30 =	vld [tilespmem:s23+$0x20];
	v10 =	vmul.f32 v10, v10;
	v3 =	vmul.f32 v3, v3;
	v24 =	vadd.f32 $0.0e+00, v24  }
0x194: {  	v31 =	vld [tilespmem:s23+$0x30];
	v21 =	vmul.f32 v21, v21;
	v6 =	vadd.f32 v6, v13;
	v13 =	vmul.f32 v16, v23  }
0x195: {  	v8 =	vadd.f32 v27, v8;
	v27 =	vmul.f32 v23, v23;
	v16 =	vmul.f32 v16, v16;
	v23 =	vld [tilespmem:s6+$0x20]  }
0x196: {  	v32 =	vld [tilespmem:s23+$0xFFFFFF40];
	v21 =	vadd.f32 v21, v4;
	v4 =	vmul.f32 v25, v25;
	v5 =	vadd.f32 v13, v5  }
0x197: {  	v13 =	vmul.f32 v26, v25;
	v25 =	vmul.f32 v26, v26;
	v26 =	vld [tilespmem:s6+$0x30];
	v17 =	vadd.f32 v27, v17  }
0x198: {  	v27 =	vmul.f32 v28, v28;
	v28 =	vmul.f32 v29, v28;
	v16 =	vadd.f32 v16, v7;
	v7 =	vld [tilespmem:s23+$0xFFFFFF50]  }
0x199: {  	v14 =	vadd.f32 v4, v14;
	v13 =	vadd.f32 v13, v20;
	v20 =	vmul.f32 v29, v29;
	v29 =	vld [tilespmem:s6+$0xFFFFFF40]  }
0x19a: {  	v4 =	vld [tilespmem:s6+$0xFFFFFF50];
	v12 =	vadd.f32 v28, v12;
	v18 =	vadd.f32 v25, v18;
	v28 =	vmul.f32 v23, v30  }
0x19b: {  	v19 =	vadd.f32 v27, v19;
	v27 =	vld [tilespmem:s6+$0xFFFFFFC0];
	v30 =	vmul.f32 v30, v30;
	v23 =	vmul.f32 v23, v23  }
0x19c: {  	v20 =	vadd.f32 v20, v9;
	v22 =	vadd.f32 v28, v22;
	v28 =	vld [tilespmem:s23+$0xFFFFFFC0];
	v25 =	vmul.f32 v26, v31  }
0x19d: {  	v9 =	vld [tilespmem:s23+$0xFFFFFFD0];
	v31 =	vmul.f32 v31, v31;
	v26 =	vmul.f32 v26, v26;
	v30 =	vadd.f32 v30, v11  }
0x19e: {  	v11 =	vld [tilespmem:s6+$0xFFFFFFD0];
	v15 =	vadd.f32 v23, v15;
	v24 =	vadd.f32 v25, v24;
	v25 =	vmul.f32 v29, v32  }
0x19f: {  	v61 =	vld [tilespmem:s6+$0x40];
	v23 =	vmul.f32 v4, v7;
	v7 =	vmul.f32 v7, v7;
	v31 =	vadd.f32 v31, v10  }
0x1a0: {  	v34 =	vld [tilespmem:s23+$0x50];
	v26 =	vadd.f32 v26, v3;
	v3 =	vmul.f32 v32, v32;
	v25 =	vadd.f32 v25, v6  }
0x1a1: {  	v10 =	vld [tilespmem:s23+$0x40];
	v6 =	vmul.f32 v29, v29;
	v29 =	vadd.f32 v23, v5;
	v5 =	vmul.f32 v27, v28  }
0x1a2: {  	v35 =	vld [tilespmem:s23+$0xFFFFFF70];
	v23 =	vmul.f32 v4, v4;
	v33 =	vadd.f32 v3, v8;
	v8 =	vmul.f32 v28, v28  }
0x1a3: {  	v3 =	vadd.f32 v6, v21;
	v6 =	vmul.f32 v11, v9;
	v4 =	vadd.f32 v5, v13;
	v13 =	vld [tilespmem:s6+$0x50]  }
0x1a4: {  	v28 =	vld [tilespmem:s6+$0xFFFFFF60];
	v21 =	vmul.f32 v27, v27;
	v9 =	vmul.f32 v9, v9  }
0x1a5: {  	v27 =	vld [tilespmem:s23+$0xFFFFFF60];
	v11 =	vmul.f32 v11, v11;
	v5 =	vadd.f32 v7, v17;
	v8 =	vadd.f32 v8, v14  }
0x1a6: {  	v62 =	vld [tilespmem:s6+$0xFFFFFF70];
	v14 =	vmul.f32 v10, v10;
	v7 =	vadd.f32 v6, v12;
	v6 =	vadd.f32 v23, v16  }
0x1a7: {  	v12 =	vmul.f32 v61, v10;
	v16 =	vmul.f32 v61, v61;
	v9 =	vadd.f32 v9, v19  }
0x1a8: {  	v63 =	vld [tilespmem:s6+$0xFFFFFFE0];
	v11 =	vadd.f32 v11, v20;
	v14 =	vadd.f32 v14, v30;
	v17 =	vmul.f32 v13, v34  }
0x1a9: {  	v19 =	vmul.f32 v34, v34;
	v10 =	vadd.f32 v12, v22;
	v12 =	vadd.f32 v21, v18;
	v18 =	vld [tilespmem:s23+$0xFFFFFFE0]  }
0x1aa: {  	v23 =	vmul.f32 v28, v28;
	v36 =	vmul.f32 v27, v27;
	v17 =	vadd.f32 v17, v24;
	v24 =	vld [tilespmem:s23+$0xFFFFFFF0]  }
0x1ab: {  	v15 =	vadd.f32 v16, v15;
	v22 =	vld [tilespmem:s6+$0xFFFFFFF0];
	v20 =	vmul.f32 v28, v27;
	v27 =	vmul.f32 v62, v35  }
0x1ac: {  	s9 =	simm.s32 $0x11230;
	v16 =	vadd.f32 v19, v31;
	v21 =	vld [tilespmem:s23+$0x60];
	v28 =	vmul.f32 v35, v35;
	v13 =	vmul.f32 v13, v13  }
0x1ad: {  	s7 =	simm.s32 $0x13230;
	[tilespmem:s9+$0x0] =	vst v2;
	v2 =	vld [tilespmem:s6+$0x60];
	v19 =	vadd.f32 v20, v25;
	v25 =	vmul.f32 v62, v62;
	v20 =	vadd.f32 v27, v29  }
0x1ae: {  	s10 =	simm.s32 $0x15230;
	s11 =	simm.s32 $0x15230;
	[tilespmem:s7+$0x0] =	vst v0;
	v0 =	vld [tilespmem:s23+$0x70];
	v27 =	vmul.f32 v63, v63;
	v13 =	vadd.f32 v13, v26;
	v30 =	vmul.f32 v63, v18  }
0x1af: {  	s22 =	simm.s32 $0x0;
	s12 =	simm.s32 $0x13230;
	[tilespmem:s10+$0x0] =	vst v1;
	v1 =	vld [tilespmem:s6+$0x70];
	s23 =	simm.s32 $0x500;
	v29 =	vmul.f32 v18, v18;
	v18 =	vadd.f32 v36, v33;
	v26 =	vmul.f32 v24, v24  }
.LBB2_6:
0x1b0: {  	v31 =	vld [tilespmem:s23+$0xE0];
	v4 =	vadd.f32 v30, v4;
	v24 =	vmul.f32 v22, v24;
	v22 =	vmul.f32 v22, v22;
	s6 =	sadd.s32 $0x200, s6  }
0x1b1: {  	v3 =	vadd.f32 v23, v3;
	v5 =	vadd.f32 v28, v5;
	v30 =	vld [tilespmem:s6+$0xE0];
	v23 =	vmul.f32 v21, v21  }
0x1b2: {  	v28 =	vld [tilespmem:s23+$0xC0];
	v7 =	vadd.f32 v24, v7;
	v21 =	vmul.f32 v2, v21;
	v24 =	vmul.f32 v2, v2  }
0x1b3: {  	v6 =	vadd.f32 v25, v6;
	v8 =	vadd.f32 v29, v8;
	v32 =	vld [tilespmem:s6+$0xC0];
	v25 =	vmul.f32 v0, v0  }
0x1b4: {  	v29 =	vld [tilespmem:s23+$0xA0];
	v10 =	vadd.f32 v21, v10;
	v0 =	vmul.f32 v1, v0;
	v1 =	vmul.f32 v1, v1  }
0x1b5: {  	v12 =	vadd.f32 v27, v12;
	v9 =	vadd.f32 v26, v9;
	v21 =	vld [tilespmem:s23+$0x80]  }
0x1b6: {  	v11 =	vadd.f32 v22, v11;
	v26 =	vld [tilespmem:s6+$0x80];
	v17 =	vadd.f32 v0, v17  }
0x1b7: {  	v2 =	vadd.f32 v23, v14;
	v0 =	vadd.f32 v24, v15;
	v22 =	vld [tilespmem:s23+$0x90]  }
0x1b8: {  	v15 =	vadd.f32 v25, v16;
	v1 =	vadd.f32 v1, v13;
	v14 =	vld [tilespmem:s6+$0x90]  }
0x1b9: {  	v19 =	vadd.f32 v20, v19;
	v23 =	vmul.f32 v31, v31;
	v16 =	vmul.f32 v30, v31;
	v13 =	vld [tilespmem:s6+$0xA0]  }
0x1ba: {  	v4 =	vadd.f32 v7, v4;
	v25 =	vmul.f32 v30, v30;
	v24 =	vmul.f32 v32, v28;
	v20 =	vld [tilespmem:s23+$0xB0]  }
0x1bb: {  	v27 =	vmul.f32 v28, v28;
	v28 =	vmul.f32 v32, v32;
	v10 =	vadd.f32 v17, v10;
	v7 =	vld [tilespmem:s6+$0xFFFFFF00];
	[tilespmem:s9+$0xFFFFFFD0] =	vst v19  }
0x1bc: {  	v5 =	vadd.f32 v5, v18;
	v17 =	vmul.f32 v21, v21;
	v19 =	vmul.f32 v26, v26;
	v30 =	vld [tilespmem:s6+$0xB0];
	[tilespmem:s9+$0xFFFFFFE0] =	vst v4  }
0x1bd: {  	s22 =	sadd.s32 $0x4, s22;
	v3 =	vadd.f32 v6, v3;
	v18 =	vmul.f32 v22, v22;
	v4 =	vld [tilespmem:s23+$0xFFFFFF10];
	v31 =	vmul.f32 v14, v14;
	[tilespmem:s9+$0xFFFFFFF0] =	vst v10  }
0x1be: {  	p0 =	slt.u32 s22, $0x7C;
	v10 =	vmul.f32 v29, v29;
	v6 =	vmul.f32 v13, v29;
	v29 =	vld [tilespmem:s23+$0xD0];
	[tilespmem:s7+$0xFFFFFFD0] =	vst v5;
	v5 =	vadd.f32 v9, v8  }
0x1bf: {  	v8 =	vmul.f32 v13, v13;
	v9 =	vmul.f32 v20, v20;
	v13 =	vld [tilespmem:s6+$0xD0];
	[tilespmem:s10+$0xFFFFFFD0] =	vst v3;
	v3 =	vadd.f32 v11, v12  }
0x1c0: {  	v11 =	vmul.f32 v26, v21;
	v12 =	vmul.f32 v14, v22;
	v10 =	vadd.f32 v10, v17;
	v14 =	vld [tilespmem:s23+$0xF0];
	[tilespmem:s7+$0xFFFFFFE0] =	vst v5  }
0x1c1: {  	v5 =	vadd.f32 v8, v19;
	v8 =	vadd.f32 v9, v18;
	v9 =	vmul.f32 v30, v30;
	v17 =	vld [tilespmem:s6+$0xF0];
	[tilespmem:s10+$0xFFFFFFE0] =	vst v3  }
0x1c2: {  	v11 =	vadd.f32 $0.0e+00, v11;
	v12 =	vadd.f32 $0.0e+00, v12;
	v18 =	vmul.f32 v30, v20;
	v3 =	vld [tilespmem:s6+$0xFFFFFF10]  }
0x1c3: {  	v10 =	vadd.f32 v27, v10;
	v19 =	vld [tilespmem:s23+$0xFFFFFF80];
	v9 =	vadd.f32 v9, v31;
	v20 =	vmul.f32 v29, v29  }
0x1c4: {  	v6 =	vadd.f32 v6, v11;
	v11 =	vadd.f32 v18, v12;
	v21 =	vld [tilespmem:s6+$0xFFFFFF80];
	v12 =	vmul.f32 v13, v29  }
0x1c5: {  	v5 =	vadd.f32 v28, v5;
	v13 =	vmul.f32 v13, v13;
	v18 =	vld [tilespmem:s23+$0xFFFFFF90];
	v8 =	vadd.f32 v20, v8  }
0x1c6: {  	v6 =	vadd.f32 v24, v6;
	v20 =	vld [tilespmem:s6+$0xFFFFFF90];
	v11 =	vadd.f32 v12, v11;
	v12 =	vmul.f32 v17, v14  }
0x1c7: {  	v10 =	vadd.f32 v23, v10;
	v9 =	vadd.f32 v13, v9;
	v13 =	vmul.f32 v14, v14;
	v22 =	vld [tilespmem:s23+$0x0]  }
0x1c8: {  	v6 =	vadd.f32 v16, v6;
	v14 =	vld [tilespmem:s6+$0x0];
	v11 =	vadd.f32 v12, v11;
	v12 =	vmul.f32 v17, v17  }
0x1c9: {  	v5 =	vadd.f32 v25, v5;
	v16 =	vmul.f32 v3, v4;
	v8 =	vadd.f32 v13, v8;
	v17 =	vld [tilespmem:s23+$0x10]  }
0x1ca: {  	v13 =	vmul.f32 v21, v19;
	v23 =	vld [tilespmem:s6+$0x10];
	v9 =	vadd.f32 v12, v9;
	v6 =	vadd.f32 v11, v6  }
0x1cb: {  	s9 =	sadd.s32 $0x40, s9;
	v12 =	vadd.f32 $0.0e+00, v16;
	v8 =	vadd.f32 v8, v10;
	v11 =	vld [tilespmem:s23+$0xFFFFFF00];
	v16 =	vmul.f32 v20, v18  }
0x1cc: {  	s7 =	sadd.s32 $0x40, s7;
	v10 =	vmul.f32 v7, v7;
	v13 =	vadd.f32 $0.0e+00, v13;
	v24 =	vld [tilespmem:s23+$0xFFFFFF20];
	[tilespmem:s9+$0x0] =	vst v6;
	v5 =	vadd.f32 v9, v5  }
0x1cd: {  	s10 =	sadd.s32 $0x40, s10;
	v4 =	vmul.f32 v4, v4;
	v6 =	vld [tilespmem:s6+$0xFFFFFF20];
	v9 =	vadd.f32 $0.0e+00, v16;
	v16 =	vmul.f32 v14, v22;
	[tilespmem:s7+$0x0] =	vst v8  }
0x1ce: {  	v2 =	vadd.f32 v15, v2;
	v3 =	vmul.f32 v3, v3;
	v19 =	vmul.f32 v19, v19;
	v8 =	vld [tilespmem:s23+$0xFFFFFF30];
	[tilespmem:s10+$0x0] =	vst v5  }
0x1cf: {  	v15 =	vmul.f32 v21, v21;
	v5 =	vld [tilespmem:s6+$0xFFFFFF30];
	v16 =	vadd.f32 $0.0e+00, v16;
	v21 =	vmul.f32 v23, v17  }
0x1d0: {  	v0 =	vadd.f32 v1, v0;
	v7 =	vmul.f32 v7, v11;
	v11 =	vmul.f32 v11, v11;
	v25 =	vld [tilespmem:s23+$0xFFFFFFA0];
	[tilespmem:s12+$0xFFFFFFF0] =	vst v2;
	s12 =	smov.u32 s7  }
0x1d1: {  	v2 =	vmul.f32 v18, v18;
	v1 =	vmul.f32 v24, v24;
	v18 =	vld [tilespmem:s6+$0xFFFFFFA0];
	v21 =	vadd.f32 $0.0e+00, v21  }
0x1d2: {  	v7 =	vadd.f32 $0.0e+00, v7;
	v24 =	vmul.f32 v6, v24;
	v6 =	vmul.f32 v6, v6;
	v26 =	vld [tilespmem:s23+$0xFFFFFFB0];
	[tilespmem:s11+$0xFFFFFFF0] =	vst v0;
	s11 =	smov.u32 s10  }
0x1d3: {  	v0 =	vadd.f32 v1, v11;
	v1 =	vmul.f32 v8, v8;
	v11 =	vmul.f32 v20, v20;
	v20 =	vld [tilespmem:s6+$0xFFFFFFB0]  }
0x1d4: {  	v7 =	vadd.f32 v24, v7;
	v8 =	vmul.f32 v5, v8;
	v5 =	vmul.f32 v5, v5;
	v24 =	vld [tilespmem:s23+$0x20]  }
0x1d5: {  	v22 =	vmul.f32 v22, v22;
	v6 =	vadd.f32 v6, v10;
	v10 =	vmul.f32 v25, v25;
	v27 =	vld [tilespmem:s6+$0x20]  }
0x1d6: {  	v8 =	vadd.f32 v8, v12;
	v12 =	vmul.f32 v18, v25;
	v18 =	vmul.f32 v18, v18;
	v25 =	vld [tilespmem:s23+$0x30]  }
0x1d7: {  	v14 =	vmul.f32 v14, v14;
	v1 =	vadd.f32 v1, v4;
	v4 =	vmul.f32 v26, v26;
	v28 =	vld [tilespmem:s6+$0x30]  }
0x1d8: {  	v29 =	vld [tilespmem:s23+$0xFFFFFF40];
	v12 =	vadd.f32 v12, v13;
	v13 =	vmul.f32 v20, v26;
	v20 =	vmul.f32 v20, v20  }
0x1d9: {  	v26 =	vadd.f32 v5, v3;
	v5 =	vmul.f32 v17, v17;
	v17 =	vmul.f32 v23, v23;
	v3 =	vld [tilespmem:s6+$0xFFFFFF40]  }
0x1da: {  	v23 =	vld [tilespmem:s23+$0xFFFFFF50];
	v9 =	vadd.f32 v13, v9;
	v13 =	vmul.f32 v27, v24;
	v24 =	vmul.f32 v24, v24  }
0x1db: {  	v10 =	vadd.f32 v10, v19;
	v19 =	vmul.f32 v27, v27;
	v30 =	vld [tilespmem:s6+$0xFFFFFF50];
	v27 =	vmul.f32 v25, v25  }
0x1dc: {  	v31 =	vld [tilespmem:s23+$0xFFFFFFC0];
	v13 =	vadd.f32 v13, v16;
	v16 =	vmul.f32 v28, v25;
	v25 =	vmul.f32 v28, v28  }
0x1dd: {  	v15 =	vadd.f32 v18, v15;
	v2 =	vadd.f32 v4, v2;
	v28 =	vmul.f32 v29, v29;
	v4 =	vld [tilespmem:s6+$0xFFFFFFC0]  }
0x1de: {  	v11 =	vadd.f32 v20, v11;
	v18 =	vmul.f32 v3, v29;
	v20 =	vld [tilespmem:s23+$0xFFFFFFD0];
	v16 =	vadd.f32 v16, v21  }
0x1df: {  	v19 =	vadd.f32 v19, v14;
	v3 =	vmul.f32 v3, v3;
	v29 =	vadd.f32 v24, v22;
	v21 =	vld [tilespmem:s6+$0xFFFFFFD0]  }
0x1e0: {  	v27 =	vadd.f32 v27, v5;
	v25 =	vadd.f32 v25, v17;
	v14 =	vmul.f32 v30, v23;
	v17 =	vld [tilespmem:s23+$0x40]  }
0x1e1: {  	v5 =	vmul.f32 v23, v23;
	v18 =	vadd.f32 v18, v7;
	v22 =	vmul.f32 v30, v30;
	v23 =	vld [tilespmem:s6+$0x40]  }
0x1e2: {  	v30 =	vadd.f32 v14, v8;
	v7 =	vmul.f32 v4, v31;
	v8 =	vmul.f32 v31, v31;
	v14 =	vld [tilespmem:s23+$0x50]  }
0x1e3: {  	v31 =	vadd.f32 v28, v0;
	v0 =	vmul.f32 v4, v4;
	v24 =	vmul.f32 v20, v20;
	v28 =	vld [tilespmem:s6+$0x50]  }
0x1e4: {  	v32 =	vld [tilespmem:s23+$0xFFFFFF60];
	v4 =	vadd.f32 v7, v12;
	v7 =	vmul.f32 v21, v20;
	v20 =	vmul.f32 v21, v21  }
0x1e5: {  	v3 =	vadd.f32 v3, v6;
	v5 =	vadd.f32 v5, v1;
	v1 =	vld [tilespmem:s6+$0xFFFFFF60];
	v21 =	vmul.f32 v17, v17  }
0x1e6: {  	v33 =	vld [tilespmem:s23+$0xFFFFFF70];
	v7 =	vadd.f32 v7, v9;
	v9 =	vmul.f32 v23, v17;
	v34 =	vmul.f32 v23, v23  }
0x1e7: {  	v6 =	vadd.f32 v22, v26;
	v8 =	vadd.f32 v8, v10;
	v26 =	vld [tilespmem:s6+$0xFFFFFF70];
	v35 =	vmul.f32 v14, v14  }
0x1e8: {  	v36 =	vld [tilespmem:s23+$0xFFFFFFE0];
	v10 =	vadd.f32 v9, v13;
	v13 =	vmul.f32 v28, v14;
	v28 =	vmul.f32 v28, v28  }
0x1e9: {  	v12 =	vadd.f32 v0, v15;
	v9 =	vadd.f32 v24, v2;
	v37 =	vmul.f32 v32, v32;
	v38 =	vld [tilespmem:s6+$0xFFFFFFE0]  }
0x1ea: {  	v11 =	vadd.f32 v20, v11;
	v0 =	vmul.f32 v1, v32;
	v24 =	vld [tilespmem:s23+$0xFFFFFFF0];
	v17 =	vadd.f32 v13, v16  }
.Ltmp2:
0x1eb: {  	v14 =	vadd.f32 v21, v29;
	v15 =	vadd.f32 v34, v19;
	v23 =	vmul.f32 v1, v1;
	v22 =	vld [tilespmem:s6+$0xFFFFFFF0];
	(pc) =	sbr.rel @p0 .LBB2_6-.Ltmp2, $4  }
0x1ec: {  	v16 =	vadd.f32 v35, v27;
	v13 =	vadd.f32 v28, v25;
	v1 =	vmul.f32 v26, v33;
	v21 =	vld [tilespmem:s23+$0x60]  }
0x1ed: {  	v28 =	vmul.f32 v33, v33;
	v19 =	vadd.f32 v0, v18;
	v25 =	vmul.f32 v26, v26;
	v2 =	vld [tilespmem:s6+$0x60]  }
0x1ee: {  	v29 =	vmul.f32 v36, v36;
	v20 =	vadd.f32 v1, v30;
	v30 =	vmul.f32 v38, v36;
	v0 =	vld [tilespmem:s23+$0x70]  }
0x1ef: {  	v18 =	vadd.f32 v37, v31;
	v27 =	vmul.f32 v38, v38;
	s23 =	sadd.s32 $0x200, s23;
	v26 =	vmul.f32 v24, v24;
	v1 =	vld [tilespmem:s6+$0x70]  }
0x1f0: {  	v4 =	vadd.f32 v30, v4;
	v3 =	vadd.f32 v23, v3  }
0x1f1: {  	v24 =	vmul.f32 v22, v24;
	v5 =	vadd.f32 v28, v5;
	v6 =	vadd.f32 v25, v6  }
0x1f2: {  	v8 =	vadd.f32 v29, v8;
	v22 =	vmul.f32 v22, v22;
	v19 =	vadd.f32 v20, v19  }
0x1f3: {  	v12 =	vadd.f32 v27, v12;
	v9 =	vadd.f32 v26, v9;
	v23 =	vmul.f32 v2, v21  }
0x1f4: {  	v20 =	vmul.f32 v21, v21;
	v7 =	vadd.f32 v24, v7;
	v5 =	vadd.f32 v5, v18  }
0x1f5: {  	v2 =	vmul.f32 v2, v2;
	v3 =	vadd.f32 v6, v3;
	v10 =	vadd.f32 v23, v10  }
0x1f6: {  	[tilespmem:s9+$0xFFFFFFD0] =	vst v19;
	v24 =	vmul.f32 v1, v0;
	v4 =	vadd.f32 v7, v4;
	v7 =	vadd.f32 v22, v11  }
0x1f7: {  	v0 =	vmul.f32 v0, v0;
	v11 =	vadd.f32 v20, v14;
	v2 =	vadd.f32 v2, v15;
	[tilespmem:s7+$0xFFFFFFD0] =	vst v5  }
0x1f8: {  	v1 =	vmul.f32 v1, v1;
	v17 =	vadd.f32 v24, v17;
	[tilespmem:s9+$0xFFFFFFE0] =	vst v4;
	v4 =	vadd.f32 v9, v8  }
0x1f9: {  	[tilespmem:s10+$0xFFFFFFD0] =	vst v3;
	v0 =	vadd.f32 v0, v16;
	v3 =	vadd.f32 v7, v12  }
0x1fa: {  	v1 =	vadd.f32 v1, v13;
	v10 =	vadd.f32 v17, v10;
	[tilespmem:s7+$0xFFFFFFE0] =	vst v4  }
0x1fb: {  	v0 =	vadd.f32 v0, v11;
	[tilespmem:s10+$0xFFFFFFE0] =	vst v3  }
0x1fc: {  	v1 =	vadd.f32 v1, v2;
	[tilespmem:s9+$0xFFFFFFF0] =	vst v10  }
0x1fd: {  	[tilespmem:s12+$0xFFFFFFF0] =	vst v0  }
0x1fe: {  	[tilespmem:s11+$0xFFFFFFF0] =	vst v1  }
0x1ff: {  	s11 =	simm.s32 $0x10A00;
	s6 =	rddreg [dreg:$0xb]  }
0x200: {  	[hbm4b:s6+s25] =	stream.strided.scatter [tilespmem:s11], [sflag:$0x5], $0x800, s31, s25, $0x38;
	[tilespmem:$0x16200] =	vst v63  }
0x201: {  	s12 =	simm.s32 $0x12A00  }
0x202: {  	[hbm4b:s13+s25] =	stream.strided.scatter [tilespmem:s12], [sflag:$0x5], $0x800, s31, s25, $0x38;
	[tilespmem:$0x16200] =	vst v63  }
0x203: {  	s22 =	simm.s32 $0x14A00  }
0x204: {  	[hbm4b:s14+s25] =	stream.strided.scatter [tilespmem:s22], [sflag:$0x5], $0x800, s31, s25, $0x38;
	[tilespmem:$0x16200] =	vst v63  }
0x205: {  	_ =	swait.ge [sflag:s0], $0x4000  }
0x206: {  	[sflag:s0] =	ssyncset.done $0x0  }
0x207: {  	[sflag:s0] =	ssyncadd.s32 $0xFFFFC000  }
0x208: {  	_ =	swait.ge [sflag:s2], $0x4000  }
0x209: {  	[sflag:s2] =	ssyncset.done $0x0  }
0x20a: {  	s23 =	simm.s32 $0x4300;
	[sflag:s2] =	ssyncadd.s32 $0xFFFFC000  }
0x20b: {  	s6 =	simm.s32 $0xC300;
	v0 =	vld [tilespmem:s23+$0xE0]  }
0x20c: {  	v1 =	vld [tilespmem:s6+$0xE0]  }
0x20d: {  	v2 =	vld [tilespmem:s23+$0xC0]  }
0x20e: {  	v3 =	vld [tilespmem:s6+$0xC0]  }
0x20f: {  	v4 =	vld [tilespmem:s23+$0xA0]  }
0x210: {  	v5 =	vld [tilespmem:s23+$0x80]  }
0x211: {  	v6 =	vld [tilespmem:s6+$0x80]  }
0x212: {  	v7 =	vld [tilespmem:s23+$0x90]  }
0x213: {  	v8 =	vld [tilespmem:s6+$0x90]  }
0x214: {  	v9 =	vld [tilespmem:s6+$0xA0]  }
0x215: {  	v11 =	vld [tilespmem:s23+$0xB0];
	v10 =	vmul.f32 v1, v0;
	v0 =	vmul.f32 v0, v0  }
0x216: {  	v13 =	vld [tilespmem:s6+$0xFFFFFF00];
	v12 =	vmul.f32 v3, v2;
	v2 =	vmul.f32 v2, v2  }
0x217: {  	v14 =	vld [tilespmem:s6+$0xB0];
	v3 =	vmul.f32 v3, v3;
	v15 =	vmul.f32 v5, v5  }
0x218: {  	v17 =	vld [tilespmem:s23+$0xFFFFFF10];
	v16 =	vmul.f32 v6, v6;
	v18 =	vmul.f32 v7, v7  }
0x219: {  	v20 =	vld [tilespmem:s23+$0xD0];
	v19 =	vmul.f32 v8, v8;
	v21 =	vmul.f32 v9, v4  }
0x21a: {  	v22 =	vld [tilespmem:s6+$0xD0];
	v4 =	vmul.f32 v4, v4;
	v9 =	vmul.f32 v9, v9  }
0x21b: {  	v24 =	vld [tilespmem:s23+$0xF0];
	v23 =	vmul.f32 v11, v11;
	v5 =	vmul.f32 v6, v5  }
0x21c: {  	v25 =	vld [tilespmem:s23+$0xFFFFFFA0];
	v6 =	vmul.f32 v8, v7;
	v11 =	vmul.f32 v14, v11;
	v4 =	vadd.f32 v4, v15  }
0x21d: {  	v7 =	vld [tilespmem:s6+$0xF0];
	v8 =	vadd.f32 v9, v16;
	v9 =	vadd.f32 v23, v18;
	v15 =	vmul.f32 v14, v14  }
0x21e: {  	v1 =	vmul.f32 v1, v1;
	v5 =	vadd.f32 $0.0e+00, v5;
	v6 =	vadd.f32 $0.0e+00, v6;
	v14 =	vld [tilespmem:s23+$0xFFFFFF80]  }
0x21f: {  	v18 =	vld [tilespmem:s6+$0xFFFFFF80];
	v15 =	vadd.f32 v15, v19;
	v2 =	vadd.f32 v2, v4;
	v4 =	vmul.f32 v20, v20  }
0x220: {  	v16 =	vld [tilespmem:s6+$0xFFFFFF10];
	v5 =	vadd.f32 v21, v5;
	v6 =	vadd.f32 v11, v6;
	v11 =	vmul.f32 v22, v20  }
0x221: {  	v19 =	vld [tilespmem:s23+$0xFFFFFF90];
	v3 =	vadd.f32 v3, v8;
	v8 =	vmul.f32 v22, v22;
	v4 =	vadd.f32 v4, v9  }
0x222: {  	v21 =	vld [tilespmem:s6+$0xFFFFFF20];
	v5 =	vadd.f32 v12, v5;
	v6 =	vadd.f32 v11, v6;
	v12 =	vmul.f32 v7, v24  }
0x223: {  	v9 =	vld [tilespmem:s6+$0xFFFFFF90];
	v8 =	vadd.f32 v8, v15;
	v0 =	vadd.f32 v0, v2;
	v2 =	vmul.f32 v24, v24  }
0x224: {  	v11 =	vld [tilespmem:s23+$0x0];
	v7 =	vmul.f32 v7, v7;
	v1 =	vadd.f32 v1, v3;
	v20 =	vmul.f32 v18, v14  }
0x225: {  	v15 =	vld [tilespmem:s6+$0x0];
	v14 =	vmul.f32 v14, v14;
	v5 =	vadd.f32 v10, v5;
	v6 =	vadd.f32 v12, v6  }
0x226: {  	v3 =	vld [tilespmem:s6+$0x10];
	v18 =	vmul.f32 v18, v18;
	v12 =	vmul.f32 v16, v17;
	v4 =	vadd.f32 v2, v4  }
0x227: {  	v7 =	vadd.f32 v7, v8;
	v8 =	vld [tilespmem:s23+$0xFFFFFF00];
	v17 =	vmul.f32 v17, v17;
	v2 =	vadd.f32 v6, v5  }
0x228: {  	v10 =	vld [tilespmem:s23+$0x10];
	v5 =	vadd.f32 $0.0e+00, v12;
	v0 =	vadd.f32 v4, v0;
	v4 =	vmul.f32 v13, v13  }
0x229: {  	v6 =	vld [tilespmem:s23+$0xFFFFFF20];
	v1 =	vadd.f32 v7, v1;
	v7 =	vmul.f32 v16, v16;
	v12 =	vmul.f32 v9, v19  }
0x22a: {  	v23 =	vld [tilespmem:s23+$0xFFFFFF30];
	v22 =	vmul.f32 v15, v11;
	v19 =	vmul.f32 v19, v19  }
0x22b: {  	v20 =	vadd.f32 $0.0e+00, v20;
	v16 =	vld [tilespmem:s6+$0xFFFFFF30];
	v9 =	vmul.f32 v9, v9;
	v11 =	vmul.f32 v11, v11  }
0x22c: {  	v26 =	vld [tilespmem:s6+$0xFFFFFFA0];
	v15 =	vmul.f32 v15, v15;
	v12 =	vadd.f32 $0.0e+00, v12;
	v13 =	vmul.f32 v13, v8  }
0x22d: {  	v28 =	vld [tilespmem:s23+$0xFFFFFFB0];
	v24 =	vmul.f32 v3, v10;
	v22 =	vadd.f32 $0.0e+00, v22;
	v8 =	vmul.f32 v8, v8  }
0x22e: {  	v29 =	vld [tilespmem:s6+$0xFFFFFFB0];
	v27 =	vmul.f32 v6, v6;
	v13 =	vadd.f32 $0.0e+00, v13;
	v6 =	vmul.f32 v21, v6  }
0x22f: {  	v30 =	vld [tilespmem:s23+$0x20];
	v10 =	vmul.f32 v10, v10;
	v3 =	vmul.f32 v3, v3;
	v24 =	vadd.f32 $0.0e+00, v24  }
0x230: {  	v31 =	vld [tilespmem:s23+$0x30];
	v21 =	vmul.f32 v21, v21;
	v6 =	vadd.f32 v6, v13;
	v13 =	vmul.f32 v16, v23  }
0x231: {  	v8 =	vadd.f32 v27, v8;
	v27 =	vmul.f32 v23, v23;
	v16 =	vmul.f32 v16, v16;
	v23 =	vld [tilespmem:s6+$0x20]  }
0x232: {  	v32 =	vld [tilespmem:s23+$0xFFFFFF40];
	v21 =	vadd.f32 v21, v4;
	v4 =	vmul.f32 v25, v25;
	v5 =	vadd.f32 v13, v5  }
0x233: {  	v13 =	vmul.f32 v26, v25;
	v25 =	vmul.f32 v26, v26;
	v26 =	vld [tilespmem:s6+$0x30];
	v17 =	vadd.f32 v27, v17  }
0x234: {  	v27 =	vmul.f32 v28, v28;
	v28 =	vmul.f32 v29, v28;
	v16 =	vadd.f32 v16, v7;
	v7 =	vld [tilespmem:s23+$0xFFFFFF50]  }
0x235: {  	v14 =	vadd.f32 v4, v14;
	v13 =	vadd.f32 v13, v20;
	v20 =	vmul.f32 v29, v29;
	v29 =	vld [tilespmem:s6+$0xFFFFFF40]  }
0x236: {  	v4 =	vld [tilespmem:s6+$0xFFFFFF50];
	v12 =	vadd.f32 v28, v12;
	v18 =	vadd.f32 v25, v18;
	v28 =	vmul.f32 v23, v30  }
0x237: {  	v19 =	vadd.f32 v27, v19;
	v27 =	vld [tilespmem:s6+$0xFFFFFFC0];
	v30 =	vmul.f32 v30, v30;
	v23 =	vmul.f32 v23, v23  }
0x238: {  	v20 =	vadd.f32 v20, v9;
	v22 =	vadd.f32 v28, v22;
	v28 =	vld [tilespmem:s23+$0xFFFFFFC0];
	v25 =	vmul.f32 v26, v31  }
0x239: {  	v9 =	vld [tilespmem:s23+$0xFFFFFFD0];
	v31 =	vmul.f32 v31, v31;
	v26 =	vmul.f32 v26, v26;
	v30 =	vadd.f32 v30, v11  }
0x23a: {  	v11 =	vld [tilespmem:s6+$0xFFFFFFD0];
	v15 =	vadd.f32 v23, v15;
	v24 =	vadd.f32 v25, v24;
	v25 =	vmul.f32 v29, v32  }
0x23b: {  	v61 =	vld [tilespmem:s6+$0x40];
	v23 =	vmul.f32 v4, v7;
	v7 =	vmul.f32 v7, v7;
	v31 =	vadd.f32 v31, v10  }
0x23c: {  	v34 =	vld [tilespmem:s23+$0x50];
	v26 =	vadd.f32 v26, v3;
	v3 =	vmul.f32 v32, v32;
	v25 =	vadd.f32 v25, v6  }
0x23d: {  	v10 =	vld [tilespmem:s23+$0x40];
	v6 =	vmul.f32 v29, v29;
	v29 =	vadd.f32 v23, v5;
	v5 =	vmul.f32 v27, v28  }
0x23e: {  	v35 =	vld [tilespmem:s23+$0xFFFFFF70];
	v23 =	vmul.f32 v4, v4;
	v33 =	vadd.f32 v3, v8;
	v8 =	vmul.f32 v28, v28  }
0x23f: {  	v3 =	vadd.f32 v6, v21;
	v6 =	vmul.f32 v11, v9;
	v4 =	vadd.f32 v5, v13;
	v13 =	vld [tilespmem:s6+$0x50]  }
0x240: {  	v28 =	vld [tilespmem:s6+$0xFFFFFF60];
	v21 =	vmul.f32 v27, v27;
	v9 =	vmul.f32 v9, v9  }
0x241: {  	v27 =	vld [tilespmem:s23+$0xFFFFFF60];
	v11 =	vmul.f32 v11, v11;
	v5 =	vadd.f32 v7, v17;
	v8 =	vadd.f32 v8, v14  }
0x242: {  	v62 =	vld [tilespmem:s6+$0xFFFFFF70];
	v14 =	vmul.f32 v10, v10;
	v7 =	vadd.f32 v6, v12;
	v6 =	vadd.f32 v23, v16  }
0x243: {  	v12 =	vmul.f32 v61, v10;
	v16 =	vmul.f32 v61, v61;
	v9 =	vadd.f32 v9, v19  }
0x244: {  	v63 =	vld [tilespmem:s6+$0xFFFFFFE0];
	v11 =	vadd.f32 v11, v20;
	v14 =	vadd.f32 v14, v30;
	v17 =	vmul.f32 v13, v34  }
0x245: {  	v19 =	vmul.f32 v34, v34;
	v10 =	vadd.f32 v12, v22;
	v12 =	vadd.f32 v21, v18;
	v18 =	vld [tilespmem:s23+$0xFFFFFFE0]  }
0x246: {  	v23 =	vmul.f32 v28, v28;
	v36 =	vmul.f32 v27, v27;
	v17 =	vadd.f32 v17, v24;
	v24 =	vld [tilespmem:s23+$0xFFFFFFF0]  }
0x247: {  	v15 =	vadd.f32 v16, v15;
	v22 =	vld [tilespmem:s6+$0xFFFFFFF0];
	v20 =	vmul.f32 v28, v27;
	v27 =	vmul.f32 v62, v35  }
0x248: {  	s9 =	simm.s32 $0x11A30;
	v16 =	vadd.f32 v19, v31;
	v21 =	vld [tilespmem:s23+$0x60];
	v28 =	vmul.f32 v35, v35;
	v13 =	vmul.f32 v13, v13  }
0x249: {  	s7 =	simm.s32 $0x13A30;
	[tilespmem:s9+$0x0] =	vst v2;
	v2 =	vld [tilespmem:s6+$0x60];
	v19 =	vadd.f32 v20, v25;
	v25 =	vmul.f32 v62, v62;
	v20 =	vadd.f32 v27, v29  }
0x24a: {  	s10 =	simm.s32 $0x15A30;
	s11 =	simm.s32 $0x15A30;
	[tilespmem:s7+$0x0] =	vst v0;
	v0 =	vld [tilespmem:s23+$0x70];
	v27 =	vmul.f32 v63, v63;
	v13 =	vadd.f32 v13, v26;
	v30 =	vmul.f32 v63, v18  }
0x24b: {  	s12 =	simm.s32 $0x13A30;
	s22 =	simm.s32 $0x0;
	[tilespmem:s10+$0x0] =	vst v1;
	v1 =	vld [tilespmem:s6+$0x70];
	s23 =	simm.s32 $0x4500;
	v29 =	vmul.f32 v18, v18;
	v18 =	vadd.f32 v36, v33;
	v26 =	vmul.f32 v24, v24  }
.LBB2_8:
0x24c: {  	v31 =	vld [tilespmem:s23+$0xE0];
	v4 =	vadd.f32 v30, v4;
	v24 =	vmul.f32 v22, v24;
	v22 =	vmul.f32 v22, v22;
	s6 =	sadd.s32 $0x200, s6  }
0x24d: {  	v3 =	vadd.f32 v23, v3;
	v5 =	vadd.f32 v28, v5;
	v30 =	vld [tilespmem:s6+$0xE0];
	v23 =	vmul.f32 v21, v21  }
0x24e: {  	v28 =	vld [tilespmem:s23+$0xC0];
	v7 =	vadd.f32 v24, v7;
	v21 =	vmul.f32 v2, v21;
	v24 =	vmul.f32 v2, v2  }
0x24f: {  	v6 =	vadd.f32 v25, v6;
	v8 =	vadd.f32 v29, v8;
	v32 =	vld [tilespmem:s6+$0xC0];
	v25 =	vmul.f32 v0, v0  }
0x250: {  	v29 =	vld [tilespmem:s23+$0xA0];
	v10 =	vadd.f32 v21, v10;
	v0 =	vmul.f32 v1, v0;
	v1 =	vmul.f32 v1, v1  }
0x251: {  	v12 =	vadd.f32 v27, v12;
	v9 =	vadd.f32 v26, v9;
	v21 =	vld [tilespmem:s23+$0x80]  }
0x252: {  	v11 =	vadd.f32 v22, v11;
	v26 =	vld [tilespmem:s6+$0x80];
	v17 =	vadd.f32 v0, v17  }
0x253: {  	v2 =	vadd.f32 v23, v14;
	v0 =	vadd.f32 v24, v15;
	v22 =	vld [tilespmem:s23+$0x90]  }
0x254: {  	v15 =	vadd.f32 v25, v16;
	v1 =	vadd.f32 v1, v13;
	v14 =	vld [tilespmem:s6+$0x90]  }
0x255: {  	v19 =	vadd.f32 v20, v19;
	v23 =	vmul.f32 v31, v31;
	v16 =	vmul.f32 v30, v31;
	v13 =	vld [tilespmem:s6+$0xA0]  }
0x256: {  	v4 =	vadd.f32 v7, v4;
	v25 =	vmul.f32 v30, v30;
	v24 =	vmul.f32 v32, v28;
	v20 =	vld [tilespmem:s23+$0xB0]  }
0x257: {  	v27 =	vmul.f32 v28, v28;
	v28 =	vmul.f32 v32, v32;
	v10 =	vadd.f32 v17, v10;
	v7 =	vld [tilespmem:s6+$0xFFFFFF00];
	[tilespmem:s9+$0xFFFFFFD0] =	vst v19  }
0x258: {  	v5 =	vadd.f32 v5, v18;
	v17 =	vmul.f32 v21, v21;
	v19 =	vmul.f32 v26, v26;
	v30 =	vld [tilespmem:s6+$0xB0];
	[tilespmem:s9+$0xFFFFFFE0] =	vst v4  }
0x259: {  	s22 =	sadd.s32 $0x4, s22;
	v3 =	vadd.f32 v6, v3;
	v18 =	vmul.f32 v22, v22;
	v4 =	vld [tilespmem:s23+$0xFFFFFF10];
	v31 =	vmul.f32 v14, v14;
	[tilespmem:s9+$0xFFFFFFF0] =	vst v10  }
0x25a: {  	p0 =	slt.u32 s22, $0x7C;
	v10 =	vmul.f32 v29, v29;
	v6 =	vmul.f32 v13, v29;
	v29 =	vld [tilespmem:s23+$0xD0];
	[tilespmem:s7+$0xFFFFFFD0] =	vst v5;
	v5 =	vadd.f32 v9, v8  }
0x25b: {  	v8 =	vmul.f32 v13, v13;
	v9 =	vmul.f32 v20, v20;
	v13 =	vld [tilespmem:s6+$0xD0];
	[tilespmem:s10+$0xFFFFFFD0] =	vst v3;
	v3 =	vadd.f32 v11, v12  }
0x25c: {  	v11 =	vmul.f32 v26, v21;
	v12 =	vmul.f32 v14, v22;
	v10 =	vadd.f32 v10, v17;
	v14 =	vld [tilespmem:s23+$0xF0];
	[tilespmem:s7+$0xFFFFFFE0] =	vst v5  }
0x25d: {  	v5 =	vadd.f32 v8, v19;
	v8 =	vadd.f32 v9, v18;
	v9 =	vmul.f32 v30, v30;
	v17 =	vld [tilespmem:s6+$0xF0];
	[tilespmem:s10+$0xFFFFFFE0] =	vst v3  }
0x25e: {  	v11 =	vadd.f32 $0.0e+00, v11;
	v12 =	vadd.f32 $0.0e+00, v12;
	v18 =	vmul.f32 v30, v20;
	v3 =	vld [tilespmem:s6+$0xFFFFFF10]  }
0x25f: {  	v10 =	vadd.f32 v27, v10;
	v19 =	vld [tilespmem:s23+$0xFFFFFF80];
	v9 =	vadd.f32 v9, v31;
	v20 =	vmul.f32 v29, v29  }
0x260: {  	v6 =	vadd.f32 v6, v11;
	v11 =	vadd.f32 v18, v12;
	v21 =	vld [tilespmem:s6+$0xFFFFFF80];
	v12 =	vmul.f32 v13, v29  }
0x261: {  	v5 =	vadd.f32 v28, v5;
	v13 =	vmul.f32 v13, v13;
	v18 =	vld [tilespmem:s23+$0xFFFFFF90];
	v8 =	vadd.f32 v20, v8  }
0x262: {  	v6 =	vadd.f32 v24, v6;
	v20 =	vld [tilespmem:s6+$0xFFFFFF90];
	v11 =	vadd.f32 v12, v11;
	v12 =	vmul.f32 v17, v14  }
0x263: {  	v10 =	vadd.f32 v23, v10;
	v9 =	vadd.f32 v13, v9;
	v13 =	vmul.f32 v14, v14;
	v22 =	vld [tilespmem:s23+$0x0]  }
0x264: {  	v6 =	vadd.f32 v16, v6;
	v14 =	vld [tilespmem:s6+$0x0];
	v11 =	vadd.f32 v12, v11;
	v12 =	vmul.f32 v17, v17  }
0x265: {  	v5 =	vadd.f32 v25, v5;
	v16 =	vmul.f32 v3, v4;
	v8 =	vadd.f32 v13, v8;
	v17 =	vld [tilespmem:s23+$0x10]  }
0x266: {  	v13 =	vmul.f32 v21, v19;
	v23 =	vld [tilespmem:s6+$0x10];
	v9 =	vadd.f32 v12, v9;
	v6 =	vadd.f32 v11, v6  }
0x267: {  	s9 =	sadd.s32 $0x40, s9;
	v12 =	vadd.f32 $0.0e+00, v16;
	v8 =	vadd.f32 v8, v10;
	v11 =	vld [tilespmem:s23+$0xFFFFFF00];
	v16 =	vmul.f32 v20, v18  }
0x268: {  	s7 =	sadd.s32 $0x40, s7;
	v10 =	vmul.f32 v7, v7;
	v13 =	vadd.f32 $0.0e+00, v13;
	v24 =	vld [tilespmem:s23+$0xFFFFFF20];
	[tilespmem:s9+$0x0] =	vst v6;
	v5 =	vadd.f32 v9, v5  }
0x269: {  	s10 =	sadd.s32 $0x40, s10;
	v4 =	vmul.f32 v4, v4;
	v6 =	vld [tilespmem:s6+$0xFFFFFF20];
	v9 =	vadd.f32 $0.0e+00, v16;
	v16 =	vmul.f32 v14, v22;
	[tilespmem:s7+$0x0] =	vst v8  }
0x26a: {  	v2 =	vadd.f32 v15, v2;
	v3 =	vmul.f32 v3, v3;
	v19 =	vmul.f32 v19, v19;
	v8 =	vld [tilespmem:s23+$0xFFFFFF30];
	[tilespmem:s10+$0x0] =	vst v5  }
0x26b: {  	v15 =	vmul.f32 v21, v21;
	v5 =	vld [tilespmem:s6+$0xFFFFFF30];
	v16 =	vadd.f32 $0.0e+00, v16;
	v21 =	vmul.f32 v23, v17  }
0x26c: {  	v0 =	vadd.f32 v1, v0;
	v7 =	vmul.f32 v7, v11;
	v11 =	vmul.f32 v11, v11;
	v25 =	vld [tilespmem:s23+$0xFFFFFFA0];
	[tilespmem:s12+$0xFFFFFFF0] =	vst v2;
	s12 =	smov.u32 s7  }
0x26d: {  	v2 =	vmul.f32 v18, v18;
	v1 =	vmul.f32 v24, v24;
	v18 =	vld [tilespmem:s6+$0xFFFFFFA0];
	v21 =	vadd.f32 $0.0e+00, v21  }
0x26e: {  	v7 =	vadd.f32 $0.0e+00, v7;
	v24 =	vmul.f32 v6, v24;
	v6 =	vmul.f32 v6, v6;
	v26 =	vld [tilespmem:s23+$0xFFFFFFB0];
	[tilespmem:s11+$0xFFFFFFF0] =	vst v0;
	s11 =	smov.u32 s10  }
0x26f: {  	v0 =	vadd.f32 v1, v11;
	v1 =	vmul.f32 v8, v8;
	v11 =	vmul.f32 v20, v20;
	v20 =	vld [tilespmem:s6+$0xFFFFFFB0]  }
0x270: {  	v7 =	vadd.f32 v24, v7;
	v8 =	vmul.f32 v5, v8;
	v5 =	vmul.f32 v5, v5;
	v24 =	vld [tilespmem:s23+$0x20]  }
0x271: {  	v22 =	vmul.f32 v22, v22;
	v6 =	vadd.f32 v6, v10;
	v10 =	vmul.f32 v25, v25;
	v27 =	vld [tilespmem:s6+$0x20]  }
0x272: {  	v8 =	vadd.f32 v8, v12;
	v12 =	vmul.f32 v18, v25;
	v18 =	vmul.f32 v18, v18;
	v25 =	vld [tilespmem:s23+$0x30]  }
0x273: {  	v14 =	vmul.f32 v14, v14;
	v1 =	vadd.f32 v1, v4;
	v4 =	vmul.f32 v26, v26;
	v28 =	vld [tilespmem:s6+$0x30]  }
0x274: {  	v29 =	vld [tilespmem:s23+$0xFFFFFF40];
	v12 =	vadd.f32 v12, v13;
	v13 =	vmul.f32 v20, v26;
	v20 =	vmul.f32 v20, v20  }
0x275: {  	v26 =	vadd.f32 v5, v3;
	v5 =	vmul.f32 v17, v17;
	v17 =	vmul.f32 v23, v23;
	v3 =	vld [tilespmem:s6+$0xFFFFFF40]  }
0x276: {  	v23 =	vld [tilespmem:s23+$0xFFFFFF50];
	v9 =	vadd.f32 v13, v9;
	v13 =	vmul.f32 v27, v24;
	v24 =	vmul.f32 v24, v24  }
0x277: {  	v10 =	vadd.f32 v10, v19;
	v19 =	vmul.f32 v27, v27;
	v30 =	vld [tilespmem:s6+$0xFFFFFF50];
	v27 =	vmul.f32 v25, v25  }
0x278: {  	v31 =	vld [tilespmem:s23+$0xFFFFFFC0];
	v13 =	vadd.f32 v13, v16;
	v16 =	vmul.f32 v28, v25;
	v25 =	vmul.f32 v28, v28  }
0x279: {  	v15 =	vadd.f32 v18, v15;
	v2 =	vadd.f32 v4, v2;
	v28 =	vmul.f32 v29, v29;
	v4 =	vld [tilespmem:s6+$0xFFFFFFC0]  }
0x27a: {  	v11 =	vadd.f32 v20, v11;
	v18 =	vmul.f32 v3, v29;
	v20 =	vld [tilespmem:s23+$0xFFFFFFD0];
	v16 =	vadd.f32 v16, v21  }
0x27b: {  	v19 =	vadd.f32 v19, v14;
	v3 =	vmul.f32 v3, v3;
	v29 =	vadd.f32 v24, v22;
	v21 =	vld [tilespmem:s6+$0xFFFFFFD0]  }
0x27c: {  	v27 =	vadd.f32 v27, v5;
	v25 =	vadd.f32 v25, v17;
	v14 =	vmul.f32 v30, v23;
	v17 =	vld [tilespmem:s23+$0x40]  }
0x27d: {  	v5 =	vmul.f32 v23, v23;
	v18 =	vadd.f32 v18, v7;
	v22 =	vmul.f32 v30, v30;
	v23 =	vld [tilespmem:s6+$0x40]  }
0x27e: {  	v30 =	vadd.f32 v14, v8;
	v7 =	vmul.f32 v4, v31;
	v8 =	vmul.f32 v31, v31;
	v14 =	vld [tilespmem:s23+$0x50]  }
0x27f: {  	v31 =	vadd.f32 v28, v0;
	v0 =	vmul.f32 v4, v4;
	v24 =	vmul.f32 v20, v20;
	v28 =	vld [tilespmem:s6+$0x50]  }
0x280: {  	v32 =	vld [tilespmem:s23+$0xFFFFFF60];
	v4 =	vadd.f32 v7, v12;
	v7 =	vmul.f32 v21, v20;
	v20 =	vmul.f32 v21, v21  }
0x281: {  	v3 =	vadd.f32 v3, v6;
	v5 =	vadd.f32 v5, v1;
	v1 =	vld [tilespmem:s6+$0xFFFFFF60];
	v21 =	vmul.f32 v17, v17  }
0x282: {  	v33 =	vld [tilespmem:s23+$0xFFFFFF70];
	v7 =	vadd.f32 v7, v9;
	v9 =	vmul.f32 v23, v17;
	v34 =	vmul.f32 v23, v23  }
0x283: {  	v6 =	vadd.f32 v22, v26;
	v8 =	vadd.f32 v8, v10;
	v26 =	vld [tilespmem:s6+$0xFFFFFF70];
	v35 =	vmul.f32 v14, v14  }
0x284: {  	v36 =	vld [tilespmem:s23+$0xFFFFFFE0];
	v10 =	vadd.f32 v9, v13;
	v13 =	vmul.f32 v28, v14;
	v28 =	vmul.f32 v28, v28  }
0x285: {  	v12 =	vadd.f32 v0, v15;
	v9 =	vadd.f32 v24, v2;
	v37 =	vmul.f32 v32, v32;
	v38 =	vld [tilespmem:s6+$0xFFFFFFE0]  }
0x286: {  	v11 =	vadd.f32 v20, v11;
	v0 =	vmul.f32 v1, v32;
	v24 =	vld [tilespmem:s23+$0xFFFFFFF0];
	v17 =	vadd.f32 v13, v16  }
.Ltmp3:
0x287: {  	v14 =	vadd.f32 v21, v29;
	v15 =	vadd.f32 v34, v19;
	v23 =	vmul.f32 v1, v1;
	v22 =	vld [tilespmem:s6+$0xFFFFFFF0];
	(pc) =	sbr.rel @p0 .LBB2_8-.Ltmp3, $4  }
0x288: {  	v16 =	vadd.f32 v35, v27;
	v13 =	vadd.f32 v28, v25;
	v1 =	vmul.f32 v26, v33;
	v21 =	vld [tilespmem:s23+$0x60]  }
0x289: {  	v28 =	vmul.f32 v33, v33;
	v19 =	vadd.f32 v0, v18;
	v25 =	vmul.f32 v26, v26;
	v2 =	vld [tilespmem:s6+$0x60]  }
0x28a: {  	v29 =	vmul.f32 v36, v36;
	v20 =	vadd.f32 v1, v30;
	v30 =	vmul.f32 v38, v36;
	v0 =	vld [tilespmem:s23+$0x70]  }
0x28b: {  	v18 =	vadd.f32 v37, v31;
	v27 =	vmul.f32 v38, v38;
	s23 =	sadd.s32 $0x200, s23;
	v26 =	vmul.f32 v24, v24;
	v1 =	vld [tilespmem:s6+$0x70]  }
0x28c: {  	v4 =	vadd.f32 v30, v4;
	v3 =	vadd.f32 v23, v3  }
0x28d: {  	v24 =	vmul.f32 v22, v24;
	v5 =	vadd.f32 v28, v5;
	v6 =	vadd.f32 v25, v6  }
0x28e: {  	v8 =	vadd.f32 v29, v8;
	v55 =	vmul.f32 v22, v22;
	v19 =	vadd.f32 v20, v19  }
0x28f: {  	v12 =	vadd.f32 v27, v12;
	v56 =	vmul.f32 v21, v21;
	v9 =	vadd.f32 v26, v9  }
0x290: {  	v7 =	vadd.f32 v24, v7;
	v53 =	vmul.f32 v2, v21;
	v58 =	vadd.f32 v55, v11  }
0x291: {  	v57 =	vmul.f32 v2, v2;
	v5 =	vadd.f32 v5, v18;
	v3 =	vadd.f32 v6, v3  }
0x292: {  	[tilespmem:s9+$0xFFFFFFD0] =	vst v19;
	v60 =	vadd.f32 v56, v14;
	v62 =	vadd.f32 v9, v8;
	v54 =	vmul.f32 v1, v0  }
0x293: {  	v59 =	vmul.f32 v0, v0;
	v10 =	vadd.f32 v53, v10;
	v4 =	vadd.f32 v7, v4;
	[tilespmem:s7+$0xFFFFFFD0] =	vst v5  }
0x294: {  	v61 =	vmul.f32 v1, v1;
	v2 =	vadd.f32 v57, v15;
	[tilespmem:s10+$0xFFFFFFD0] =	vst v3;
	v17 =	vadd.f32 v54, v17  }
0x295: {  	v63 =	vadd.f32 v58, v12;
	v0 =	vadd.f32 v59, v16;
	[tilespmem:s9+$0xFFFFFFE0] =	vst v4  }
0x296: {  	v1 =	vadd.f32 v61, v13;
	[tilespmem:s7+$0xFFFFFFE0] =	vst v62;
	v10 =	vadd.f32 v17, v10  }
0x297: {  	v0 =	vadd.f32 v0, v60;
	[tilespmem:s10+$0xFFFFFFE0] =	vst v63  }
0x298: {  	v1 =	vadd.f32 v1, v2;
	[tilespmem:s9+$0xFFFFFFF0] =	vst v10  }
0x299: {  	[tilespmem:s12+$0xFFFFFFF0] =	vst v0  }
0x29a: {  	s6 =	simm.s32 $0x11200;
	[tilespmem:s11+$0xFFFFFFF0] =	vst v1  }
0x29b: {  	[hbm4b:s15+s25] =	stream.strided.scatter [tilespmem:s6], [sflag:$0x5], $0x800, s31, s25, $0x38;
	[tilespmem:$0x16200] =	vst v63  }
0x29c: {  	s10 =	simm.s32 $0x13200  }
0x29d: {  	[hbm4b:s16+s25] =	stream.strided.scatter [tilespmem:s10], [sflag:$0x5], $0x800, s31, s25, $0x38;
	[tilespmem:$0x16200] =	vst v63  }
0x29e: {  	s11 =	simm.s32 $0x15200  }
0x29f: {  	[hbm4b:s17+s25] =	stream.strided.scatter [tilespmem:s11], [sflag:$0x5], $0x800, s31, s25, $0x38;
	[tilespmem:$0x16200] =	vst v63  }
0x2a0: {  	s12 =	simm.s32 $0x11A00  }
0x2a1: {  	[hbm4b:s18+s25] =	stream.strided.scatter [tilespmem:s12], [sflag:$0x5], $0x800, s31, s25, $0x38;
	[tilespmem:$0x16200] =	vst v63  }
0x2a2: {  	s22 =	simm.s32 $0x13A00  }
0x2a3: {  	[hbm4b:s19+s25] =	stream.strided.scatter [tilespmem:s22], [sflag:$0x5], $0x800, s31, s25, $0x38;
	[tilespmem:$0x16200] =	vst v63  }
0x2a4: {  	s23 =	simm.s32 $0x15A00  }
0x2a5: {  	[hbm4b:s20+s25] =	stream.strided.scatter [tilespmem:s23], [sflag:$0x5], $0x800, s31, s25, $0x38;
	[tilespmem:$0x16200] =	vst v63  }
0x2a6: {  	_ =	swait.ge [sflag:s24], $0x800  }
0x2a7: {  	[sflag:s24] =	ssyncset.done $0x0  }
0x2a8: {  	[sflag:s24] =	ssyncadd.s32 $0xFFFFF800  }
0x2a9: {  	_ =	swait.ge [sflag:s24], $0x800  }
0x2aa: {  	[sflag:s24] =	ssyncset.done $0x0  }
0x2ab: {  	[sflag:s24] =	ssyncadd.s32 $0xFFFFF800  }
0x2ac: {  	_ =	swait.ge [sflag:s24], $0x800  }
0x2ad: {  	[sflag:s24] =	ssyncset.done $0x0  }
0x2ae: {  	[sflag:s24] =	ssyncadd.s32 $0xFFFFF800  }
0x2af: {  	_ =	swait.ge [sflag:s24], $0x800  }
0x2b0: {  	[sflag:s24] =	ssyncset.done $0x0  }
0x2b1: {  	[sflag:s24] =	ssyncadd.s32 $0xFFFFF800  }
0x2b2: {  	_ =	swait.ge [sflag:s24], $0x800  }
0x2b3: {  	[sflag:s24] =	ssyncset.done $0x0  }
0x2b4: {  	[sflag:s24] =	ssyncadd.s32 $0xFFFFF800  }
0x2b5: {  	_ =	swait.ge [sflag:s24], $0x800  }
0x2b6: {  	[sflag:s24] =	ssyncset.done $0x0  }
0x2b7: {  	[sflag:s24] =	ssyncadd.s32 $0xFFFFF800  }
0x2b8: {  	_ =	swait.ge [sflag:s24], $0x800  }
0x2b9: {  	[sflag:s24] =	ssyncset.done $0x0  }
0x2ba: {  	[sflag:s24] =	ssyncadd.s32 $0xFFFFF800  }
0x2bb: {  	_ =	swait.ge [sflag:s24], $0x800  }
0x2bc: {  	[sflag:s24] =	ssyncset.done $0x0  }
0x2bd: {  	[sflag:s24] =	ssyncadd.s32 $0xFFFFF800  }
0x2be: {  	_ =	swait.ge [sflag:s24], $0x800  }
0x2bf: {  	[sflag:s24] =	ssyncset.done $0x0  }
0x2c0: {  	[sflag:s24] =	ssyncadd.s32 $0xFFFFF800  }
0x2c1: {  	_ =	swait.ge [sflag:s24], $0x800  }
0x2c2: {  	[sflag:s24] =	ssyncset.done $0x0  }
0x2c3: {  	s5 =	sadd.s32 $0x1, s5;
	[sflag:s24] =	ssyncadd.s32 $0xFFFFF800  }
0x2c4: {  	p0 =	sne.s32 s5, s21;
	_ =	swait.ge [sflag:s24], $0x800  }
.Ltmp4:
0x2c5: {  	[sflag:s24] =	ssyncset.done $0x0;
	(pc) =	sbr.rel @p0 .LBB2_1-.Ltmp4, $4  }
0x2c6: {  	[sflag:s24] =	ssyncadd.s32 $0xFFFFF800  }
0x2c7: {  	_ =	swait.ge [sflag:s24], $0x800  }
0x2c8: {  	[sflag:s24] =	ssyncset.done $0x0  }
0x2c9: {  	[sflag:s24] =	ssyncadd.s32 $0xFFFFF800  }
0x2ca: {  	_ =	sfence.sel $0x180000  }
0x2cb: {  	[bflag:$0x0] =	sbarrier.arrive $0xFFFF  }
0x2cc: {  	_ =	strace $0x90000047  }
0x2cd: {  	s0 =	stileid.u32;
	[bflag:$0x2] =	sbarrier.arrive $0xFFFF  }
0x2ce: {  	p0 =	sne.s32 s0, $0x0;
	s0 =	rddreg [dreg:$0x4]  }
0x2cf: {  	s0 =	sadd.s32 @!p0 $0x100000, s0  }
0x2d0: {  	[sflag:s0] =	ssyncadd.tile.s32 @!p0 $0x1;
	_ =	shalt  }
.Lfunc_end2:
_tile_overlayer_lowered:
.L_overlay_start_2:
0x2d1: {  	(tag) =	ssettag $0x2  }
0x2d2: {  	s0 =	rddreg [dreg:$0x0];
	s2 =	stileid.u32  }
0x2d3: {  	s1 =	rddreg [dreg:$0x1];
	p0 =	sne.s32 s2, $0x0  }
0x2d4: {  	s3 =	rddreg [dreg:$0x2];
	[bflag:$0x3] =	sbarrier.arrive $0xFFFF;
	s2 =	simm.s32 @!p0 $0x1C06  }
0x2d5: {  	[timem:s3], [sflag:s2] =	dma.local @!p0 [hbm:s0], s1  }
0x2d6: {  	s0 =	simm.s32 @!p0 $0x6  }
0x2d7: {  	_ =	swait.ge @!p0 [sflag:s0], s1  }
0x2d8: {  	s1 =	ssub.s32 @!p0 $0x0, s1;
	[sflag:s0] =	ssyncset.done @!p0 $0x0  }
0x2d9: {  	[sflag:s0] =	ssyncadd.s32 @!p0 s1  }
0x2da: {  	[bflag:$0x3] =	sbarrier.arrive $0xFFFF  }
0x2db: {  	_ =	shalt  }

</sc_bundles>
